<compile_context>
chip_gen: v7x
topology: tpu7x:2x2x1
jax: 0.10.2.dev20260603
libtpu: 0.0.44.dev20260713+nightly
codegen_flags: <defaults>
</compile_context>

<pallas_src>
import functools

import jax
import jax.numpy as jnp
from jax import lax
from jax.experimental import pallas as pl
from jax.experimental.pallas import tpu as pltpu
from jax.experimental.pallas import tpu_sc as plsc

N = 10000
E = 320000
D = 128
H = 128
R = 4
C = 16

NC = 2
NS = 16
B = 80
NBUF = 3
NB = 63
EPT = NB * B
EPR = E // R
EPR_PAD = NS * EPT
N_PAD = 10240
ROWS_PER_TILE = N_PAD // NS
ZCHUNKS = ROWS_PER_TILE // B


def _sc_aggregate_body(h_hbm, src_hbm, dst_hbm, zrow_hbm, out_hbm,
                       srcbuf, dstbuf, *bufs_and_sems):
    rows = bufs_and_sems[:NBUF]
    acc = bufs_and_sems[NBUF]
    gsems = bufs_and_sems[NBUF + 1:]
    c = lax.axis_index("c")
    s = lax.axis_index("s")
    for j in range(R // NC):
        r = c * (R // NC) + j
        pltpu.sync_copy(zrow_hbm, rows[0])
        zbase = s * ROWS_PER_TILE
        for kz in range(ZCHUNKS):
            pltpu.sync_copy(rows[0], acc.at[pl.ds(zbase + kz * B, B)])
        rem = ROWS_PER_TILE - ZCHUNKS * B
        if rem:
            pltpu.sync_copy(rows[0].at[pl.ds(0, rem)],
                            acc.at[pl.ds(zbase + ZCHUNKS * B, rem)])
        plsc.subcore_barrier()
        ebase = (r * NS + s) * EPT
        pltpu.sync_copy(src_hbm.at[pl.ds(ebase, EPT)], srcbuf)
        pltpu.sync_copy(dst_hbm.at[r, s], dstbuf)
        for q in range(NBUF):
            pltpu.async_copy(h_hbm.at[srcbuf.at[pl.ds(q * B, B)]],
                             rows[q], gsems[q])

        def quad(i, carry):
            for q in range(NBUF):
                k = NBUF * i + q
                pltpu.make_async_copy(h_hbm.at[srcbuf.at[pl.ds(k * B, B)]],
                                      rows[q], gsems[q]).wait()
                pltpu.sync_copy(rows[q], acc.at[dstbuf.at[k]], add=True)

                @pl.when(k + NBUF < NB)
                def _():
                    pltpu.async_copy(
                        h_hbm.at[srcbuf.at[pl.ds((k + NBUF) * B, B)]],
                        rows[q], gsems[q])

            return carry

        lax.fori_loop(0, NB // NBUF, quad, 0)
        plsc.subcore_barrier()
        pltpu.sync_copy(acc.at[pl.ds(s * ROWS_PER_TILE, ROWS_PER_TILE)],
                        out_hbm.at[r, pl.ds(s * ROWS_PER_TILE, ROWS_PER_TILE)])
        plsc.subcore_barrier()


_sc_aggregate = functools.partial(
    pl.kernel,
    out_type=jax.ShapeDtypeStruct((R, N_PAD, D), jnp.float32),
    mesh=plsc.VectorSubcoreMesh(core_axis_name="c", subcore_axis_name="s"),
    scratch_types=(
        [
            pltpu.VMEM((EPT,), jnp.int32),
            pltpu.VMEM((NB, B), jnp.int32),
        ]
        + [pltpu.VMEM((B, D), jnp.float32) for _ in range(NBUF)]
        + [pltpu.VMEM_SHARED((N_PAD, D), jnp.float32)]
        + [pltpu.SemaphoreType.DMA for _ in range(NBUF)]
    ),
)(_sc_aggregate_body)


BN = 1000


def _tc_layer_body(a_ref, h_ref, w_ref, l_ref, b_ref, o_ref):
    acc = jnp.dot(h_ref[...], l_ref[...], preferred_element_type=jnp.float32)
    for r in range(R):
        acc = acc + jnp.dot(a_ref[r], w_ref[r],
                            preferred_element_type=jnp.float32)
    o_ref[...] = jnp.maximum(acc + b_ref[...], 0.0)


def _tc_layer(A, h, W, loop, b):
    return pl.pallas_call(
        _tc_layer_body,
        grid=(N // BN,),
        in_specs=[
            pl.BlockSpec((R, BN, D), lambda i: (0, i, 0)),
            pl.BlockSpec((BN, D), lambda i: (i, 0)),
            pl.BlockSpec((R, D, H), lambda i: (0, 0, 0)),
            pl.BlockSpec((D, H), lambda i: (0, 0)),
            pl.BlockSpec((1, H), lambda i: (0, 0)),
        ],
        out_specs=pl.BlockSpec((BN, H), lambda i: (i, 0)),
        out_shape=jax.ShapeDtypeStruct((N, H), jnp.float32),
    )(A, h, W, loop, b)


def _tc_layer2_body(a_ref, h_ref, w_ref, l_ref, b_ref, wc_ref, bc_ref,
                    o_ref, m_ref):
    i = pl.program_id(0)
    acc = jnp.dot(h_ref[...], l_ref[...], preferred_element_type=jnp.float32)
    for r in range(R):
        acc = acc + jnp.dot(a_ref[r], w_ref[r],
                            preferred_element_type=jnp.float32)
    x = jnp.maximum(acc + b_ref[...], 0.0)
    bm = jnp.max(x, axis=0, keepdims=True)

    @pl.when(i == 0)
    def _():
        m_ref[...] = bm

    @pl.when(i > 0)
    def _():
        m_ref[...] = jnp.maximum(m_ref[...], bm)

    @pl.when(i == N // BN - 1)
    def _():
        o_ref[...] = jnp.dot(m_ref[...], wc_ref[...],
                             preferred_element_type=jnp.float32) + bc_ref[...]


def _tc_layer2(A, h, W, loop, b, Wc, bc):
    return pl.pallas_call(
        _tc_layer2_body,
        grid=(N // BN,),
        in_specs=[
            pl.BlockSpec((R, BN, D), lambda i: (0, i, 0)),
            pl.BlockSpec((BN, D), lambda i: (i, 0)),
            pl.BlockSpec((R, D, H), lambda i: (0, 0, 0)),
            pl.BlockSpec((D, H), lambda i: (0, 0)),
            pl.BlockSpec((1, H), lambda i: (0, 0)),
            pl.BlockSpec((H, C), lambda i: (0, 0)),
            pl.BlockSpec((1, C), lambda i: (0, 0)),
        ],
        out_specs=pl.BlockSpec((1, C), lambda i: (0, 0)),
        out_shape=jax.ShapeDtypeStruct((1, C), jnp.float32),
        scratch_shapes=[pltpu.VMEM((1, H), jnp.float32)],
    )(A, h, W, loop, b, Wc, bc)


def kernel(h, edge_index, W1, loop1, b1, W2, loop2, b2, Wc, bc):
    ei = edge_index.astype(jnp.int32)
    src4 = ei[0].reshape(EPR, R).T
    dst4 = ei[1].reshape(EPR, R).T
    src_p = jnp.pad(src4, ((0, 0), (0, EPR_PAD - EPR))).reshape(-1)
    dst_p = jnp.pad(dst4, ((0, 0), (0, EPR_PAD - EPR)),
                    constant_values=N).reshape(R, NS, NB, B)
    zrow = jnp.zeros((B, D), jnp.float32)
    b1r = b1.reshape(1, H)
    b2r = b2.reshape(1, H)
    bcr = bc.reshape(1, C)

    A1 = _sc_aggregate(h, src_p, dst_p, zrow)[:, :N, :]
    h1 = _tc_layer(A1, h, W1, loop1, b1r)
    A2 = _sc_aggregate(h1, src_p, dst_p, zrow)[:, :N, :]
    return _tc_layer2(A2, h1, W2, loop2, b2r, Wc, bcr)

# --- scband reference (transcript-rebuilt; emitter-appended) ---
"""Pipeline reference for scband-rgcnclassifier-69999376990324 (READ-ONLY COPY).

The authoritative reference and input builder live on the scoring server;
editing this copy changes nothing except your own understanding.
"""

import jax, jax.numpy as jnp
import numpy as np

N = 10000
E = 320000
D = 128
H = 128
R = 4
C = 16

def setup_inputs(seed: int = 0) -> dict:
    key = jax.random.key(seed)
    ks = jax.random.split(key, 10)
    h = jax.random.normal(ks[0], (N, D), dtype=jnp.float32)
    edge_index = jax.random.randint(ks[1], (2, E), 0, N, dtype=jnp.int64)
    W1 = jax.random.normal(ks[2], (R, D, H), dtype=jnp.float32) * 0.05
    loop1 = jax.random.normal(ks[3], (D, H), dtype=jnp.float32) * 0.05
    b1 = jnp.zeros((H,), dtype=jnp.float32)
    W2 = jax.random.normal(ks[4], (R, H, H), dtype=jnp.float32) * 0.05
    loop2 = jax.random.normal(ks[5], (H, H), dtype=jnp.float32) * 0.05
    b2 = jnp.zeros((H,), dtype=jnp.float32)
    Wc = jax.random.normal(ks[6], (H, C), dtype=jnp.float32) * 0.05
    bc = jnp.zeros((C,), dtype=jnp.float32)
    return {"h": h, "edge_index": edge_index, "W1": W1, "loop1": loop1, "b1": b1,
            "W2": W2, "loop2": loop2, "b2": b2, "Wc": Wc, "bc": bc}

def _rgcn_layer(h, edge_index, etypes, W, W_loop, b):
    # Per-relation transform of all nodes (faithful to W_{r(e)} @ h_src per edge,
    # computed node-wise then gathered per (src, etype)).
    trans = jnp.einsum('nd,rdh->nrh', h, W)          # [N, R, H]
    src = edge_index[0]
    dst = edge_index[1]
    msg = trans[src, etypes]                          # gather per edge: [E, H]
    agg = jax.ops.segment_sum(msg, dst, num_segments=h.shape[0])  # scatter-add
    return agg + h @ W_loop + b                       # self-loop + bias

def reference(h, edge_index, W1, loop1, b1, W2, loop2, b2, Wc, bc):
    etype_base = jnp.arange(R, dtype=jnp.int32)
    etypes = jnp.tile(etype_base, edge_index.shape[1] // R)  # etype.repeat(num_edges // len(etype))
    h1 = jax.nn.relu(_rgcn_layer(h, edge_index, etypes, W1, loop1, b1))
    h2 = jax.nn.relu(_rgcn_layer(h1, edge_index, etypes, W2, loop2, b2))
    pooled = jnp.max(h2, axis=0, keepdims=True)       # MaxPooling over the single graph -> [1, H]
    return pooled @ Wc + bc                           # [1, n_classes]

if __name__ == "__main__":
    import jax
    _d = setup_inputs()
    print(jax.jit(kernel)(*tuple(_d.values())))

</pallas_src>

<mosaic_0001>
#map = affine_map<(d0, d1) -> (0, 0)>
#map1 = affine_map<(d0, d1) -> (0)>
#map2 = affine_map<(d0, d1) -> (0, 0, 0, 0)>
#map3 = affine_map<(d0, d1) -> (0, 0, 0)>
module attributes {stable_mosaic.version = 14 : i64} {
  func.func @_sc_aggregate_body(%arg0: i32, %arg1: i32, %arg2: memref<10000x128xf32, #tpu.memory_space<hbm>>, %arg3: memref<322560xi32, #tpu.memory_space<hbm>>, %arg4: memref<4x16x63x80xi32, #tpu.memory_space<hbm>>, %arg5: memref<80x128xf32, #tpu.memory_space<hbm>>, %arg6: memref<4x10240x128xf32, #tpu.memory_space<hbm>>, %arg7: memref<5040xi32, #tpu.memory_space<vmem>>, %arg8: memref<63x80xi32, #tpu.memory_space<vmem>>, %arg9: memref<80x128xf32, #tpu.memory_space<vmem>>, %arg10: memref<80x128xf32, #tpu.memory_space<vmem>>, %arg11: memref<80x128xf32, #tpu.memory_space<vmem>>, %arg12: memref<10240x128xf32, #tpu.memory_space<vmem_shared>>, %arg13: memref<!tpu.dma_semaphore, #tpu.memory_space<semaphore_mem>>, %arg14: memref<!tpu.dma_semaphore, #tpu.memory_space<semaphore_mem>>, %arg15: memref<!tpu.dma_semaphore, #tpu.memory_space<semaphore_mem>>) attributes {dimension_semantics = [#tpu.dimension_semantics<core_parallel>, #tpu.dimension_semantics<subcore_parallel>], iteration_bounds = array<i64: 2, 16>, scalar_prefetch = 0 : i64, scratch_operands = 9 : i64, tpu.core_type = #tpu.core_type<sc_vector_subcore>, window_params = [{transform_indices = #map}, {transform_indices = #map1}, {transform_indices = #map2}, {transform_indices = #map}, {transform_indices = #map3}]} {
    %mul3A = arith.constant 2 : i32
    %mul3A_0 = arith.muli %arg0, %mul3A : i32
    %add3A = arith.constant 0 : i32
    %add3A_1 = arith.addi %mul3A_0, %add3A : i32
    "tpu.region"() ({
      %run_scoped3A = tpu.sem_alloc : memref<!tpu.dma_semaphore, #tpu.memory_space<semaphore_mem>>
      tpu.enqueue_dma source(%arg5 : memref<80x128xf32, #tpu.memory_space<hbm>>) target(%arg9 : memref<80x128xf32, #tpu.memory_space<vmem>>) target_semaphore(%run_scoped3A : memref<!tpu.dma_semaphore, #tpu.memory_space<semaphore_mem>>)
      tpu.wait_dma2 semaphore(%run_scoped3A : memref<!tpu.dma_semaphore, #tpu.memory_space<semaphore_mem>>) src(%arg5 : memref<80x128xf32, #tpu.memory_space<hbm>>) dst(%arg9 : memref<80x128xf32, #tpu.memory_space<vmem>>)
      tpu.yield
    }) : () -> ()
    %mul3A_2 = arith.constant 640 : i32
    %mul3A_3 = arith.muli %arg1, %mul3A_2 : i32
    %add3A_4 = arith.constant 0 : i32
    %add3A_5 = arith.addi %mul3A_3, %add3A_4 : i32
    "tpu.region"() ({
      %run_scoped3A = tpu.sem_alloc : memref<!tpu.dma_semaphore, #tpu.memory_space<semaphore_mem>>
      %dma_start3A_105 = arith.constant 0 : i32
      %dma_start3A_106 = tpu.memref_slice %arg12[%add3A_5, %dma_start3A_105] : memref<10240x128xf32, #tpu.memory_space<vmem_shared>> -> memref<80x128xf32, #tpu.memory_space<vmem_shared>>
      %dma_start3A_107 = arith.constant 0 : i32
      %dma_start3A_108 = tpu.memref_slice %arg12[%add3A_5, %dma_start3A_107] : memref<10240x128xf32, #tpu.memory_space<vmem_shared>> -> memref<80x128xf32, #tpu.memory_space<vmem_shared>>
      tpu.enqueue_dma source(%arg9 : memref<80x128xf32, #tpu.memory_space<vmem>>) target(%dma_start3A_108 : memref<80x128xf32, #tpu.memory_space<vmem_shared>>) target_semaphore(%run_scoped3A : memref<!tpu.dma_semaphore, #tpu.memory_space<semaphore_mem>>)
      %dma_wait3A = arith.constant 0 : i32
      %dma_wait3A_109 = tpu.memref_slice %arg12[%add3A_5, %dma_wait3A] : memref<10240x128xf32, #tpu.memory_space<vmem_shared>> -> memref<80x128xf32, #tpu.memory_space<vmem_shared>>
      %dma_wait3A_110 = arith.constant 0 : i32
      %dma_wait3A_111 = tpu.memref_slice %arg12[%add3A_5, %dma_wait3A_110] : memref<10240x128xf32, #tpu.memory_space<vmem_shared>> -> memref<80x128xf32, #tpu.memory_space<vmem_shared>>
      tpu.wait_dma2 semaphore(%run_scoped3A : memref<!tpu.dma_semaphore, #tpu.memory_space<semaphore_mem>>) src(%arg9 : memref<80x128xf32, #tpu.memory_space<vmem>>) dst(%dma_wait3A_111 : memref<80x128xf32, #tpu.memory_space<vmem_shared>>)
      tpu.yield
    }) : () -> ()
    %add3A_6 = arith.constant 80 : i32
    %add3A_7 = arith.addi %mul3A_3, %add3A_6 : i32
    "tpu.region"() ({
      %run_scoped3A = tpu.sem_alloc : memref<!tpu.dma_semaphore, #tpu.memory_space<semaphore_mem>>
      %dma_start3A_105 = arith.constant 0 : i32
      %dma_start3A_106 = tpu.memref_slice %arg12[%add3A_7, %dma_start3A_105] : memref<10240x128xf32, #tpu.memory_space<vmem_shared>> -> memref<80x128xf32, #tpu.memory_space<vmem_shared>>
      %dma_start3A_107 = arith.constant 0 : i32
      %dma_start3A_108 = tpu.memref_slice %arg12[%add3A_7, %dma_start3A_107] : memref<10240x128xf32, #tpu.memory_space<vmem_shared>> -> memref<80x128xf32, #tpu.memory_space<vmem_shared>>
      tpu.enqueue_dma source(%arg9 : memref<80x128xf32, #tpu.memory_space<vmem>>) target(%dma_start3A_108 : memref<80x128xf32, #tpu.memory_space<vmem_shared>>) target_semaphore(%run_scoped3A : memref<!tpu.dma_semaphore, #tpu.memory_space<semaphore_mem>>)
      %dma_wait3A = arith.constant 0 : i32
      %dma_wait3A_109 = tpu.memref_slice %arg12[%add3A_7, %dma_wait3A] : memref<10240x128xf32, #tpu.memory_space<vmem_shared>> -> memref<80x128xf32, #tpu.memory_space<vmem_shared>>
      %dma_wait3A_110 = arith.constant 0 : i32
      %dma_wait3A_111 = tpu.memref_slice %arg12[%add3A_7, %dma_wait3A_110] : memref<10240x128xf32, #tpu.memory_space<vmem_shared>> -> memref<80x128xf32, #tpu.memory_space<vmem_shared>>
      tpu.wait_dma2 semaphore(%run_scoped3A : memref<!tpu.dma_semaphore, #tpu.memory_space<semaphore_mem>>) src(%arg9 : memref<80x128xf32, #tpu.memory_space<vmem>>) dst(%dma_wait3A_111 : memref<80x128xf32, #tpu.memory_space<vmem_shared>>)
      tpu.yield
    }) : () -> ()
    %add3A_8 = arith.constant 160 : i32
    %add3A_9 = arith.addi %mul3A_3, %add3A_8 : i32
    "tpu.region"() ({
      %run_scoped3A = tpu.sem_alloc : memref<!tpu.dma_semaphore, #tpu.memory_space<semaphore_mem>>
      %dma_start3A_105 = arith.constant 0 : i32
      %dma_start3A_106 = tpu.memref_slice %arg12[%add3A_9, %dma_start3A_105] : memref<10240x128xf32, #tpu.memory_space<vmem_shared>> -> memref<80x128xf32, #tpu.memory_space<vmem_shared>>
      %dma_start3A_107 = arith.constant 0 : i32
      %dma_start3A_108 = tpu.memref_slice %arg12[%add3A_9, %dma_start3A_107] : memref<10240x128xf32, #tpu.memory_space<vmem_shared>> -> memref<80x128xf32, #tpu.memory_space<vmem_shared>>
      tpu.enqueue_dma source(%arg9 : memref<80x128xf32, #tpu.memory_space<vmem>>) target(%dma_start3A_108 : memref<80x128xf32, #tpu.memory_space<vmem_shared>>) target_semaphore(%run_scoped3A : memref<!tpu.dma_semaphore, #tpu.memory_space<semaphore_mem>>)
      %dma_wait3A = arith.constant 0 : i32
      %dma_wait3A_109 = tpu.memref_slice %arg12[%add3A_9, %dma_wait3A] : memref<10240x128xf32, #tpu.memory_space<vmem_shared>> -> memref<80x128xf32, #tpu.memory_space<vmem_shared>>
      %dma_wait3A_110 = arith.constant 0 : i32
      %dma_wait3A_111 = tpu.memref_slice %arg12[%add3A_9, %dma_wait3A_110] : memref<10240x128xf32, #tpu.memory_space<vmem_shared>> -> memref<80x128xf32, #tpu.memory_space<vmem_shared>>
      tpu.wait_dma2 semaphore(%run_scoped3A : memref<!tpu.dma_semaphore, #tpu.memory_space<semaphore_mem>>) src(%arg9 : memref<80x128xf32, #tpu.memory_space<vmem>>) dst(%dma_wait3A_111 : memref<80x128xf32, #tpu.memory_space<vmem_shared>>)
      tpu.yield
    }) : () -> ()
    %add3A_10 = arith.constant 240 : i32
    %add3A_11 = arith.addi %mul3A_3, %add3A_10 : i32
    "tpu.region"() ({
      %run_scoped3A = tpu.sem_alloc : memref<!tpu.dma_semaphore, #tpu.memory_space<semaphore_mem>>
      %dma_start3A_105 = arith.constant 0 : i32
      %dma_start3A_106 = tpu.memref_slice %arg12[%add3A_11, %dma_start3A_105] : memref<10240x128xf32, #tpu.memory_space<vmem_shared>> -> memref<80x128xf32, #tpu.memory_space<vmem_shared>>
      %dma_start3A_107 = arith.constant 0 : i32
      %dma_start3A_108 = tpu.memref_slice %arg12[%add3A_11, %dma_start3A_107] : memref<10240x128xf32, #tpu.memory_space<vmem_shared>> -> memref<80x128xf32, #tpu.memory_space<vmem_shared>>
      tpu.enqueue_dma source(%arg9 : memref<80x128xf32, #tpu.memory_space<vmem>>) target(%dma_start3A_108 : memref<80x128xf32, #tpu.memory_space<vmem_shared>>) target_semaphore(%run_scoped3A : memref<!tpu.dma_semaphore, #tpu.memory_space<semaphore_mem>>)
      %dma_wait3A = arith.constant 0 : i32
      %dma_wait3A_109 = tpu.memref_slice %arg12[%add3A_11, %dma_wait3A] : memref<10240x128xf32, #tpu.memory_space<vmem_shared>> -> memref<80x128xf32, #tpu.memory_space<vmem_shared>>
      %dma_wait3A_110 = arith.constant 0 : i32
      %dma_wait3A_111 = tpu.memref_slice %arg12[%add3A_11, %dma_wait3A_110] : memref<10240x128xf32, #tpu.memory_space<vmem_shared>> -> memref<80x128xf32, #tpu.memory_space<vmem_shared>>
      tpu.wait_dma2 semaphore(%run_scoped3A : memref<!tpu.dma_semaphore, #tpu.memory_space<semaphore_mem>>) src(%arg9 : memref<80x128xf32, #tpu.memory_space<vmem>>) dst(%dma_wait3A_111 : memref<80x128xf32, #tpu.memory_space<vmem_shared>>)
      tpu.yield
    }) : () -> ()
    %add3A_12 = arith.constant 320 : i32
    %add3A_13 = arith.addi %mul3A_3, %add3A_12 : i32
    "tpu.region"() ({
      %run_scoped3A = tpu.sem_alloc : memref<!tpu.dma_semaphore, #tpu.memory_space<semaphore_mem>>
      %dma_start3A_105 = arith.constant 0 : i32
      %dma_start3A_106 = tpu.memref_slice %arg12[%add3A_13, %dma_start3A_105] : memref<10240x128xf32, #tpu.memory_space<vmem_shared>> -> memref<80x128xf32, #tpu.memory_space<vmem_shared>>
      %dma_start3A_107 = arith.constant 0 : i32
      %dma_start3A_108 = tpu.memref_slice %arg12[%add3A_13, %dma_start3A_107] : memref<10240x128xf32, #tpu.memory_space<vmem_shared>> -> memref<80x128xf32, #tpu.memory_space<vmem_shared>>
      tpu.enqueue_dma source(%arg9 : memref<80x128xf32, #tpu.memory_space<vmem>>) target(%dma_start3A_108 : memref<80x128xf32, #tpu.memory_space<vmem_shared>>) target_semaphore(%run_scoped3A : memref<!tpu.dma_semaphore, #tpu.memory_space<semaphore_mem>>)
      %dma_wait3A = arith.constant 0 : i32
      %dma_wait3A_109 = tpu.memref_slice %arg12[%add3A_13, %dma_wait3A] : memref<10240x128xf32, #tpu.memory_space<vmem_shared>> -> memref<80x128xf32, #tpu.memory_space<vmem_shared>>
      %dma_wait3A_110 = arith.constant 0 : i32
      %dma_wait3A_111 = tpu.memref_slice %arg12[%add3A_13, %dma_wait3A_110] : memref<10240x128xf32, #tpu.memory_space<vmem_shared>> -> memref<80x128xf32, #tpu.memory_space<vmem_shared>>
      tpu.wait_dma2 semaphore(%run_scoped3A : memref<!tpu.dma_semaphore, #tpu.memory_space<semaphore_mem>>) src(%arg9 : memref<80x128xf32, #tpu.memory_space<vmem>>) dst(%dma_wait3A_111 : memref<80x128xf32, #tpu.memory_space<vmem_shared>>)
      tpu.yield
    }) : () -> ()
    %add3A_14 = arith.constant 400 : i32
    %add3A_15 = arith.addi %mul3A_3, %add3A_14 : i32
    "tpu.region"() ({
      %run_scoped3A = tpu.sem_alloc : memref<!tpu.dma_semaphore, #tpu.memory_space<semaphore_mem>>
      %dma_start3A_105 = arith.constant 0 : i32
      %dma_start3A_106 = tpu.memref_slice %arg12[%add3A_15, %dma_start3A_105] : memref<10240x128xf32, #tpu.memory_space<vmem_shared>> -> memref<80x128xf32, #tpu.memory_space<vmem_shared>>
      %dma_start3A_107 = arith.constant 0 : i32
      %dma_start3A_108 = tpu.memref_slice %arg12[%add3A_15, %dma_start3A_107] : memref<10240x128xf32, #tpu.memory_space<vmem_shared>> -> memref<80x128xf32, #tpu.memory_space<vmem_shared>>
      tpu.enqueue_dma source(%arg9 : memref<80x128xf32, #tpu.memory_space<vmem>>) target(%dma_start3A_108 : memref<80x128xf32, #tpu.memory_space<vmem_shared>>) target_semaphore(%run_scoped3A : memref<!tpu.dma_semaphore, #tpu.memory_space<semaphore_mem>>)
      %dma_wait3A = arith.constant 0 : i32
      %dma_wait3A_109 = tpu.memref_slice %arg12[%add3A_15, %dma_wait3A] : memref<10240x128xf32, #tpu.memory_space<vmem_shared>> -> memref<80x128xf32, #tpu.memory_space<vmem_shared>>
      %dma_wait3A_110 = arith.constant 0 : i32
      %dma_wait3A_111 = tpu.memref_slice %arg12[%add3A_15, %dma_wait3A_110] : memref<10240x128xf32, #tpu.memory_space<vmem_shared>> -> memref<80x128xf32, #tpu.memory_space<vmem_shared>>
      tpu.wait_dma2 semaphore(%run_scoped3A : memref<!tpu.dma_semaphore, #tpu.memory_space<semaphore_mem>>) src(%arg9 : memref<80x128xf32, #tpu.memory_space<vmem>>) dst(%dma_wait3A_111 : memref<80x128xf32, #tpu.memory_space<vmem_shared>>)
      tpu.yield
    }) : () -> ()
    %add3A_16 = arith.constant 480 : i32
    %add3A_17 = arith.addi %mul3A_3, %add3A_16 : i32
    "tpu.region"() ({
      %run_scoped3A = tpu.sem_alloc : memref<!tpu.dma_semaphore, #tpu.memory_space<semaphore_mem>>
      %dma_start3A_105 = arith.constant 0 : i32
      %dma_start3A_106 = tpu.memref_slice %arg12[%add3A_17, %dma_start3A_105] : memref<10240x128xf32, #tpu.memory_space<vmem_shared>> -> memref<80x128xf32, #tpu.memory_space<vmem_shared>>
      %dma_start3A_107 = arith.constant 0 : i32
      %dma_start3A_108 = tpu.memref_slice %arg12[%add3A_17, %dma_start3A_107] : memref<10240x128xf32, #tpu.memory_space<vmem_shared>> -> memref<80x128xf32, #tpu.memory_space<vmem_shared>>
      tpu.enqueue_dma source(%arg9 : memref<80x128xf32, #tpu.memory_space<vmem>>) target(%dma_start3A_108 : memref<80x128xf32, #tpu.memory_space<vmem_shared>>) target_semaphore(%run_scoped3A : memref<!tpu.dma_semaphore, #tpu.memory_space<semaphore_mem>>)
      %dma_wait3A = arith.constant 0 : i32
      %dma_wait3A_109 = tpu.memref_slice %arg12[%add3A_17, %dma_wait3A] : memref<10240x128xf32, #tpu.memory_space<vmem_shared>> -> memref<80x128xf32, #tpu.memory_space<vmem_shared>>
      %dma_wait3A_110 = arith.constant 0 : i32
      %dma_wait3A_111 = tpu.memref_slice %arg12[%add3A_17, %dma_wait3A_110] : memref<10240x128xf32, #tpu.memory_space<vmem_shared>> -> memref<80x128xf32, #tpu.memory_space<vmem_shared>>
      tpu.wait_dma2 semaphore(%run_scoped3A : memref<!tpu.dma_semaphore, #tpu.memory_space<semaphore_mem>>) src(%arg9 : memref<80x128xf32, #tpu.memory_space<vmem>>) dst(%dma_wait3A_111 : memref<80x128xf32, #tpu.memory_space<vmem_shared>>)
      tpu.yield
    }) : () -> ()
    %add3A_18 = arith.constant 560 : i32
    %add3A_19 = arith.addi %mul3A_3, %add3A_18 : i32
    "tpu.region"() ({
      %run_scoped3A = tpu.sem_alloc : memref<!tpu.dma_semaphore, #tpu.memory_space<semaphore_mem>>
      %dma_start3A_105 = arith.constant 0 : i32
      %dma_start3A_106 = tpu.memref_slice %arg12[%add3A_19, %dma_start3A_105] : memref<10240x128xf32, #tpu.memory_space<vmem_shared>> -> memref<80x128xf32, #tpu.memory_space<vmem_shared>>
      %dma_start3A_107 = arith.constant 0 : i32
      %dma_start3A_108 = tpu.memref_slice %arg12[%add3A_19, %dma_start3A_107] : memref<10240x128xf32, #tpu.memory_space<vmem_shared>> -> memref<80x128xf32, #tpu.memory_space<vmem_shared>>
      tpu.enqueue_dma source(%arg9 : memref<80x128xf32, #tpu.memory_space<vmem>>) target(%dma_start3A_108 : memref<80x128xf32, #tpu.memory_space<vmem_shared>>) target_semaphore(%run_scoped3A : memref<!tpu.dma_semaphore, #tpu.memory_space<semaphore_mem>>)
      %dma_wait3A = arith.constant 0 : i32
      %dma_wait3A_109 = tpu.memref_slice %arg12[%add3A_19, %dma_wait3A] : memref<10240x128xf32, #tpu.memory_space<vmem_shared>> -> memref<80x128xf32, #tpu.memory_space<vmem_shared>>
      %dma_wait3A_110 = arith.constant 0 : i32
      %dma_wait3A_111 = tpu.memref_slice %arg12[%add3A_19, %dma_wait3A_110] : memref<10240x128xf32, #tpu.memory_space<vmem_shared>> -> memref<80x128xf32, #tpu.memory_space<vmem_shared>>
      tpu.wait_dma2 semaphore(%run_scoped3A : memref<!tpu.dma_semaphore, #tpu.memory_space<semaphore_mem>>) src(%arg9 : memref<80x128xf32, #tpu.memory_space<vmem>>) dst(%dma_wait3A_111 : memref<80x128xf32, #tpu.memory_space<vmem_shared>>)
      tpu.yield
    }) : () -> ()
    %barrier3A = arith.constant 0 : index
    tpu.barrier barrier_id(%barrier3A)
    %mul3A_20 = arith.constant 16 : i32
    %mul3A_21 = arith.muli %add3A_1, %mul3A_20 : i32
    %add3A_22 = arith.addi %mul3A_21, %arg1 : i32
    %mul3A_23 = arith.constant 5040 : i32
    %mul3A_24 = arith.muli %add3A_22, %mul3A_23 : i32
    "tpu.region"() ({
      %run_scoped3A = tpu.sem_alloc : memref<!tpu.dma_semaphore, #tpu.memory_space<semaphore_mem>>
      %dma_start3A_105 = tpu.memref_slice %arg3[%mul3A_24] : memref<322560xi32, #tpu.memory_space<hbm>> -> memref<5040xi32, #tpu.memory_space<hbm>>
      %dma_start3A_106 = tpu.memref_slice %arg3[%mul3A_24] : memref<322560xi32, #tpu.memory_space<hbm>> -> memref<5040xi32, #tpu.memory_space<hbm>>
      tpu.enqueue_dma source(%dma_start3A_106 : memref<5040xi32, #tpu.memory_space<hbm>>) target(%arg7 : memref<5040xi32, #tpu.memory_space<vmem>>) target_semaphore(%run_scoped3A : memref<!tpu.dma_semaphore, #tpu.memory_space<semaphore_mem>>)
      %dma_wait3A = tpu.memref_slice %arg3[%mul3A_24] : memref<322560xi32, #tpu.memory_space<hbm>> -> memref<5040xi32, #tpu.memory_space<hbm>>
      %dma_wait3A_107 = tpu.memref_slice %arg3[%mul3A_24] : memref<322560xi32, #tpu.memory_space<hbm>> -> memref<5040xi32, #tpu.memory_space<hbm>>
      tpu.wait_dma2 semaphore(%run_scoped3A : memref<!tpu.dma_semaphore, #tpu.memory_space<semaphore_mem>>) src(%dma_wait3A_107 : memref<5040xi32, #tpu.memory_space<hbm>>) dst(%arg7 : memref<5040xi32, #tpu.memory_space<vmem>>)
      tpu.yield
    }) : () -> ()
    "tpu.region"() ({
      %run_scoped3A = tpu.sem_alloc : memref<!tpu.dma_semaphore, #tpu.memory_space<semaphore_mem>>
      %dma_start3A_105 = arith.constant 0 : i32
      %dma_start3A_106 = arith.constant 0 : i32
      %dma_start3A_107 = tpu.memref_slice %arg4[%add3A_1, %arg1, %dma_start3A_105, %dma_start3A_106] : memref<4x16x63x80xi32, #tpu.memory_space<hbm>> -> memref<1x1x63x80xi32, #tpu.memory_space<hbm>>
      %dma_start3A_108 = tpu.memref_squeeze %dma_start3A_107 : memref<1x1x63x80xi32, #tpu.memory_space<hbm>> -> memref<63x80xi32, #tpu.memory_space<hbm>>
      %dma_start3A_109 = arith.constant 0 : i32
      %dma_start3A_110 = arith.constant 0 : i32
      %dma_start3A_111 = tpu.memref_slice %arg4[%add3A_1, %arg1, %dma_start3A_109, %dma_start3A_110] : memref<4x16x63x80xi32, #tpu.memory_space<hbm>> -> memref<1x1x63x80xi32, #tpu.memory_space<hbm>>
      %dma_start3A_112 = tpu.memref_squeeze %dma_start3A_111 : memref<1x1x63x80xi32, #tpu.memory_space<hbm>> -> memref<63x80xi32, #tpu.memory_space<hbm>>
      tpu.enqueue_dma source(%dma_start3A_112 : memref<63x80xi32, #tpu.memory_space<hbm>>) target(%arg8 : memref<63x80xi32, #tpu.memory_space<vmem>>) target_semaphore(%run_scoped3A : memref<!tpu.dma_semaphore, #tpu.memory_space<semaphore_mem>>)
      %dma_wait3A = arith.constant 0 : i32
      %dma_wait3A_113 = arith.constant 0 : i32
      %dma_wait3A_114 = tpu.memref_slice %arg4[%add3A_1, %arg1, %dma_wait3A, %dma_wait3A_113] : memref<4x16x63x80xi32, #tpu.memory_space<hbm>> -> memref<1x1x63x80xi32, #tpu.memory_space<hbm>>
      %dma_wait3A_115 = tpu.memref_squeeze %dma_wait3A_114 : memref<1x1x63x80xi32, #tpu.memory_space<hbm>> -> memref<63x80xi32, #tpu.memory_space<hbm>>
      %dma_wait3A_116 = arith.constant 0 : i32
      %dma_wait3A_117 = arith.constant 0 : i32
      %dma_wait3A_118 = tpu.memref_slice %arg4[%add3A_1, %arg1, %dma_wait3A_116, %dma_wait3A_117] : memref<4x16x63x80xi32, #tpu.memory_space<hbm>> -> memref<1x1x63x80xi32, #tpu.memory_space<hbm>>
      %dma_wait3A_119 = tpu.memref_squeeze %dma_wait3A_118 : memref<1x1x63x80xi32, #tpu.memory_space<hbm>> -> memref<63x80xi32, #tpu.memory_space<hbm>>
      tpu.wait_dma2 semaphore(%run_scoped3A : memref<!tpu.dma_semaphore, #tpu.memory_space<semaphore_mem>>) src(%dma_wait3A_119 : memref<63x80xi32, #tpu.memory_space<hbm>>) dst(%arg8 : memref<63x80xi32, #tpu.memory_space<vmem>>)
      tpu.yield
    }) : () -> ()
    %dma_start3A = arith.constant 0 : i32
    %dma_start3A_25 = tpu.memref_slice %arg7[%dma_start3A] : memref<5040xi32, #tpu.memory_space<vmem>> -> memref<80xi32, #tpu.memory_space<vmem>>
    %dma_start3A_26 = arith.constant 0 : i32
    %dma_start3A_27 = arith.constant 0 : i32
    %dma_start3A_28 = tpu.memref_slice %arg2[%dma_start3A_26, %dma_start3A_27] : memref<10000x128xf32, #tpu.memory_space<hbm>> -> memref<10000x128xf32, #tpu.memory_space<hbm>>
    tpu.enqueue_indirect_dma source(%dma_start3A_28 : memref<10000x128xf32, #tpu.memory_space<hbm>>) target(%arg9 : memref<80x128xf32, #tpu.memory_space<vmem>>) offsets(%dma_start3A_25 : memref<80xi32, #tpu.memory_space<vmem>>) semaphore(%arg13 : memref<!tpu.dma_semaphore, #tpu.memory_space<semaphore_mem>>)
    %dma_start3A_29 = arith.constant 80 : i32
    %dma_start3A_30 = tpu.memref_slice %arg7[%dma_start3A_29] : memref<5040xi32, #tpu.memory_space<vmem>> -> memref<80xi32, #tpu.memory_space<vmem>>
    %dma_start3A_31 = arith.constant 0 : i32
    %dma_start3A_32 = arith.constant 0 : i32
    %dma_start3A_33 = tpu.memref_slice %arg2[%dma_start3A_31, %dma_start3A_32] : memref<10000x128xf32, #tpu.memory_space<hbm>> -> memref<10000x128xf32, #tpu.memory_space<hbm>>
    tpu.enqueue_indirect_dma source(%dma_start3A_33 : memref<10000x128xf32, #tpu.memory_space<hbm>>) target(%arg10 : memref<80x128xf32, #tpu.memory_space<vmem>>) offsets(%dma_start3A_30 : memref<80xi32, #tpu.memory_space<vmem>>) semaphore(%arg14 : memref<!tpu.dma_semaphore, #tpu.memory_space<semaphore_mem>>)
    %dma_start3A_34 = arith.constant 160 : i32
    %dma_start3A_35 = tpu.memref_slice %arg7[%dma_start3A_34] : memref<5040xi32, #tpu.memory_space<vmem>> -> memref<80xi32, #tpu.memory_space<vmem>>
    %dma_start3A_36 = arith.constant 0 : i32
    %dma_start3A_37 = arith.constant 0 : i32
    %dma_start3A_38 = tpu.memref_slice %arg2[%dma_start3A_36, %dma_start3A_37] : memref<10000x128xf32, #tpu.memory_space<hbm>> -> memref<10000x128xf32, #tpu.memory_space<hbm>>
    tpu.enqueue_indirect_dma source(%dma_start3A_38 : memref<10000x128xf32, #tpu.memory_space<hbm>>) target(%arg11 : memref<80x128xf32, #tpu.memory_space<vmem>>) offsets(%dma_start3A_35 : memref<80xi32, #tpu.memory_space<vmem>>) semaphore(%arg15 : memref<!tpu.dma_semaphore, #tpu.memory_space<semaphore_mem>>)
    %scan3A = arith.constant 0 : i32
    %scan3A_39 = arith.constant 0 : i32
    %scan3A_40 = arith.constant 21 : i32
    %scan3A_41 = arith.addi %scan3A_39, %scan3A_40 : i32
    %scan3A_42 = arith.constant 1 : i32
    scf.for %scan3A_105 = %scan3A_39 to %scan3A_41 step %scan3A_42  : i32 {
      %mul3A_106 = arith.constant 3 : i32
      %mul3A_107 = arith.muli %mul3A_106, %scan3A_105 : i32
      %add3A_108 = arith.constant 0 : i32
      %add3A_109 = arith.addi %mul3A_107, %add3A_108 : i32
      %mul3A_110 = arith.constant 80 : i32
      %mul3A_111 = arith.muli %add3A_109, %mul3A_110 : i32
      %dma_wait3A = tpu.memref_slice %arg7[%mul3A_111] : memref<5040xi32, #tpu.memory_space<vmem>> -> memref<80xi32, #tpu.memory_space<vmem>>
      %dma_wait3A_112 = arith.constant 0 : i32
      %dma_wait3A_113 = arith.constant 0 : i32
      %dma_wait3A_114 = tpu.memref_slice %arg2[%dma_wait3A_112, %dma_wait3A_113] : memref<10000x128xf32, #tpu.memory_space<hbm>> -> memref<10000x128xf32, #tpu.memory_space<hbm>>
      tpu.wait_indirect_dma semaphore(%arg13 : memref<!tpu.dma_semaphore, #tpu.memory_space<semaphore_mem>>) src(%dma_wait3A_114 : memref<10000x128xf32, #tpu.memory_space<hbm>>) dst(%arg9 : memref<80x128xf32, #tpu.memory_space<vmem>>)
      "tpu.region"() ({
        %run_scoped3A = tpu.sem_alloc : memref<!tpu.dma_semaphore, #tpu.memory_space<semaphore_mem>>
        %dma_start3A_153 = arith.constant 0 : i32
        %dma_start3A_154 = tpu.memref_slice %arg8[%add3A_109, %dma_start3A_153] : memref<63x80xi32, #tpu.memory_space<vmem>> -> memref<1x80xi32, #tpu.memory_space<vmem>>
        %dma_start3A_155 = tpu.memref_squeeze %dma_start3A_154 : memref<1x80xi32, #tpu.memory_space<vmem>> -> memref<80xi32, #tpu.memory_space<vmem>>
        %dma_start3A_156 = arith.constant 0 : i32
        %dma_start3A_157 = arith.constant 0 : i32
        %dma_start3A_158 = tpu.memref_slice %arg12[%dma_start3A_156, %dma_start3A_157] : memref<10240x128xf32, #tpu.memory_space<vmem_shared>> -> memref<10240x128xf32, #tpu.memory_space<vmem_shared>>
        tpu.enqueue_indirect_dma source(%arg9 : memref<80x128xf32, #tpu.memory_space<vmem>>) target(%dma_start3A_158 : memref<10240x128xf32, #tpu.memory_space<vmem_shared>>) offsets(%dma_start3A_155 : memref<80xi32, #tpu.memory_space<vmem>>) semaphore(%run_scoped3A : memref<!tpu.dma_semaphore, #tpu.memory_space<semaphore_mem>>) {add = true}
        %dma_wait3A_159 = arith.constant 0 : i32
        %dma_wait3A_160 = tpu.memref_slice %arg8[%add3A_109, %dma_wait3A_159] : memref<63x80xi32, #tpu.memory_space<vmem>> -> memref<1x80xi32, #tpu.memory_space<vmem>>
        %dma_wait3A_161 = tpu.memref_squeeze %dma_wait3A_160 : memref<1x80xi32, #tpu.memory_space<vmem>> -> memref<80xi32, #tpu.memory_space<vmem>>
        %dma_wait3A_162 = arith.constant 0 : i32
        %dma_wait3A_163 = arith.constant 0 : i32
        %dma_wait3A_164 = tpu.memref_slice %arg12[%dma_wait3A_162, %dma_wait3A_163] : memref<10240x128xf32, #tpu.memory_space<vmem_shared>> -> memref<10240x128xf32, #tpu.memory_space<vmem_shared>>
        tpu.wait_indirect_dma semaphore(%run_scoped3A : memref<!tpu.dma_semaphore, #tpu.memory_space<semaphore_mem>>) src(%arg9 : memref<80x128xf32, #tpu.memory_space<vmem>>) dst(%dma_wait3A_164 : memref<10240x128xf32, #tpu.memory_space<vmem_shared>>)
        tpu.yield
      }) : () -> ()
      %add3A_115 = arith.constant 3 : i32
      %add3A_116 = arith.addi %add3A_109, %add3A_115 : i32
      %lt3A = arith.constant 63 : i32
      %lt3A_117 = arith.cmpi slt, %add3A_116, %lt3A : i32
      %convert_element_type3A = arith.extui %lt3A_117 : i1 to i32
      %cond3A = arith.constant 0 : i32
      %cond3A_118 = arith.cmpi ne, %convert_element_type3A, %cond3A : i32
      scf.if %cond3A_118 {
        %add3A_153 = arith.constant 3 : i32
        %add3A_154 = arith.addi %add3A_109, %add3A_153 : i32
        %mul3A_155 = arith.constant 80 : i32
        %mul3A_156 = arith.muli %add3A_154, %mul3A_155 : i32
        %dma_start3A_157 = tpu.memref_slice %arg7[%mul3A_156] : memref<5040xi32, #tpu.memory_space<vmem>> -> memref<80xi32, #tpu.memory_space<vmem>>
        %dma_start3A_158 = arith.constant 0 : i32
        %dma_start3A_159 = arith.constant 0 : i32
        %dma_start3A_160 = tpu.memref_slice %arg2[%dma_start3A_158, %dma_start3A_159] : memref<10000x128xf32, #tpu.memory_space<hbm>> -> memref<10000x128xf32, #tpu.memory_space<hbm>>
        tpu.enqueue_indirect_dma source(%dma_start3A_160 : memref<10000x128xf32, #tpu.memory_space<hbm>>) target(%arg9 : memref<80x128xf32, #tpu.memory_space<vmem>>) offsets(%dma_start3A_157 : memref<80xi32, #tpu.memory_space<vmem>>) semaphore(%arg13 : memref<!tpu.dma_semaphore, #tpu.memory_space<semaphore_mem>>)
      } else {
      }
      %mul3A_119 = arith.constant 3 : i32
      %mul3A_120 = arith.muli %mul3A_119, %scan3A_105 : i32
      %add3A_121 = arith.constant 1 : i32
      %add3A_122 = arith.addi %mul3A_120, %add3A_121 : i32
      %mul3A_123 = arith.constant 80 : i32
      %mul3A_124 = arith.muli %add3A_122, %mul3A_123 : i32
      %dma_wait3A_125 = tpu.memref_slice %arg7[%mul3A_124] : memref<5040xi32, #tpu.memory_space<vmem>> -> memref<80xi32, #tpu.memory_space<vmem>>
      %dma_wait3A_126 = arith.constant 0 : i32
      %dma_wait3A_127 = arith.constant 0 : i32
      %dma_wait3A_128 = tpu.memref_slice %arg2[%dma_wait3A_126, %dma_wait3A_127] : memref<10000x128xf32, #tpu.memory_space<hbm>> -> memref<10000x128xf32, #tpu.memory_space<hbm>>
      tpu.wait_indirect_dma semaphore(%arg14 : memref<!tpu.dma_semaphore, #tpu.memory_space<semaphore_mem>>) src(%dma_wait3A_128 : memref<10000x128xf32, #tpu.memory_space<hbm>>) dst(%arg10 : memref<80x128xf32, #tpu.memory_space<vmem>>)
      "tpu.region"() ({
        %run_scoped3A = tpu.sem_alloc : memref<!tpu.dma_semaphore, #tpu.memory_space<semaphore_mem>>
        %dma_start3A_153 = arith.constant 0 : i32
        %dma_start3A_154 = tpu.memref_slice %arg8[%add3A_122, %dma_start3A_153] : memref<63x80xi32, #tpu.memory_space<vmem>> -> memref<1x80xi32, #tpu.memory_space<vmem>>
        %dma_start3A_155 = tpu.memref_squeeze %dma_start3A_154 : memref<1x80xi32, #tpu.memory_space<vmem>> -> memref<80xi32, #tpu.memory_space<vmem>>
        %dma_start3A_156 = arith.constant 0 : i32
        %dma_start3A_157 = arith.constant 0 : i32
        %dma_start3A_158 = tpu.memref_slice %arg12[%dma_start3A_156, %dma_start3A_157] : memref<10240x128xf32, #tpu.memory_space<vmem_shared>> -> memref<10240x128xf32, #tpu.memory_space<vmem_shared>>
        tpu.enqueue_indirect_dma source(%arg10 : memref<80x128xf32, #tpu.memory_space<vmem>>) target(%dma_start3A_158 : memref<10240x128xf32, #tpu.memory_space<vmem_shared>>) offsets(%dma_start3A_155 : memref<80xi32, #tpu.memory_space<vmem>>) semaphore(%run_scoped3A : memref<!tpu.dma_semaphore, #tpu.memory_space<semaphore_mem>>) {add = true}
        %dma_wait3A_159 = arith.constant 0 : i32
        %dma_wait3A_160 = tpu.memref_slice %arg8[%add3A_122, %dma_wait3A_159] : memref<63x80xi32, #tpu.memory_space<vmem>> -> memref<1x80xi32, #tpu.memory_space<vmem>>
        %dma_wait3A_161 = tpu.memref_squeeze %dma_wait3A_160 : memref<1x80xi32, #tpu.memory_space<vmem>> -> memref<80xi32, #tpu.memory_space<vmem>>
        %dma_wait3A_162 = arith.constant 0 : i32
        %dma_wait3A_163 = arith.constant 0 : i32
        %dma_wait3A_164 = tpu.memref_slice %arg12[%dma_wait3A_162, %dma_wait3A_163] : memref<10240x128xf32, #tpu.memory_space<vmem_shared>> -> memref<10240x128xf32, #tpu.memory_space<vmem_shared>>
        tpu.wait_indirect_dma semaphore(%run_scoped3A : memref<!tpu.dma_semaphore, #tpu.memory_space<semaphore_mem>>) src(%arg10 : memref<80x128xf32, #tpu.memory_space<vmem>>) dst(%dma_wait3A_164 : memref<10240x128xf32, #tpu.memory_space<vmem_shared>>)
        tpu.yield
      }) : () -> ()
      %add3A_129 = arith.constant 3 : i32
      %add3A_130 = arith.addi %add3A_122, %add3A_129 : i32
      %lt3A_131 = arith.constant 63 : i32
      %lt3A_132 = arith.cmpi slt, %add3A_130, %lt3A_131 : i32
      %convert_element_type3A_133 = arith.extui %lt3A_132 : i1 to i32
      %cond3A_134 = arith.constant 0 : i32
      %cond3A_135 = arith.cmpi ne, %convert_element_type3A_133, %cond3A_134 : i32
      scf.if %cond3A_135 {
        %add3A_153 = arith.constant 3 : i32
        %add3A_154 = arith.addi %add3A_122, %add3A_153 : i32
        %mul3A_155 = arith.constant 80 : i32
        %mul3A_156 = arith.muli %add3A_154, %mul3A_155 : i32
        %dma_start3A_157 = tpu.memref_slice %arg7[%mul3A_156] : memref<5040xi32, #tpu.memory_space<vmem>> -> memref<80xi32, #tpu.memory_space<vmem>>
        %dma_start3A_158 = arith.constant 0 : i32
        %dma_start3A_159 = arith.constant 0 : i32
        %dma_start3A_160 = tpu.memref_slice %arg2[%dma_start3A_158, %dma_start3A_159] : memref<10000x128xf32, #tpu.memory_space<hbm>> -> memref<10000x128xf32, #tpu.memory_space<hbm>>
        tpu.enqueue_indirect_dma source(%dma_start3A_160 : memref<10000x128xf32, #tpu.memory_space<hbm>>) target(%arg10 : memref<80x128xf32, #tpu.memory_space<vmem>>) offsets(%dma_start3A_157 : memref<80xi32, #tpu.memory_space<vmem>>) semaphore(%arg14 : memref<!tpu.dma_semaphore, #tpu.memory_space<semaphore_mem>>)
      } else {
      }
      %mul3A_136 = arith.constant 3 : i32
      %mul3A_137 = arith.muli %mul3A_136, %scan3A_105 : i32
      %add3A_138 = arith.constant 2 : i32
      %add3A_139 = arith.addi %mul3A_137, %add3A_138 : i32
      %mul3A_140 = arith.constant 80 : i32
      %mul3A_141 = arith.muli %add3A_139, %mul3A_140 : i32
      %dma_wait3A_142 = tpu.memref_slice %arg7[%mul3A_141] : memref<5040xi32, #tpu.memory_space<vmem>> -> memref<80xi32, #tpu.memory_space<vmem>>
      %dma_wait3A_143 = arith.constant 0 : i32
      %dma_wait3A_144 = arith.constant 0 : i32
      %dma_wait3A_145 = tpu.memref_slice %arg2[%dma_wait3A_143, %dma_wait3A_144] : memref<10000x128xf32, #tpu.memory_space<hbm>> -> memref<10000x128xf32, #tpu.memory_space<hbm>>
      tpu.wait_indirect_dma semaphore(%arg15 : memref<!tpu.dma_semaphore, #tpu.memory_space<semaphore_mem>>) src(%dma_wait3A_145 : memref<10000x128xf32, #tpu.memory_space<hbm>>) dst(%arg11 : memref<80x128xf32, #tpu.memory_space<vmem>>)
      "tpu.region"() ({
        %run_scoped3A = tpu.sem_alloc : memref<!tpu.dma_semaphore, #tpu.memory_space<semaphore_mem>>
        %dma_start3A_153 = arith.constant 0 : i32
        %dma_start3A_154 = tpu.memref_slice %arg8[%add3A_139, %dma_start3A_153] : memref<63x80xi32, #tpu.memory_space<vmem>> -> memref<1x80xi32, #tpu.memory_space<vmem>>
        %dma_start3A_155 = tpu.memref_squeeze %dma_start3A_154 : memref<1x80xi32, #tpu.memory_space<vmem>> -> memref<80xi32, #tpu.memory_space<vmem>>
        %dma_start3A_156 = arith.constant 0 : i32
        %dma_start3A_157 = arith.constant 0 : i32
        %dma_start3A_158 = tpu.memref_slice %arg12[%dma_start3A_156, %dma_start3A_157] : memref<10240x128xf32, #tpu.memory_space<vmem_shared>> -> memref<10240x128xf32, #tpu.memory_space<vmem_shared>>
        tpu.enqueue_indirect_dma source(%arg11 : memref<80x128xf32, #tpu.memory_space<vmem>>) target(%dma_start3A_158 : memref<10240x128xf32, #tpu.memory_space<vmem_shared>>) offsets(%dma_start3A_155 : memref<80xi32, #tpu.memory_space<vmem>>) semaphore(%run_scoped3A : memref<!tpu.dma_semaphore, #tpu.memory_space<semaphore_mem>>) {add = true}
        %dma_wait3A_159 = arith.constant 0 : i32
        %dma_wait3A_160 = tpu.memref_slice %arg8[%add3A_139, %dma_wait3A_159] : memref<63x80xi32, #tpu.memory_space<vmem>> -> memref<1x80xi32, #tpu.memory_space<vmem>>
        %dma_wait3A_161 = tpu.memref_squeeze %dma_wait3A_160 : memref<1x80xi32, #tpu.memory_space<vmem>> -> memref<80xi32, #tpu.memory_space<vmem>>
        %dma_wait3A_162 = arith.constant 0 : i32
        %dma_wait3A_163 = arith.constant 0 : i32
        %dma_wait3A_164 = tpu.memref_slice %arg12[%dma_wait3A_162, %dma_wait3A_163] : memref<10240x128xf32, #tpu.memory_space<vmem_shared>> -> memref<10240x128xf32, #tpu.memory_space<vmem_shared>>
        tpu.wait_indirect_dma semaphore(%run_scoped3A : memref<!tpu.dma_semaphore, #tpu.memory_space<semaphore_mem>>) src(%arg11 : memref<80x128xf32, #tpu.memory_space<vmem>>) dst(%dma_wait3A_164 : memref<10240x128xf32, #tpu.memory_space<vmem_shared>>)
        tpu.yield
      }) : () -> ()
      %add3A_146 = arith.constant 3 : i32
      %add3A_147 = arith.addi %add3A_139, %add3A_146 : i32
      %lt3A_148 = arith.constant 63 : i32
      %lt3A_149 = arith.cmpi slt, %add3A_147, %lt3A_148 : i32
      %convert_element_type3A_150 = arith.extui %lt3A_149 : i1 to i32
      %cond3A_151 = arith.constant 0 : i32
      %cond3A_152 = arith.cmpi ne, %convert_element_type3A_150, %cond3A_151 : i32
      scf.if %cond3A_152 {
        %add3A_153 = arith.constant 3 : i32
        %add3A_154 = arith.addi %add3A_139, %add3A_153 : i32
        %mul3A_155 = arith.constant 80 : i32
        %mul3A_156 = arith.muli %add3A_154, %mul3A_155 : i32
        %dma_start3A_157 = tpu.memref_slice %arg7[%mul3A_156] : memref<5040xi32, #tpu.memory_space<vmem>> -> memref<80xi32, #tpu.memory_space<vmem>>
        %dma_start3A_158 = arith.constant 0 : i32
        %dma_start3A_159 = arith.constant 0 : i32
        %dma_start3A_160 = tpu.memref_slice %arg2[%dma_start3A_158, %dma_start3A_159] : memref<10000x128xf32, #tpu.memory_space<hbm>> -> memref<10000x128xf32, #tpu.memory_space<hbm>>
        tpu.enqueue_indirect_dma source(%dma_start3A_160 : memref<10000x128xf32, #tpu.memory_space<hbm>>) target(%arg11 : memref<80x128xf32, #tpu.memory_space<vmem>>) offsets(%dma_start3A_157 : memref<80xi32, #tpu.memory_space<vmem>>) semaphore(%arg15 : memref<!tpu.dma_semaphore, #tpu.memory_space<semaphore_mem>>)
      } else {
      }
    }
    %scan3A_43 = arith.constant 21 : i32
    %barrier3A_44 = arith.constant 0 : index
    tpu.barrier barrier_id(%barrier3A_44)
    %mul3A_45 = arith.constant 640 : i32
    %mul3A_46 = arith.muli %arg1, %mul3A_45 : i32
    %mul3A_47 = arith.constant 640 : i32
    %mul3A_48 = arith.muli %arg1, %mul3A_47 : i32
    "tpu.region"() ({
      %run_scoped3A = tpu.sem_alloc : memref<!tpu.dma_semaphore, #tpu.memory_space<semaphore_mem>>
      %dma_start3A_105 = arith.constant 0 : i32
      %dma_start3A_106 = tpu.memref_slice %arg6[%add3A_1, %mul3A_48, %dma_start3A_105] : memref<4x10240x128xf32, #tpu.memory_space<hbm>> -> memref<1x640x128xf32, #tpu.memory_space<hbm>>
      %dma_start3A_107 = tpu.memref_squeeze %dma_start3A_106 : memref<1x640x128xf32, #tpu.memory_space<hbm>> -> memref<640x128xf32, #tpu.memory_space<hbm>>
      %dma_start3A_108 = arith.constant 0 : i32
      %dma_start3A_109 = tpu.memref_slice %arg12[%mul3A_46, %dma_start3A_108] : memref<10240x128xf32, #tpu.memory_space<vmem_shared>> -> memref<640x128xf32, #tpu.memory_space<vmem_shared>>
      tpu.enqueue_dma source(%dma_start3A_109 : memref<640x128xf32, #tpu.memory_space<vmem_shared>>) target(%dma_start3A_107 : memref<640x128xf32, #tpu.memory_space<hbm>>) target_semaphore(%run_scoped3A : memref<!tpu.dma_semaphore, #tpu.memory_space<semaphore_mem>>)
      %dma_wait3A = arith.constant 0 : i32
      %dma_wait3A_110 = tpu.memref_slice %arg6[%add3A_1, %mul3A_48, %dma_wait3A] : memref<4x10240x128xf32, #tpu.memory_space<hbm>> -> memref<1x640x128xf32, #tpu.memory_space<hbm>>
      %dma_wait3A_111 = tpu.memref_squeeze %dma_wait3A_110 : memref<1x640x128xf32, #tpu.memory_space<hbm>> -> memref<640x128xf32, #tpu.memory_space<hbm>>
      %dma_wait3A_112 = arith.constant 0 : i32
      %dma_wait3A_113 = tpu.memref_slice %arg12[%mul3A_46, %dma_wait3A_112] : memref<10240x128xf32, #tpu.memory_space<vmem_shared>> -> memref<640x128xf32, #tpu.memory_space<vmem_shared>>
      tpu.wait_dma2 semaphore(%run_scoped3A : memref<!tpu.dma_semaphore, #tpu.memory_space<semaphore_mem>>) src(%dma_wait3A_113 : memref<640x128xf32, #tpu.memory_space<vmem_shared>>) dst(%dma_wait3A_111 : memref<640x128xf32, #tpu.memory_space<hbm>>)
      tpu.yield
    }) : () -> ()
    %barrier3A_49 = arith.constant 0 : index
    tpu.barrier barrier_id(%barrier3A_49)
    %mul3A_50 = arith.constant 2 : i32
    %mul3A_51 = arith.muli %arg0, %mul3A_50 : i32
    %add3A_52 = arith.constant 1 : i32
    %add3A_53 = arith.addi %mul3A_51, %add3A_52 : i32
    "tpu.region"() ({
      %run_scoped3A = tpu.sem_alloc : memref<!tpu.dma_semaphore, #tpu.memory_space<semaphore_mem>>
      tpu.enqueue_dma source(%arg5 : memref<80x128xf32, #tpu.memory_space<hbm>>) target(%arg9 : memref<80x128xf32, #tpu.memory_space<vmem>>) target_semaphore(%run_scoped3A : memref<!tpu.dma_semaphore, #tpu.memory_space<semaphore_mem>>)
      tpu.wait_dma2 semaphore(%run_scoped3A : memref<!tpu.dma_semaphore, #tpu.memory_space<semaphore_mem>>) src(%arg5 : memref<80x128xf32, #tpu.memory_space<hbm>>) dst(%arg9 : memref<80x128xf32, #tpu.memory_space<vmem>>)
      tpu.yield
    }) : () -> ()
    %mul3A_54 = arith.constant 640 : i32
    %mul3A_55 = arith.muli %arg1, %mul3A_54 : i32
    %add3A_56 = arith.constant 0 : i32
    %add3A_57 = arith.addi %mul3A_55, %add3A_56 : i32
    "tpu.region"() ({
      %run_scoped3A = tpu.sem_alloc : memref<!tpu.dma_semaphore, #tpu.memory_space<semaphore_mem>>
      %dma_start3A_105 = arith.constant 0 : i32
      %dma_start3A_106 = tpu.memref_slice %arg12[%add3A_57, %dma_start3A_105] : memref<10240x128xf32, #tpu.memory_space<vmem_shared>> -> memref<80x128xf32, #tpu.memory_space<vmem_shared>>
      %dma_start3A_107 = arith.constant 0 : i32
      %dma_start3A_108 = tpu.memref_slice %arg12[%add3A_57, %dma_start3A_107] : memref<10240x128xf32, #tpu.memory_space<vmem_shared>> -> memref<80x128xf32, #tpu.memory_space<vmem_shared>>
      tpu.enqueue_dma source(%arg9 : memref<80x128xf32, #tpu.memory_space<vmem>>) target(%dma_start3A_108 : memref<80x128xf32, #tpu.memory_space<vmem_shared>>) target_semaphore(%run_scoped3A : memref<!tpu.dma_semaphore, #tpu.memory_space<semaphore_mem>>)
      %dma_wait3A = arith.constant 0 : i32
      %dma_wait3A_109 = tpu.memref_slice %arg12[%add3A_57, %dma_wait3A] : memref<10240x128xf32, #tpu.memory_space<vmem_shared>> -> memref<80x128xf32, #tpu.memory_space<vmem_shared>>
      %dma_wait3A_110 = arith.constant 0 : i32
      %dma_wait3A_111 = tpu.memref_slice %arg12[%add3A_57, %dma_wait3A_110] : memref<10240x128xf32, #tpu.memory_space<vmem_shared>> -> memref<80x128xf32, #tpu.memory_space<vmem_shared>>
      tpu.wait_dma2 semaphore(%run_scoped3A : memref<!tpu.dma_semaphore, #tpu.memory_space<semaphore_mem>>) src(%arg9 : memref<80x128xf32, #tpu.memory_space<vmem>>) dst(%dma_wait3A_111 : memref<80x128xf32, #tpu.memory_space<vmem_shared>>)
      tpu.yield
    }) : () -> ()
    %add3A_58 = arith.constant 80 : i32
    %add3A_59 = arith.addi %mul3A_55, %add3A_58 : i32
    "tpu.region"() ({
      %run_scoped3A = tpu.sem_alloc : memref<!tpu.dma_semaphore, #tpu.memory_space<semaphore_mem>>
      %dma_start3A_105 = arith.constant 0 : i32
      %dma_start3A_106 = tpu.memref_slice %arg12[%add3A_59, %dma_start3A_105] : memref<10240x128xf32, #tpu.memory_space<vmem_shared>> -> memref<80x128xf32, #tpu.memory_space<vmem_shared>>
      %dma_start3A_107 = arith.constant 0 : i32
      %dma_start3A_108 = tpu.memref_slice %arg12[%add3A_59, %dma_start3A_107] : memref<10240x128xf32, #tpu.memory_space<vmem_shared>> -> memref<80x128xf32, #tpu.memory_space<vmem_shared>>
      tpu.enqueue_dma source(%arg9 : memref<80x128xf32, #tpu.memory_space<vmem>>) target(%dma_start3A_108 : memref<80x128xf32, #tpu.memory_space<vmem_shared>>) target_semaphore(%run_scoped3A : memref<!tpu.dma_semaphore, #tpu.memory_space<semaphore_mem>>)
      %dma_wait3A = arith.constant 0 : i32
      %dma_wait3A_109 = tpu.memref_slice %arg12[%add3A_59, %dma_wait3A] : memref<10240x128xf32, #tpu.memory_space<vmem_shared>> -> memref<80x128xf32, #tpu.memory_space<vmem_shared>>
      %dma_wait3A_110 = arith.constant 0 : i32
      %dma_wait3A_111 = tpu.memref_slice %arg12[%add3A_59, %dma_wait3A_110] : memref<10240x128xf32, #tpu.memory_space<vmem_shared>> -> memref<80x128xf32, #tpu.memory_space<vmem_shared>>
      tpu.wait_dma2 semaphore(%run_scoped3A : memref<!tpu.dma_semaphore, #tpu.memory_space<semaphore_mem>>) src(%arg9 : memref<80x128xf32, #tpu.memory_space<vmem>>) dst(%dma_wait3A_111 : memref<80x128xf32, #tpu.memory_space<vmem_shared>>)
      tpu.yield
    }) : () -> ()
    %add3A_60 = arith.constant 160 : i32
    %add3A_61 = arith.addi %mul3A_55, %add3A_60 : i32
    "tpu.region"() ({
      %run_scoped3A = tpu.sem_alloc : memref<!tpu.dma_semaphore, #tpu.memory_space<semaphore_mem>>
      %dma_start3A_105 = arith.constant 0 : i32
      %dma_start3A_106 = tpu.memref_slice %arg12[%add3A_61, %dma_start3A_105] : memref<10240x128xf32, #tpu.memory_space<vmem_shared>> -> memref<80x128xf32, #tpu.memory_space<vmem_shared>>
      %dma_start3A_107 = arith.constant 0 : i32
      %dma_start3A_108 = tpu.memref_slice %arg12[%add3A_61, %dma_start3A_107] : memref<10240x128xf32, #tpu.memory_space<vmem_shared>> -> memref<80x128xf32, #tpu.memory_space<vmem_shared>>
      tpu.enqueue_dma source(%arg9 : memref<80x128xf32, #tpu.memory_space<vmem>>) target(%dma_start3A_108 : memref<80x128xf32, #tpu.memory_space<vmem_shared>>) target_semaphore(%run_scoped3A : memref<!tpu.dma_semaphore, #tpu.memory_space<semaphore_mem>>)
      %dma_wait3A = arith.constant 0 : i32
      %dma_wait3A_109 = tpu.memref_slice %arg12[%add3A_61, %dma_wait3A] : memref<10240x128xf32, #tpu.memory_space<vmem_shared>> -> memref<80x128xf32, #tpu.memory_space<vmem_shared>>
      %dma_wait3A_110 = arith.constant 0 : i32
      %dma_wait3A_111 = tpu.memref_slice %arg12[%add3A_61, %dma_wait3A_110] : memref<10240x128xf32, #tpu.memory_space<vmem_shared>> -> memref<80x128xf32, #tpu.memory_space<vmem_shared>>
      tpu.wait_dma2 semaphore(%run_scoped3A : memref<!tpu.dma_semaphore, #tpu.memory_space<semaphore_mem>>) src(%arg9 : memref<80x128xf32, #tpu.memory_space<vmem>>) dst(%dma_wait3A_111 : memref<80x128xf32, #tpu.memory_space<vmem_shared>>)
      tpu.yield
    }) : () -> ()
    %add3A_62 = arith.constant 240 : i32
    %add3A_63 = arith.addi %mul3A_55, %add3A_62 : i32
    "tpu.region"() ({
      %run_scoped3A = tpu.sem_alloc : memref<!tpu.dma_semaphore, #tpu.memory_space<semaphore_mem>>
      %dma_start3A_105 = arith.constant 0 : i32
      %dma_start3A_106 = tpu.memref_slice %arg12[%add3A_63, %dma_start3A_105] : memref<10240x128xf32, #tpu.memory_space<vmem_shared>> -> memref<80x128xf32, #tpu.memory_space<vmem_shared>>
      %dma_start3A_107 = arith.constant 0 : i32
      %dma_start3A_108 = tpu.memref_slice %arg12[%add3A_63, %dma_start3A_107] : memref<10240x128xf32, #tpu.memory_space<vmem_shared>> -> memref<80x128xf32, #tpu.memory_space<vmem_shared>>
      tpu.enqueue_dma source(%arg9 : memref<80x128xf32, #tpu.memory_space<vmem>>) target(%dma_start3A_108 : memref<80x128xf32, #tpu.memory_space<vmem_shared>>) target_semaphore(%run_scoped3A : memref<!tpu.dma_semaphore, #tpu.memory_space<semaphore_mem>>)
      %dma_wait3A = arith.constant 0 : i32
      %dma_wait3A_109 = tpu.memref_slice %arg12[%add3A_63, %dma_wait3A] : memref<10240x128xf32, #tpu.memory_space<vmem_shared>> -> memref<80x128xf32, #tpu.memory_space<vmem_shared>>
      %dma_wait3A_110 = arith.constant 0 : i32
      %dma_wait3A_111 = tpu.memref_slice %arg12[%add3A_63, %dma_wait3A_110] : memref<10240x128xf32, #tpu.memory_space<vmem_shared>> -> memref<80x128xf32, #tpu.memory_space<vmem_shared>>
      tpu.wait_dma2 semaphore(%run_scoped3A : memref<!tpu.dma_semaphore, #tpu.memory_space<semaphore_mem>>) src(%arg9 : memref<80x128xf32, #tpu.memory_space<vmem>>) dst(%dma_wait3A_111 : memref<80x128xf32, #tpu.memory_space<vmem_shared>>)
      tpu.yield
    }) : () -> ()
    %add3A_64 = arith.constant 320 : i32
    %add3A_65 = arith.addi %mul3A_55, %add3A_64 : i32
    "tpu.region"() ({
      %run_scoped3A = tpu.sem_alloc : memref<!tpu.dma_semaphore, #tpu.memory_space<semaphore_mem>>
      %dma_start3A_105 = arith.constant 0 : i32
      %dma_start3A_106 = tpu.memref_slice %arg12[%add3A_65, %dma_start3A_105] : memref<10240x128xf32, #tpu.memory_space<vmem_shared>> -> memref<80x128xf32, #tpu.memory_space<vmem_shared>>
      %dma_start3A_107 = arith.constant 0 : i32
      %dma_start3A_108 = tpu.memref_slice %arg12[%add3A_65, %dma_start3A_107] : memref<10240x128xf32, #tpu.memory_space<vmem_shared>> -> memref<80x128xf32, #tpu.memory_space<vmem_shared>>
      tpu.enqueue_dma source(%arg9 : memref<80x128xf32, #tpu.memory_space<vmem>>) target(%dma_start3A_108 : memref<80x128xf32, #tpu.memory_space<vmem_shared>>) target_semaphore(%run_scoped3A : memref<!tpu.dma_semaphore, #tpu.memory_space<semaphore_mem>>)
      %dma_wait3A = arith.constant 0 : i32
      %dma_wait3A_109 = tpu.memref_slice %arg12[%add3A_65, %dma_wait3A] : memref<10240x128xf32, #tpu.memory_space<vmem_shared>> -> memref<80x128xf32, #tpu.memory_space<vmem_shared>>
      %dma_wait3A_110 = arith.constant 0 : i32
      %dma_wait3A_111 = tpu.memref_slice %arg12[%add3A_65, %dma_wait3A_110] : memref<10240x128xf32, #tpu.memory_space<vmem_shared>> -> memref<80x128xf32, #tpu.memory_space<vmem_shared>>
      tpu.wait_dma2 semaphore(%run_scoped3A : memref<!tpu.dma_semaphore, #tpu.memory_space<semaphore_mem>>) src(%arg9 : memref<80x128xf32, #tpu.memory_space<vmem>>) dst(%dma_wait3A_111 : memref<80x128xf32, #tpu.memory_space<vmem_shared>>)
      tpu.yield
    }) : () -> ()
    %add3A_66 = arith.constant 400 : i32
    %add3A_67 = arith.addi %mul3A_55, %add3A_66 : i32
    "tpu.region"() ({
      %run_scoped3A = tpu.sem_alloc : memref<!tpu.dma_semaphore, #tpu.memory_space<semaphore_mem>>
      %dma_start3A_105 = arith.constant 0 : i32
      %dma_start3A_106 = tpu.memref_slice %arg12[%add3A_67, %dma_start3A_105] : memref<10240x128xf32, #tpu.memory_space<vmem_shared>> -> memref<80x128xf32, #tpu.memory_space<vmem_shared>>
      %dma_start3A_107 = arith.constant 0 : i32
      %dma_start3A_108 = tpu.memref_slice %arg12[%add3A_67, %dma_start3A_107] : memref<10240x128xf32, #tpu.memory_space<vmem_shared>> -> memref<80x128xf32, #tpu.memory_space<vmem_shared>>
      tpu.enqueue_dma source(%arg9 : memref<80x128xf32, #tpu.memory_space<vmem>>) target(%dma_start3A_108 : memref<80x128xf32, #tpu.memory_space<vmem_shared>>) target_semaphore(%run_scoped3A : memref<!tpu.dma_semaphore, #tpu.memory_space<semaphore_mem>>)
      %dma_wait3A = arith.constant 0 : i32
      %dma_wait3A_109 = tpu.memref_slice %arg12[%add3A_67, %dma_wait3A] : memref<10240x128xf32, #tpu.memory_space<vmem_shared>> -> memref<80x128xf32, #tpu.memory_space<vmem_shared>>
      %dma_wait3A_110 = arith.constant 0 : i32
      %dma_wait3A_111 = tpu.memref_slice %arg12[%add3A_67, %dma_wait3A_110] : memref<10240x128xf32, #tpu.memory_space<vmem_shared>> -> memref<80x128xf32, #tpu.memory_space<vmem_shared>>
      tpu.wait_dma2 semaphore(%run_scoped3A : memref<!tpu.dma_semaphore, #tpu.memory_space<semaphore_mem>>) src(%arg9 : memref<80x128xf32, #tpu.memory_space<vmem>>) dst(%dma_wait3A_111 : memref<80x128xf32, #tpu.memory_space<vmem_shared>>)
      tpu.yield
    }) : () -> ()
    %add3A_68 = arith.constant 480 : i32
    %add3A_69 = arith.addi %mul3A_55, %add3A_68 : i32
    "tpu.region"() ({
      %run_scoped3A = tpu.sem_alloc : memref<!tpu.dma_semaphore, #tpu.memory_space<semaphore_mem>>
      %dma_start3A_105 = arith.constant 0 : i32
      %dma_start3A_106 = tpu.memref_slice %arg12[%add3A_69, %dma_start3A_105] : memref<10240x128xf32, #tpu.memory_space<vmem_shared>> -> memref<80x128xf32, #tpu.memory_space<vmem_shared>>
      %dma_start3A_107 = arith.constant 0 : i32
      %dma_start3A_108 = tpu.memref_slice %arg12[%add3A_69, %dma_start3A_107] : memref<10240x128xf32, #tpu.memory_space<vmem_shared>> -> memref<80x128xf32, #tpu.memory_space<vmem_shared>>
      tpu.enqueue_dma source(%arg9 : memref<80x128xf32, #tpu.memory_space<vmem>>) target(%dma_start3A_108 : memref<80x128xf32, #tpu.memory_space<vmem_shared>>) target_semaphore(%run_scoped3A : memref<!tpu.dma_semaphore, #tpu.memory_space<semaphore_mem>>)
      %dma_wait3A = arith.constant 0 : i32
      %dma_wait3A_109 = tpu.memref_slice %arg12[%add3A_69, %dma_wait3A] : memref<10240x128xf32, #tpu.memory_space<vmem_shared>> -> memref<80x128xf32, #tpu.memory_space<vmem_shared>>
      %dma_wait3A_110 = arith.constant 0 : i32
      %dma_wait3A_111 = tpu.memref_slice %arg12[%add3A_69, %dma_wait3A_110] : memref<10240x128xf32, #tpu.memory_space<vmem_shared>> -> memref<80x128xf32, #tpu.memory_space<vmem_shared>>
      tpu.wait_dma2 semaphore(%run_scoped3A : memref<!tpu.dma_semaphore, #tpu.memory_space<semaphore_mem>>) src(%arg9 : memref<80x128xf32, #tpu.memory_space<vmem>>) dst(%dma_wait3A_111 : memref<80x128xf32, #tpu.memory_space<vmem_shared>>)
      tpu.yield
    }) : () -> ()
    %add3A_70 = arith.constant 560 : i32
    %add3A_71 = arith.addi %mul3A_55, %add3A_70 : i32
    "tpu.region"() ({
      %run_scoped3A = tpu.sem_alloc : memref<!tpu.dma_semaphore, #tpu.memory_space<semaphore_mem>>
      %dma_start3A_105 = arith.constant 0 : i32
      %dma_start3A_106 = tpu.memref_slice %arg12[%add3A_71, %dma_start3A_105] : memref<10240x128xf32, #tpu.memory_space<vmem_shared>> -> memref<80x128xf32, #tpu.memory_space<vmem_shared>>
      %dma_start3A_107 = arith.constant 0 : i32
      %dma_start3A_108 = tpu.memref_slice %arg12[%add3A_71, %dma_start3A_107] : memref<10240x128xf32, #tpu.memory_space<vmem_shared>> -> memref<80x128xf32, #tpu.memory_space<vmem_shared>>
      tpu.enqueue_dma source(%arg9 : memref<80x128xf32, #tpu.memory_space<vmem>>) target(%dma_start3A_108 : memref<80x128xf32, #tpu.memory_space<vmem_shared>>) target_semaphore(%run_scoped3A : memref<!tpu.dma_semaphore, #tpu.memory_space<semaphore_mem>>)
      %dma_wait3A = arith.constant 0 : i32
      %dma_wait3A_109 = tpu.memref_slice %arg12[%add3A_71, %dma_wait3A] : memref<10240x128xf32, #tpu.memory_space<vmem_shared>> -> memref<80x128xf32, #tpu.memory_space<vmem_shared>>
      %dma_wait3A_110 = arith.constant 0 : i32
      %dma_wait3A_111 = tpu.memref_slice %arg12[%add3A_71, %dma_wait3A_110] : memref<10240x128xf32, #tpu.memory_space<vmem_shared>> -> memref<80x128xf32, #tpu.memory_space<vmem_shared>>
      tpu.wait_dma2 semaphore(%run_scoped3A : memref<!tpu.dma_semaphore, #tpu.memory_space<semaphore_mem>>) src(%arg9 : memref<80x128xf32, #tpu.memory_space<vmem>>) dst(%dma_wait3A_111 : memref<80x128xf32, #tpu.memory_space<vmem_shared>>)
      tpu.yield
    }) : () -> ()
    %barrier3A_72 = arith.constant 0 : index
    tpu.barrier barrier_id(%barrier3A_72)
    %mul3A_73 = arith.constant 16 : i32
    %mul3A_74 = arith.muli %add3A_53, %mul3A_73 : i32
    %add3A_75 = arith.addi %mul3A_74, %arg1 : i32
    %mul3A_76 = arith.constant 5040 : i32
    %mul3A_77 = arith.muli %add3A_75, %mul3A_76 : i32
    "tpu.region"() ({
      %run_scoped3A = tpu.sem_alloc : memref<!tpu.dma_semaphore, #tpu.memory_space<semaphore_mem>>
      %dma_start3A_105 = tpu.memref_slice %arg3[%mul3A_77] : memref<322560xi32, #tpu.memory_space<hbm>> -> memref<5040xi32, #tpu.memory_space<hbm>>
      %dma_start3A_106 = tpu.memref_slice %arg3[%mul3A_77] : memref<322560xi32, #tpu.memory_space<hbm>> -> memref<5040xi32, #tpu.memory_space<hbm>>
      tpu.enqueue_dma source(%dma_start3A_106 : memref<5040xi32, #tpu.memory_space<hbm>>) target(%arg7 : memref<5040xi32, #tpu.memory_space<vmem>>) target_semaphore(%run_scoped3A : memref<!tpu.dma_semaphore, #tpu.memory_space<semaphore_mem>>)
      %dma_wait3A = tpu.memref_slice %arg3[%mul3A_77] : memref<322560xi32, #tpu.memory_space<hbm>> -> memref<5040xi32, #tpu.memory_space<hbm>>
      %dma_wait3A_107 = tpu.memref_slice %arg3[%mul3A_77] : memref<322560xi32, #tpu.memory_space<hbm>> -> memref<5040xi32, #tpu.memory_space<hbm>>
      tpu.wait_dma2 semaphore(%run_scoped3A : memref<!tpu.dma_semaphore, #tpu.memory_space<semaphore_mem>>) src(%dma_wait3A_107 : memref<5040xi32, #tpu.memory_space<hbm>>) dst(%arg7 : memref<5040xi32, #tpu.memory_space<vmem>>)
      tpu.yield
    }) : () -> ()
    "tpu.region"() ({
      %run_scoped3A = tpu.sem_alloc : memref<!tpu.dma_semaphore, #tpu.memory_space<semaphore_mem>>
      %dma_start3A_105 = arith.constant 0 : i32
      %dma_start3A_106 = arith.constant 0 : i32
      %dma_start3A_107 = tpu.memref_slice %arg4[%add3A_53, %arg1, %dma_start3A_105, %dma_start3A_106] : memref<4x16x63x80xi32, #tpu.memory_space<hbm>> -> memref<1x1x63x80xi32, #tpu.memory_space<hbm>>
      %dma_start3A_108 = tpu.memref_squeeze %dma_start3A_107 : memref<1x1x63x80xi32, #tpu.memory_space<hbm>> -> memref<63x80xi32, #tpu.memory_space<hbm>>
      %dma_start3A_109 = arith.constant 0 : i32
      %dma_start3A_110 = arith.constant 0 : i32
      %dma_start3A_111 = tpu.memref_slice %arg4[%add3A_53, %arg1, %dma_start3A_109, %dma_start3A_110] : memref<4x16x63x80xi32, #tpu.memory_space<hbm>> -> memref<1x1x63x80xi32, #tpu.memory_space<hbm>>
      %dma_start3A_112 = tpu.memref_squeeze %dma_start3A_111 : memref<1x1x63x80xi32, #tpu.memory_space<hbm>> -> memref<63x80xi32, #tpu.memory_space<hbm>>
      tpu.enqueue_dma source(%dma_start3A_112 : memref<63x80xi32, #tpu.memory_space<hbm>>) target(%arg8 : memref<63x80xi32, #tpu.memory_space<vmem>>) target_semaphore(%run_scoped3A : memref<!tpu.dma_semaphore, #tpu.memory_space<semaphore_mem>>)
      %dma_wait3A = arith.constant 0 : i32
      %dma_wait3A_113 = arith.constant 0 : i32
      %dma_wait3A_114 = tpu.memref_slice %arg4[%add3A_53, %arg1, %dma_wait3A, %dma_wait3A_113] : memref<4x16x63x80xi32, #tpu.memory_space<hbm>> -> memref<1x1x63x80xi32, #tpu.memory_space<hbm>>
      %dma_wait3A_115 = tpu.memref_squeeze %dma_wait3A_114 : memref<1x1x63x80xi32, #tpu.memory_space<hbm>> -> memref<63x80xi32, #tpu.memory_space<hbm>>
      %dma_wait3A_116 = arith.constant 0 : i32
      %dma_wait3A_117 = arith.constant 0 : i32
      %dma_wait3A_118 = tpu.memref_slice %arg4[%add3A_53, %arg1, %dma_wait3A_116, %dma_wait3A_117] : memref<4x16x63x80xi32, #tpu.memory_space<hbm>> -> memref<1x1x63x80xi32, #tpu.memory_space<hbm>>
      %dma_wait3A_119 = tpu.memref_squeeze %dma_wait3A_118 : memref<1x1x63x80xi32, #tpu.memory_space<hbm>> -> memref<63x80xi32, #tpu.memory_space<hbm>>
      tpu.wait_dma2 semaphore(%run_scoped3A : memref<!tpu.dma_semaphore, #tpu.memory_space<semaphore_mem>>) src(%dma_wait3A_119 : memref<63x80xi32, #tpu.memory_space<hbm>>) dst(%arg8 : memref<63x80xi32, #tpu.memory_space<vmem>>)
      tpu.yield
    }) : () -> ()
    %dma_start3A_78 = arith.constant 0 : i32
    %dma_start3A_79 = tpu.memref_slice %arg7[%dma_start3A_78] : memref<5040xi32, #tpu.memory_space<vmem>> -> memref<80xi32, #tpu.memory_space<vmem>>
    %dma_start3A_80 = arith.constant 0 : i32
    %dma_start3A_81 = arith.constant 0 : i32
    %dma_start3A_82 = tpu.memref_slice %arg2[%dma_start3A_80, %dma_start3A_81] : memref<10000x128xf32, #tpu.memory_space<hbm>> -> memref<10000x128xf32, #tpu.memory_space<hbm>>
    tpu.enqueue_indirect_dma source(%dma_start3A_82 : memref<10000x128xf32, #tpu.memory_space<hbm>>) target(%arg9 : memref<80x128xf32, #tpu.memory_space<vmem>>) offsets(%dma_start3A_79 : memref<80xi32, #tpu.memory_space<vmem>>) semaphore(%arg13 : memref<!tpu.dma_semaphore, #tpu.memory_space<semaphore_mem>>)
    %dma_start3A_83 = arith.constant 80 : i32
    %dma_start3A_84 = tpu.memref_slice %arg7[%dma_start3A_83] : memref<5040xi32, #tpu.memory_space<vmem>> -> memref<80xi32, #tpu.memory_space<vmem>>
    %dma_start3A_85 = arith.constant 0 : i32
    %dma_start3A_86 = arith.constant 0 : i32
    %dma_start3A_87 = tpu.memref_slice %arg2[%dma_start3A_85, %dma_start3A_86] : memref<10000x128xf32, #tpu.memory_space<hbm>> -> memref<10000x128xf32, #tpu.memory_space<hbm>>
    tpu.enqueue_indirect_dma source(%dma_start3A_87 : memref<10000x128xf32, #tpu.memory_space<hbm>>) target(%arg10 : memref<80x128xf32, #tpu.memory_space<vmem>>) offsets(%dma_start3A_84 : memref<80xi32, #tpu.memory_space<vmem>>) semaphore(%arg14 : memref<!tpu.dma_semaphore, #tpu.memory_space<semaphore_mem>>)
    %dma_start3A_88 = arith.constant 160 : i32
    %dma_start3A_89 = tpu.memref_slice %arg7[%dma_start3A_88] : memref<5040xi32, #tpu.memory_space<vmem>> -> memref<80xi32, #tpu.memory_space<vmem>>
    %dma_start3A_90 = arith.constant 0 : i32
    %dma_start3A_91 = arith.constant 0 : i32
    %dma_start3A_92 = tpu.memref_slice %arg2[%dma_start3A_90, %dma_start3A_91] : memref<10000x128xf32, #tpu.memory_space<hbm>> -> memref<10000x128xf32, #tpu.memory_space<hbm>>
    tpu.enqueue_indirect_dma source(%dma_start3A_92 : memref<10000x128xf32, #tpu.memory_space<hbm>>) target(%arg11 : memref<80x128xf32, #tpu.memory_space<vmem>>) offsets(%dma_start3A_89 : memref<80xi32, #tpu.memory_space<vmem>>) semaphore(%arg15 : memref<!tpu.dma_semaphore, #tpu.memory_space<semaphore_mem>>)
    %scan3A_93 = arith.constant 0 : i32
    %scan3A_94 = arith.constant 0 : i32
    %scan3A_95 = arith.constant 21 : i32
    %scan3A_96 = arith.addi %scan3A_94, %scan3A_95 : i32
    %scan3A_97 = arith.constant 1 : i32
    scf.for %scan3A_105 = %scan3A_94 to %scan3A_96 step %scan3A_97  : i32 {
      %mul3A_106 = arith.constant 3 : i32
      %mul3A_107 = arith.muli %mul3A_106, %scan3A_105 : i32
      %add3A_108 = arith.constant 0 : i32
      %add3A_109 = arith.addi %mul3A_107, %add3A_108 : i32
      %mul3A_110 = arith.constant 80 : i32
      %mul3A_111 = arith.muli %add3A_109, %mul3A_110 : i32
      %dma_wait3A = tpu.memref_slice %arg7[%mul3A_111] : memref<5040xi32, #tpu.memory_space<vmem>> -> memref<80xi32, #tpu.memory_space<vmem>>
      %dma_wait3A_112 = arith.constant 0 : i32
      %dma_wait3A_113 = arith.constant 0 : i32
      %dma_wait3A_114 = tpu.memref_slice %arg2[%dma_wait3A_112, %dma_wait3A_113] : memref<10000x128xf32, #tpu.memory_space<hbm>> -> memref<10000x128xf32, #tpu.memory_space<hbm>>
      tpu.wait_indirect_dma semaphore(%arg13 : memref<!tpu.dma_semaphore, #tpu.memory_space<semaphore_mem>>) src(%dma_wait3A_114 : memref<10000x128xf32, #tpu.memory_space<hbm>>) dst(%arg9 : memref<80x128xf32, #tpu.memory_space<vmem>>)
      "tpu.region"() ({
        %run_scoped3A = tpu.sem_alloc : memref<!tpu.dma_semaphore, #tpu.memory_space<semaphore_mem>>
        %dma_start3A_153 = arith.constant 0 : i32
        %dma_start3A_154 = tpu.memref_slice %arg8[%add3A_109, %dma_start3A_153] : memref<63x80xi32, #tpu.memory_space<vmem>> -> memref<1x80xi32, #tpu.memory_space<vmem>>
        %dma_start3A_155 = tpu.memref_squeeze %dma_start3A_154 : memref<1x80xi32, #tpu.memory_space<vmem>> -> memref<80xi32, #tpu.memory_space<vmem>>
        %dma_start3A_156 = arith.constant 0 : i32
        %dma_start3A_157 = arith.constant 0 : i32
        %dma_start3A_158 = tpu.memref_slice %arg12[%dma_start3A_156, %dma_start3A_157] : memref<10240x128xf32, #tpu.memory_space<vmem_shared>> -> memref<10240x128xf32, #tpu.memory_space<vmem_shared>>
        tpu.enqueue_indirect_dma source(%arg9 : memref<80x128xf32, #tpu.memory_space<vmem>>) target(%dma_start3A_158 : memref<10240x128xf32, #tpu.memory_space<vmem_shared>>) offsets(%dma_start3A_155 : memref<80xi32, #tpu.memory_space<vmem>>) semaphore(%run_scoped3A : memref<!tpu.dma_semaphore, #tpu.memory_space<semaphore_mem>>) {add = true}
        %dma_wait3A_159 = arith.constant 0 : i32
        %dma_wait3A_160 = tpu.memref_slice %arg8[%add3A_109, %dma_wait3A_159] : memref<63x80xi32, #tpu.memory_space<vmem>> -> memref<1x80xi32, #tpu.memory_space<vmem>>
        %dma_wait3A_161 = tpu.memref_squeeze %dma_wait3A_160 : memref<1x80xi32, #tpu.memory_space<vmem>> -> memref<80xi32, #tpu.memory_space<vmem>>
        %dma_wait3A_162 = arith.constant 0 : i32
        %dma_wait3A_163 = arith.constant 0 : i32
        %dma_wait3A_164 = tpu.memref_slice %arg12[%dma_wait3A_162, %dma_wait3A_163] : memref<10240x128xf32, #tpu.memory_space<vmem_shared>> -> memref<10240x128xf32, #tpu.memory_space<vmem_shared>>
        tpu.wait_indirect_dma semaphore(%run_scoped3A : memref<!tpu.dma_semaphore, #tpu.memory_space<semaphore_mem>>) src(%arg9 : memref<80x128xf32, #tpu.memory_space<vmem>>) dst(%dma_wait3A_164 : memref<10240x128xf32, #tpu.memory_space<vmem_shared>>)
        tpu.yield
      }) : () -> ()
      %add3A_115 = arith.constant 3 : i32
      %add3A_116 = arith.addi %add3A_109, %add3A_115 : i32
      %lt3A = arith.constant 63 : i32
      %lt3A_117 = arith.cmpi slt, %add3A_116, %lt3A : i32
      %convert_element_type3A = arith.extui %lt3A_117 : i1 to i32
      %cond3A = arith.constant 0 : i32
      %cond3A_118 = arith.cmpi ne, %convert_element_type3A, %cond3A : i32
      scf.if %cond3A_118 {
        %add3A_153 = arith.constant 3 : i32
        %add3A_154 = arith.addi %add3A_109, %add3A_153 : i32
        %mul3A_155 = arith.constant 80 : i32
        %mul3A_156 = arith.muli %add3A_154, %mul3A_155 : i32
        %dma_start3A_157 = tpu.memref_slice %arg7[%mul3A_156] : memref<5040xi32, #tpu.memory_space<vmem>> -> memref<80xi32, #tpu.memory_space<vmem>>
        %dma_start3A_158 = arith.constant 0 : i32
        %dma_start3A_159 = arith.constant 0 : i32
        %dma_start3A_160 = tpu.memref_slice %arg2[%dma_start3A_158, %dma_start3A_159] : memref<10000x128xf32, #tpu.memory_space<hbm>> -> memref<10000x128xf32, #tpu.memory_space<hbm>>
        tpu.enqueue_indirect_dma source(%dma_start3A_160 : memref<10000x128xf32, #tpu.memory_space<hbm>>) target(%arg9 : memref<80x128xf32, #tpu.memory_space<vmem>>) offsets(%dma_start3A_157 : memref<80xi32, #tpu.memory_space<vmem>>) semaphore(%arg13 : memref<!tpu.dma_semaphore, #tpu.memory_space<semaphore_mem>>)
      } else {
      }
      %mul3A_119 = arith.constant 3 : i32
      %mul3A_120 = arith.muli %mul3A_119, %scan3A_105 : i32
      %add3A_121 = arith.constant 1 : i32
      %add3A_122 = arith.addi %mul3A_120, %add3A_121 : i32
      %mul3A_123 = arith.constant 80 : i32
      %mul3A_124 = arith.muli %add3A_122, %mul3A_123 : i32
      %dma_wait3A_125 = tpu.memref_slice %arg7[%mul3A_124] : memref<5040xi32, #tpu.memory_space<vmem>> -> memref<80xi32, #tpu.memory_space<vmem>>
      %dma_wait3A_126 = arith.constant 0 : i32
      %dma_wait3A_127 = arith.constant 0 : i32
      %dma_wait3A_128 = tpu.memref_slice %arg2[%dma_wait3A_126, %dma_wait3A_127] : memref<10000x128xf32, #tpu.memory_space<hbm>> -> memref<10000x128xf32, #tpu.memory_space<hbm>>
      tpu.wait_indirect_dma semaphore(%arg14 : memref<!tpu.dma_semaphore, #tpu.memory_space<semaphore_mem>>) src(%dma_wait3A_128 : memref<10000x128xf32, #tpu.memory_space<hbm>>) dst(%arg10 : memref<80x128xf32, #tpu.memory_space<vmem>>)
      "tpu.region"() ({
        %run_scoped3A = tpu.sem_alloc : memref<!tpu.dma_semaphore, #tpu.memory_space<semaphore_mem>>
        %dma_start3A_153 = arith.constant 0 : i32
        %dma_start3A_154 = tpu.memref_slice %arg8[%add3A_122, %dma_start3A_153] : memref<63x80xi32, #tpu.memory_space<vmem>> -> memref<1x80xi32, #tpu.memory_space<vmem>>
        %dma_start3A_155 = tpu.memref_squeeze %dma_start3A_154 : memref<1x80xi32, #tpu.memory_space<vmem>> -> memref<80xi32, #tpu.memory_space<vmem>>
        %dma_start3A_156 = arith.constant 0 : i32
        %dma_start3A_157 = arith.constant 0 : i32
        %dma_start3A_158 = tpu.memref_slice %arg12[%dma_start3A_156, %dma_start3A_157] : memref<10240x128xf32, #tpu.memory_space<vmem_shared>> -> memref<10240x128xf32, #tpu.memory_space<vmem_shared>>
        tpu.enqueue_indirect_dma source(%arg10 : memref<80x128xf32, #tpu.memory_space<vmem>>) target(%dma_start3A_158 : memref<10240x128xf32, #tpu.memory_space<vmem_shared>>) offsets(%dma_start3A_155 : memref<80xi32, #tpu.memory_space<vmem>>) semaphore(%run_scoped3A : memref<!tpu.dma_semaphore, #tpu.memory_space<semaphore_mem>>) {add = true}
        %dma_wait3A_159 = arith.constant 0 : i32
        %dma_wait3A_160 = tpu.memref_slice %arg8[%add3A_122, %dma_wait3A_159] : memref<63x80xi32, #tpu.memory_space<vmem>> -> memref<1x80xi32, #tpu.memory_space<vmem>>
        %dma_wait3A_161 = tpu.memref_squeeze %dma_wait3A_160 : memref<1x80xi32, #tpu.memory_space<vmem>> -> memref<80xi32, #tpu.memory_space<vmem>>
        %dma_wait3A_162 = arith.constant 0 : i32
        %dma_wait3A_163 = arith.constant 0 : i32
        %dma_wait3A_164 = tpu.memref_slice %arg12[%dma_wait3A_162, %dma_wait3A_163] : memref<10240x128xf32, #tpu.memory_space<vmem_shared>> -> memref<10240x128xf32, #tpu.memory_space<vmem_shared>>
        tpu.wait_indirect_dma semaphore(%run_scoped3A : memref<!tpu.dma_semaphore, #tpu.memory_space<semaphore_mem>>) src(%arg10 : memref<80x128xf32, #tpu.memory_space<vmem>>) dst(%dma_wait3A_164 : memref<10240x128xf32, #tpu.memory_space<vmem_shared>>)
        tpu.yield
      }) : () -> ()
      %add3A_129 = arith.constant 3 : i32
      %add3A_130 = arith.addi %add3A_122, %add3A_129 : i32
      %lt3A_131 = arith.constant 63 : i32
      %lt3A_132 = arith.cmpi slt, %add3A_130, %lt3A_131 : i32
      %convert_element_type3A_133 = arith.extui %lt3A_132 : i1 to i32
      %cond3A_134 = arith.constant 0 : i32
      %cond3A_135 = arith.cmpi ne, %convert_element_type3A_133, %cond3A_134 : i32
      scf.if %cond3A_135 {
        %add3A_153 = arith.constant 3 : i32
        %add3A_154 = arith.addi %add3A_122, %add3A_153 : i32
        %mul3A_155 = arith.constant 80 : i32
        %mul3A_156 = arith.muli %add3A_154, %mul3A_155 : i32
        %dma_start3A_157 = tpu.memref_slice %arg7[%mul3A_156] : memref<5040xi32, #tpu.memory_space<vmem>> -> memref<80xi32, #tpu.memory_space<vmem>>
        %dma_start3A_158 = arith.constant 0 : i32
        %dma_start3A_159 = arith.constant 0 : i32
        %dma_start3A_160 = tpu.memref_slice %arg2[%dma_start3A_158, %dma_start3A_159] : memref<10000x128xf32, #tpu.memory_space<hbm>> -> memref<10000x128xf32, #tpu.memory_space<hbm>>
        tpu.enqueue_indirect_dma source(%dma_start3A_160 : memref<10000x128xf32, #tpu.memory_space<hbm>>) target(%arg10 : memref<80x128xf32, #tpu.memory_space<vmem>>) offsets(%dma_start3A_157 : memref<80xi32, #tpu.memory_space<vmem>>) semaphore(%arg14 : memref<!tpu.dma_semaphore, #tpu.memory_space<semaphore_mem>>)
      } else {
      }
      %mul3A_136 = arith.constant 3 : i32
      %mul3A_137 = arith.muli %mul3A_136, %scan3A_105 : i32
      %add3A_138 = arith.constant 2 : i32
      %add3A_139 = arith.addi %mul3A_137, %add3A_138 : i32
      %mul3A_140 = arith.constant 80 : i32
      %mul3A_141 = arith.muli %add3A_139, %mul3A_140 : i32
      %dma_wait3A_142 = tpu.memref_slice %arg7[%mul3A_141] : memref<5040xi32, #tpu.memory_space<vmem>> -> memref<80xi32, #tpu.memory_space<vmem>>
      %dma_wait3A_143 = arith.constant 0 : i32
      %dma_wait3A_144 = arith.constant 0 : i32
      %dma_wait3A_145 = tpu.memref_slice %arg2[%dma_wait3A_143, %dma_wait3A_144] : memref<10000x128xf32, #tpu.memory_space<hbm>> -> memref<10000x128xf32, #tpu.memory_space<hbm>>
      tpu.wait_indirect_dma semaphore(%arg15 : memref<!tpu.dma_semaphore, #tpu.memory_space<semaphore_mem>>) src(%dma_wait3A_145 : memref<10000x128xf32, #tpu.memory_space<hbm>>) dst(%arg11 : memref<80x128xf32, #tpu.memory_space<vmem>>)
      "tpu.region"() ({
        %run_scoped3A = tpu.sem_alloc : memref<!tpu.dma_semaphore, #tpu.memory_space<semaphore_mem>>
        %dma_start3A_153 = arith.constant 0 : i32
        %dma_start3A_154 = tpu.memref_slice %arg8[%add3A_139, %dma_start3A_153] : memref<63x80xi32, #tpu.memory_space<vmem>> -> memref<1x80xi32, #tpu.memory_space<vmem>>
        %dma_start3A_155 = tpu.memref_squeeze %dma_start3A_154 : memref<1x80xi32, #tpu.memory_space<vmem>> -> memref<80xi32, #tpu.memory_space<vmem>>
        %dma_start3A_156 = arith.constant 0 : i32
        %dma_start3A_157 = arith.constant 0 : i32
        %dma_start3A_158 = tpu.memref_slice %arg12[%dma_start3A_156, %dma_start3A_157] : memref<10240x128xf32, #tpu.memory_space<vmem_shared>> -> memref<10240x128xf32, #tpu.memory_space<vmem_shared>>
        tpu.enqueue_indirect_dma source(%arg11 : memref<80x128xf32, #tpu.memory_space<vmem>>) target(%dma_start3A_158 : memref<10240x128xf32, #tpu.memory_space<vmem_shared>>) offsets(%dma_start3A_155 : memref<80xi32, #tpu.memory_space<vmem>>) semaphore(%run_scoped3A : memref<!tpu.dma_semaphore, #tpu.memory_space<semaphore_mem>>) {add = true}
        %dma_wait3A_159 = arith.constant 0 : i32
        %dma_wait3A_160 = tpu.memref_slice %arg8[%add3A_139, %dma_wait3A_159] : memref<63x80xi32, #tpu.memory_space<vmem>> -> memref<1x80xi32, #tpu.memory_space<vmem>>
        %dma_wait3A_161 = tpu.memref_squeeze %dma_wait3A_160 : memref<1x80xi32, #tpu.memory_space<vmem>> -> memref<80xi32, #tpu.memory_space<vmem>>
        %dma_wait3A_162 = arith.constant 0 : i32
        %dma_wait3A_163 = arith.constant 0 : i32
        %dma_wait3A_164 = tpu.memref_slice %arg12[%dma_wait3A_162, %dma_wait3A_163] : memref<10240x128xf32, #tpu.memory_space<vmem_shared>> -> memref<10240x128xf32, #tpu.memory_space<vmem_shared>>
        tpu.wait_indirect_dma semaphore(%run_scoped3A : memref<!tpu.dma_semaphore, #tpu.memory_space<semaphore_mem>>) src(%arg11 : memref<80x128xf32, #tpu.memory_space<vmem>>) dst(%dma_wait3A_164 : memref<10240x128xf32, #tpu.memory_space<vmem_shared>>)
        tpu.yield
      }) : () -> ()
      %add3A_146 = arith.constant 3 : i32
      %add3A_147 = arith.addi %add3A_139, %add3A_146 : i32
      %lt3A_148 = arith.constant 63 : i32
      %lt3A_149 = arith.cmpi slt, %add3A_147, %lt3A_148 : i32
      %convert_element_type3A_150 = arith.extui %lt3A_149 : i1 to i32
      %cond3A_151 = arith.constant 0 : i32
      %cond3A_152 = arith.cmpi ne, %convert_element_type3A_150, %cond3A_151 : i32
      scf.if %cond3A_152 {
        %add3A_153 = arith.constant 3 : i32
        %add3A_154 = arith.addi %add3A_139, %add3A_153 : i32
        %mul3A_155 = arith.constant 80 : i32
        %mul3A_156 = arith.muli %add3A_154, %mul3A_155 : i32
        %dma_start3A_157 = tpu.memref_slice %arg7[%mul3A_156] : memref<5040xi32, #tpu.memory_space<vmem>> -> memref<80xi32, #tpu.memory_space<vmem>>
        %dma_start3A_158 = arith.constant 0 : i32
        %dma_start3A_159 = arith.constant 0 : i32
        %dma_start3A_160 = tpu.memref_slice %arg2[%dma_start3A_158, %dma_start3A_159] : memref<10000x128xf32, #tpu.memory_space<hbm>> -> memref<10000x128xf32, #tpu.memory_space<hbm>>
        tpu.enqueue_indirect_dma source(%dma_start3A_160 : memref<10000x128xf32, #tpu.memory_space<hbm>>) target(%arg11 : memref<80x128xf32, #tpu.memory_space<vmem>>) offsets(%dma_start3A_157 : memref<80xi32, #tpu.memory_space<vmem>>) semaphore(%arg15 : memref<!tpu.dma_semaphore, #tpu.memory_space<semaphore_mem>>)
      } else {
      }
    }
    %scan3A_98 = arith.constant 21 : i32
    %barrier3A_99 = arith.constant 0 : index
    tpu.barrier barrier_id(%barrier3A_99)
    %mul3A_100 = arith.constant 640 : i32
    %mul3A_101 = arith.muli %arg1, %mul3A_100 : i32
    %mul3A_102 = arith.constant 640 : i32
    %mul3A_103 = arith.muli %arg1, %mul3A_102 : i32
    "tpu.region"() ({
      %run_scoped3A = tpu.sem_alloc : memref<!tpu.dma_semaphore, #tpu.memory_space<semaphore_mem>>
      %dma_start3A_105 = arith.constant 0 : i32
      %dma_start3A_106 = tpu.memref_slice %arg6[%add3A_53, %mul3A_103, %dma_start3A_105] : memref<4x10240x128xf32, #tpu.memory_space<hbm>> -> memref<1x640x128xf32, #tpu.memory_space<hbm>>
      %dma_start3A_107 = tpu.memref_squeeze %dma_start3A_106 : memref<1x640x128xf32, #tpu.memory_space<hbm>> -> memref<640x128xf32, #tpu.memory_space<hbm>>
      %dma_start3A_108 = arith.constant 0 : i32
      %dma_start3A_109 = tpu.memref_slice %arg12[%mul3A_101, %dma_start3A_108] : memref<10240x128xf32, #tpu.memory_space<vmem_shared>> -> memref<640x128xf32, #tpu.memory_space<vmem_shared>>
      tpu.enqueue_dma source(%dma_start3A_109 : memref<640x128xf32, #tpu.memory_space<vmem_shared>>) target(%dma_start3A_107 : memref<640x128xf32, #tpu.memory_space<hbm>>) target_semaphore(%run_scoped3A : memref<!tpu.dma_semaphore, #tpu.memory_space<semaphore_mem>>)
      %dma_wait3A = arith.constant 0 : i32
      %dma_wait3A_110 = tpu.memref_slice %arg6[%add3A_53, %mul3A_103, %dma_wait3A] : memref<4x10240x128xf32, #tpu.memory_space<hbm>> -> memref<1x640x128xf32, #tpu.memory_space<hbm>>
      %dma_wait3A_111 = tpu.memref_squeeze %dma_wait3A_110 : memref<1x640x128xf32, #tpu.memory_space<hbm>> -> memref<640x128xf32, #tpu.memory_space<hbm>>
      %dma_wait3A_112 = arith.constant 0 : i32
      %dma_wait3A_113 = tpu.memref_slice %arg12[%mul3A_101, %dma_wait3A_112] : memref<10240x128xf32, #tpu.memory_space<vmem_shared>> -> memref<640x128xf32, #tpu.memory_space<vmem_shared>>
      tpu.wait_dma2 semaphore(%run_scoped3A : memref<!tpu.dma_semaphore, #tpu.memory_space<semaphore_mem>>) src(%dma_wait3A_113 : memref<640x128xf32, #tpu.memory_space<vmem_shared>>) dst(%dma_wait3A_111 : memref<640x128xf32, #tpu.memory_space<hbm>>)
      tpu.yield
    }) : () -> ()
    %barrier3A_104 = arith.constant 0 : index
    tpu.barrier barrier_id(%barrier3A_104)
    return
  }
}

#map = affine_map<(d0, d1) -> (0, 0)>
#map1 = affine_map<(d0, d1) -> (0)>
#map2 = affine_map<(d0, d1) -> (0, 0, 0, 0)>
#map3 = affine_map<(d0, d1) -> (0, 0, 0)>
module attributes {stable_mosaic.version = 14 : i64} {
  func.func @_sc_aggregate_body(%arg0: i32, %arg1: i32, %arg2: memref<10000x128xf32, #tpu.memory_space<hbm>>, %arg3: memref<322560xi32, #tpu.memory_space<hbm>>, %arg4: memref<4x16x63x80xi32, #tpu.memory_space<hbm>>, %arg5: memref<80x128xf32, #tpu.memory_space<hbm>>, %arg6: memref<4x10240x128xf32, #tpu.memory_space<hbm>>, %arg7: memref<5040xi32, #tpu.memory_space<vmem>>, %arg8: memref<63x80xi32, #tpu.memory_space<vmem>>, %arg9: memref<80x128xf32, #tpu.memory_space<vmem>>, %arg10: memref<80x128xf32, #tpu.memory_space<vmem>>, %arg11: memref<80x128xf32, #tpu.memory_space<vmem>>, %arg12: memref<10240x128xf32, #tpu.memory_space<vmem_shared>>, %arg13: memref<!tpu.dma_semaphore, #tpu.memory_space<semaphore_mem>>, %arg14: memref<!tpu.dma_semaphore, #tpu.memory_space<semaphore_mem>>, %arg15: memref<!tpu.dma_semaphore, #tpu.memory_space<semaphore_mem>>) attributes {dimension_semantics = [#tpu.dimension_semantics<core_parallel>, #tpu.dimension_semantics<subcore_parallel>], iteration_bounds = array<i64: 2, 16>, scalar_prefetch = 0 : i64, scratch_operands = 9 : i64, tpu.core_type = #tpu.core_type<sc_vector_subcore>, window_params = [{transform_indices = #map}, {transform_indices = #map1}, {transform_indices = #map2}, {transform_indices = #map}, {transform_indices = #map3}]} {
    %mul3A = arith.constant 2 : i32
    %mul3A_0 = arith.muli %arg0, %mul3A : i32
    %add3A = arith.constant 0 : i32
    %add3A_1 = arith.addi %mul3A_0, %add3A : i32
    "tpu.region"() ({
      %run_scoped3A = tpu.sem_alloc : memref<!tpu.dma_semaphore, #tpu.memory_space<semaphore_mem>>
      tpu.enqueue_dma source(%arg5 : memref<80x128xf32, #tpu.memory_space<hbm>>) target(%arg9 : memref<80x128xf32, #tpu.memory_space<vmem>>) target_semaphore(%run_scoped3A : memref<!tpu.dma_semaphore, #tpu.memory_space<semaphore_mem>>)
      tpu.wait_dma2 semaphore(%run_scoped3A : memref<!tpu.dma_semaphore, #tpu.memory_space<semaphore_mem>>) src(%arg5 : memref<80x128xf32, #tpu.memory_space<hbm>>) dst(%arg9 : memref<80x128xf32, #tpu.memory_space<vmem>>)
      tpu.yield
    }) : () -> ()
    %mul3A_2 = arith.constant 640 : i32
    %mul3A_3 = arith.muli %arg1, %mul3A_2 : i32
    %add3A_4 = arith.constant 0 : i32
    %add3A_5 = arith.addi %mul3A_3, %add3A_4 : i32
    "tpu.region"() ({
      %run_scoped3A = tpu.sem_alloc : memref<!tpu.dma_semaphore, #tpu.memory_space<semaphore_mem>>
      %dma_start3A_105 = arith.constant 0 : i32
      %dma_start3A_106 = tpu.memref_slice %arg12[%add3A_5, %dma_start3A_105] : memref<10240x128xf32, #tpu.memory_space<vmem_shared>> -> memref<80x128xf32, #tpu.memory_space<vmem_shared>>
      %dma_start3A_107 = arith.constant 0 : i32
      %dma_start3A_108 = tpu.memref_slice %arg12[%add3A_5, %dma_start3A_107] : memref<10240x128xf32, #tpu.memory_space<vmem_shared>> -> memref<80x128xf32, #tpu.memory_space<vmem_shared>>
      tpu.enqueue_dma source(%arg9 : memref<80x128xf32, #tpu.memory_space<vmem>>) target(%dma_start3A_108 : memref<80x128xf32, #tpu.memory_space<vmem_shared>>) target_semaphore(%run_scoped3A : memref<!tpu.dma_semaphore, #tpu.memory_space<semaphore_mem>>)
      %dma_wait3A = arith.constant 0 : i32
      %dma_wait3A_109 = tpu.memref_slice %arg12[%add3A_5, %dma_wait3A] : memref<10240x128xf32, #tpu.memory_space<vmem_shared>> -> memref<80x128xf32, #tpu.memory_space<vmem_shared>>
      %dma_wait3A_110 = arith.constant 0 : i32
      %dma_wait3A_111 = tpu.memref_slice %arg12[%add3A_5, %dma_wait3A_110] : memref<10240x128xf32, #tpu.memory_space<vmem_shared>> -> memref<80x128xf32, #tpu.memory_space<vmem_shared>>
      tpu.wait_dma2 semaphore(%run_scoped3A : memref<!tpu.dma_semaphore, #tpu.memory_space<semaphore_mem>>) src(%arg9 : memref<80x128xf32, #tpu.memory_space<vmem>>) dst(%dma_wait3A_111 : memref<80x128xf32, #tpu.memory_space<vmem_shared>>)
      tpu.yield
    }) : () -> ()
    %add3A_6 = arith.constant 80 : i32
    %add3A_7 = arith.addi %mul3A_3, %add3A_6 : i32
    "tpu.region"() ({
      %run_scoped3A = tpu.sem_alloc : memref<!tpu.dma_semaphore, #tpu.memory_space<semaphore_mem>>
      %dma_start3A_105 = arith.constant 0 : i32
      %dma_start3A_106 = tpu.memref_slice %arg12[%add3A_7, %dma_start3A_105] : memref<10240x128xf32, #tpu.memory_space<vmem_shared>> -> memref<80x128xf32, #tpu.memory_space<vmem_shared>>
      %dma_start3A_107 = arith.constant 0 : i32
      %dma_start3A_108 = tpu.memref_slice %arg12[%add3A_7, %dma_start3A_107] : memref<10240x128xf32, #tpu.memory_space<vmem_shared>> -> memref<80x128xf32, #tpu.memory_space<vmem_shared>>
      tpu.enqueue_dma source(%arg9 : memref<80x128xf32, #tpu.memory_space<vmem>>) target(%dma_start3A_108 : memref<80x128xf32, #tpu.memory_space<vmem_shared>>) target_semaphore(%run_scoped3A : memref<!tpu.dma_semaphore, #tpu.memory_space<semaphore_mem>>)
      %dma_wait3A = arith.constant 0 : i32
      %dma_wait3A_109 = tpu.memref_slice %arg12[%add3A_7, %dma_wait3A] : memref<10240x128xf32, #tpu.memory_space<vmem_shared>> -> memref<80x128xf32, #tpu.memory_space<vmem_shared>>
      %dma_wait3A_110 = arith.constant 0 : i32
      %dma_wait3A_111 = tpu.memref_slice %arg12[%add3A_7, %dma_wait3A_110] : memref<10240x128xf32, #tpu.memory_space<vmem_shared>> -> memref<80x128xf32, #tpu.memory_space<vmem_shared>>
      tpu.wait_dma2 semaphore(%run_scoped3A : memref<!tpu.dma_semaphore, #tpu.memory_space<semaphore_mem>>) src(%arg9 : memref<80x128xf32, #tpu.memory_space<vmem>>) dst(%dma_wait3A_111 : memref<80x128xf32, #tpu.memory_space<vmem_shared>>)
      tpu.yield
    }) : () -> ()
    %add3A_8 = arith.constant 160 : i32
    %add3A_9 = arith.addi %mul3A_3, %add3A_8 : i32
    "tpu.region"() ({
      %run_scoped3A = tpu.sem_alloc : memref<!tpu.dma_semaphore, #tpu.memory_space<semaphore_mem>>
      %dma_start3A_105 = arith.constant 0 : i32
      %dma_start3A_106 = tpu.memref_slice %arg12[%add3A_9, %dma_start3A_105] : memref<10240x128xf32, #tpu.memory_space<vmem_shared>> -> memref<80x128xf32, #tpu.memory_space<vmem_shared>>
      %dma_start3A_107 = arith.constant 0 : i32
      %dma_start3A_108 = tpu.memref_slice %arg12[%add3A_9, %dma_start3A_107] : memref<10240x128xf32, #tpu.memory_space<vmem_shared>> -> memref<80x128xf32, #tpu.memory_space<vmem_shared>>
      tpu.enqueue_dma source(%arg9 : memref<80x128xf32, #tpu.memory_space<vmem>>) target(%dma_start3A_108 : memref<80x128xf32, #tpu.memory_space<vmem_shared>>) target_semaphore(%run_scoped3A : memref<!tpu.dma_semaphore, #tpu.memory_space<semaphore_mem>>)
      %dma_wait3A = arith.constant 0 : i32
      %dma_wait3A_109 = tpu.memref_slice %arg12[%add3A_9, %dma_wait3A] : memref<10240x128xf32, #tpu.memory_space<vmem_shared>> -> memref<80x128xf32, #tpu.memory_space<vmem_shared>>
      %dma_wait3A_110 = arith.constant 0 : i32
      %dma_wait3A_111 = tpu.memref_slice %arg12[%add3A_9, %dma_wait3A_110] : memref<10240x128xf32, #tpu.memory_space<vmem_shared>> -> memref<80x128xf32, #tpu.memory_space<vmem_shared>>
      tpu.wait_dma2 semaphore(%run_scoped3A : memref<!tpu.dma_semaphore, #tpu.memory_space<semaphore_mem>>) src(%arg9 : memref<80x128xf32, #tpu.memory_space<vmem>>) dst(%dma_wait3A_111 : memref<80x128xf32, #tpu.memory_space<vmem_shared>>)
      tpu.yield
    }) : () -> ()
    %add3A_10 = arith.constant 240 : i32
    %add3A_11 = arith.addi %mul3A_3, %add3A_10 : i32
    "tpu.region"() ({
      %run_scoped3A = tpu.sem_alloc : memref<!tpu.dma_semaphore, #tpu.memory_space<semaphore_mem>>
      %dma_start3A_105 = arith.constant 0 : i32
      %dma_start3A_106 = tpu.memref_slice %arg12[%add3A_11, %dma_start3A_105] : memref<10240x128xf32, #tpu.memory_space<vmem_shared>> -> memref<80x128xf32, #tpu.memory_space<vmem_shared>>
      %dma_start3A_107 = arith.constant 0 : i32
      %dma_start3A_108 = tpu.memref_slice %arg12[%add3A_11, %dma_start3A_107] : memref<10240x128xf32, #tpu.memory_space<vmem_shared>> -> memref<80x128xf32, #tpu.memory_space<vmem_shared>>
      tpu.enqueue_dma source(%arg9 : memref<80x128xf32, #tpu.memory_space<vmem>>) target(%dma_start3A_108 : memref<80x128xf32, #tpu.memory_space<vmem_shared>>) target_semaphore(%run_scoped3A : memref<!tpu.dma_semaphore, #tpu.memory_space<semaphore_mem>>)
      %dma_wait3A = arith.constant 0 : i32
      %dma_wait3A_109 = tpu.memref_slice %arg12[%add3A_11, %dma_wait3A] : memref<10240x128xf32, #tpu.memory_space<vmem_shared>> -> memref<80x128xf32, #tpu.memory_space<vmem_shared>>
      %dma_wait3A_110 = arith.constant 0 : i32
      %dma_wait3A_111 = tpu.memref_slice %arg12[%add3A_11, %dma_wait3A_110] : memref<10240x128xf32, #tpu.memory_space<vmem_shared>> -> memref<80x128xf32, #tpu.memory_space<vmem_shared>>
      tpu.wait_dma2 semaphore(%run_scoped3A : memref<!tpu.dma_semaphore, #tpu.memory_space<semaphore_mem>>) src(%arg9 : memref<80x128xf32, #tpu.memory_space<vmem>>) dst(%dma_wait3A_111 : memref<80x128xf32, #tpu.memory_space<vmem_shared>>)
      tpu.yield
    }) : () -> ()
    %add3A_12 = arith.constant 320 : i32
    %add3A_13 = arith.addi %mul3A_3, %add3A_12 : i32
    "tpu.region"() ({
      %run_scoped3A = tpu.sem_alloc : memref<!tpu.dma_semaphore, #tpu.memory_space<semaphore_mem>>
      %dma_start3A_105 = arith.constant 0 : i32
      %dma_start3A_106 = tpu.memref_slice %arg12[%add3A_13, %dma_start3A_105] : memref<10240x128xf32, #tpu.memory_space<vmem_shared>> -> memref<80x128xf32, #tpu.memory_space<vmem_shared>>
      %dma_start3A_107 = arith.constant 0 : i32
      %dma_start3A_108 = tpu.memref_slice %arg12[%add3A_13, %dma_start3A_107] : memref<10240x128xf32, #tpu.memory_space<vmem_shared>> -> memref<80x128xf32, #tpu.memory_space<vmem_shared>>
      tpu.enqueue_dma source(%arg9 : memref<80x128xf32, #tpu.memory_space<vmem>>) target(%dma_start3A_108 : memref<80x128xf32, #tpu.memory_space<vmem_shared>>) target_semaphore(%run_scoped3A : memref<!tpu.dma_semaphore, #tpu.memory_space<semaphore_mem>>)
      %dma_wait3A = arith.constant 0 : i32
      %dma_wait3A_109 = tpu.memref_slice %arg12[%add3A_13, %dma_wait3A] : memref<10240x128xf32, #tpu.memory_space<vmem_shared>> -> memref<80x128xf32, #tpu.memory_space<vmem_shared>>
      %dma_wait3A_110 = arith.constant 0 : i32
      %dma_wait3A_111 = tpu.memref_slice %arg12[%add3A_13, %dma_wait3A_110] : memref<10240x128xf32, #tpu.memory_space<vmem_shared>> -> memref<80x128xf32, #tpu.memory_space<vmem_shared>>
      tpu.wait_dma2 semaphore(%run_scoped3A : memref<!tpu.dma_semaphore, #tpu.memory_space<semaphore_mem>>) src(%arg9 : memref<80x128xf32, #tpu.memory_space<vmem>>) dst(%dma_wait3A_111 : memref<80x128xf32, #tpu.memory_space<vmem_shared>>)
      tpu.yield
    }) : () -> ()
    %add3A_14 = arith.constant 400 : i32
    %add3A_15 = arith.addi %mul3A_3, %add3A_14 : i32
    "tpu.region"() ({
      %run_scoped3A = tpu.sem_alloc : memref<!tpu.dma_semaphore, #tpu.memory_space<semaphore_mem>>
      %dma_start3A_105 = arith.constant 0 : i32
      %dma_start3A_106 = tpu.memref_slice %arg12[%add3A_15, %dma_start3A_105] : memref<10240x128xf32, #tpu.memory_space<vmem_shared>> -> memref<80x128xf32, #tpu.memory_space<vmem_shared>>
      %dma_start3A_107 = arith.constant 0 : i32
      %dma_start3A_108 = tpu.memref_slice %arg12[%add3A_15, %dma_start3A_107] : memref<10240x128xf32, #tpu.memory_space<vmem_shared>> -> memref<80x128xf32, #tpu.memory_space<vmem_shared>>
      tpu.enqueue_dma source(%arg9 : memref<80x128xf32, #tpu.memory_space<vmem>>) target(%dma_start3A_108 : memref<80x128xf32, #tpu.memory_space<vmem_shared>>) target_semaphore(%run_scoped3A : memref<!tpu.dma_semaphore, #tpu.memory_space<semaphore_mem>>)
      %dma_wait3A = arith.constant 0 : i32
      %dma_wait3A_109 = tpu.memref_slice %arg12[%add3A_15, %dma_wait3A] : memref<10240x128xf32, #tpu.memory_space<vmem_shared>> -> memref<80x128xf32, #tpu.memory_space<vmem_shared>>
      %dma_wait3A_110 = arith.constant 0 : i32
      %dma_wait3A_111 = tpu.memref_slice %arg12[%add3A_15, %dma_wait3A_110] : memref<10240x128xf32, #tpu.memory_space<vmem_shared>> -> memref<80x128xf32, #tpu.memory_space<vmem_shared>>
      tpu.wait_dma2 semaphore(%run_scoped3A : memref<!tpu.dma_semaphore, #tpu.memory_space<semaphore_mem>>) src(%arg9 : memref<80x128xf32, #tpu.memory_space<vmem>>) dst(%dma_wait3A_111 : memref<80x128xf32, #tpu.memory_space<vmem_shared>>)
      tpu.yield
    }) : () -> ()
    %add3A_16 = arith.constant 480 : i32
    %add3A_17 = arith.addi %mul3A_3, %add3A_16 : i32
    "tpu.region"() ({
      %run_scoped3A = tpu.sem_alloc : memref<!tpu.dma_semaphore, #tpu.memory_space<semaphore_mem>>
      %dma_start3A_105 = arith.constant 0 : i32
      %dma_start3A_106 = tpu.memref_slice %arg12[%add3A_17, %dma_start3A_105] : memref<10240x128xf32, #tpu.memory_space<vmem_shared>> -> memref<80x128xf32, #tpu.memory_space<vmem_shared>>
      %dma_start3A_107 = arith.constant 0 : i32
      %dma_start3A_108 = tpu.memref_slice %arg12[%add3A_17, %dma_start3A_107] : memref<10240x128xf32, #tpu.memory_space<vmem_shared>> -> memref<80x128xf32, #tpu.memory_space<vmem_shared>>
      tpu.enqueue_dma source(%arg9 : memref<80x128xf32, #tpu.memory_space<vmem>>) target(%dma_start3A_108 : memref<80x128xf32, #tpu.memory_space<vmem_shared>>) target_semaphore(%run_scoped3A : memref<!tpu.dma_semaphore, #tpu.memory_space<semaphore_mem>>)
      %dma_wait3A = arith.constant 0 : i32
      %dma_wait3A_109 = tpu.memref_slice %arg12[%add3A_17, %dma_wait3A] : memref<10240x128xf32, #tpu.memory_space<vmem_shared>> -> memref<80x128xf32, #tpu.memory_space<vmem_shared>>
      %dma_wait3A_110 = arith.constant 0 : i32
      %dma_wait3A_111 = tpu.memref_slice %arg12[%add3A_17, %dma_wait3A_110] : memref<10240x128xf32, #tpu.memory_space<vmem_shared>> -> memref<80x128xf32, #tpu.memory_space<vmem_shared>>
      tpu.wait_dma2 semaphore(%run_scoped3A : memref<!tpu.dma_semaphore, #tpu.memory_space<semaphore_mem>>) src(%arg9 : memref<80x128xf32, #tpu.memory_space<vmem>>) dst(%dma_wait3A_111 : memref<80x128xf32, #tpu.memory_space<vmem_shared>>)
      tpu.yield
    }) : () -> ()
    %add3A_18 = arith.constant 560 : i32
    %add3A_19 = arith.addi %mul3A_3, %add3A_18 : i32
    "tpu.region"() ({
      %run_scoped3A = tpu.sem_alloc : memref<!tpu.dma_semaphore, #tpu.memory_space<semaphore_mem>>
      %dma_start3A_105 = arith.constant 0 : i32
      %dma_start3A_106 = tpu.memref_slice %arg12[%add3A_19, %dma_start3A_105] : memref<10240x128xf32, #tpu.memory_space<vmem_shared>> -> memref<80x128xf32, #tpu.memory_space<vmem_shared>>
      %dma_start3A_107 = arith.constant 0 : i32
      %dma_start3A_108 = tpu.memref_slice %arg12[%add3A_19, %dma_start3A_107] : memref<10240x128xf32, #tpu.memory_space<vmem_shared>> -> memref<80x128xf32, #tpu.memory_space<vmem_shared>>
      tpu.enqueue_dma source(%arg9 : memref<80x128xf32, #tpu.memory_space<vmem>>) target(%dma_start3A_108 : memref<80x128xf32, #tpu.memory_space<vmem_shared>>) target_semaphore(%run_scoped3A : memref<!tpu.dma_semaphore, #tpu.memory_space<semaphore_mem>>)
      %dma_wait3A = arith.constant 0 : i32
      %dma_wait3A_109 = tpu.memref_slice %arg12[%add3A_19, %dma_wait3A] : memref<10240x128xf32, #tpu.memory_space<vmem_shared>> -> memref<80x128xf32, #tpu.memory_space<vmem_shared>>
      %dma_wait3A_110 = arith.constant 0 : i32
      %dma_wait3A_111 = tpu.memref_slice %arg12[%add3A_19, %dma_wait3A_110] : memref<10240x128xf32, #tpu.memory_space<vmem_shared>> -> memref<80x128xf32, #tpu.memory_space<vmem_shared>>
      tpu.wait_dma2 semaphore(%run_scoped3A : memref<!tpu.dma_semaphore, #tpu.memory_space<semaphore_mem>>) src(%arg9 : memref<80x128xf32, #tpu.memory_space<vmem>>) dst(%dma_wait3A_111 : memref<80x128xf32, #tpu.memory_space<vmem_shared>>)
      tpu.yield
    }) : () -> ()
    %barrier3A = arith.constant 0 : index
    tpu.barrier barrier_id(%barrier3A)
    %mul3A_20 = arith.constant 16 : i32
    %mul3A_21 = arith.muli %add3A_1, %mul3A_20 : i32
    %add3A_22 = arith.addi %mul3A_21, %arg1 : i32
    %mul3A_23 = arith.constant 5040 : i32
    %mul3A_24 = arith.muli %add3A_22, %mul3A_23 : i32
    "tpu.region"() ({
      %run_scoped3A = tpu.sem_alloc : memref<!tpu.dma_semaphore, #tpu.memory_space<semaphore_mem>>
      %dma_start3A_105 = tpu.memref_slice %arg3[%mul3A_24] : memref<322560xi32, #tpu.memory_space<hbm>> -> memref<5040xi32, #tpu.memory_space<hbm>>
      %dma_start3A_106 = tpu.memref_slice %arg3[%mul3A_24] : memref<322560xi32, #tpu.memory_space<hbm>> -> memref<5040xi32, #tpu.memory_space<hbm>>
      tpu.enqueue_dma source(%dma_start3A_106 : memref<5040xi32, #tpu.memory_space<hbm>>) target(%arg7 : memref<5040xi32, #tpu.memory_space<vmem>>) target_semaphore(%run_scoped3A : memref<!tpu.dma_semaphore, #tpu.memory_space<semaphore_mem>>)
      %dma_wait3A = tpu.memref_slice %arg3[%mul3A_24] : memref<322560xi32, #tpu.memory_space<hbm>> -> memref<5040xi32, #tpu.memory_space<hbm>>
      %dma_wait3A_107 = tpu.memref_slice %arg3[%mul3A_24] : memref<322560xi32, #tpu.memory_space<hbm>> -> memref<5040xi32, #tpu.memory_space<hbm>>
      tpu.wait_dma2 semaphore(%run_scoped3A : memref<!tpu.dma_semaphore, #tpu.memory_space<semaphore_mem>>) src(%dma_wait3A_107 : memref<5040xi32, #tpu.memory_space<hbm>>) dst(%arg7 : memref<5040xi32, #tpu.memory_space<vmem>>)
      tpu.yield
    }) : () -> ()
    "tpu.region"() ({
      %run_scoped3A = tpu.sem_alloc : memref<!tpu.dma_semaphore, #tpu.memory_space<semaphore_mem>>
      %dma_start3A_105 = arith.constant 0 : i32
      %dma_start3A_106 = arith.constant 0 : i32
      %dma_start3A_107 = tpu.memref_slice %arg4[%add3A_1, %arg1, %dma_start3A_105, %dma_start3A_106] : memref<4x16x63x80xi32, #tpu.memory_space<hbm>> -> memref<1x1x63x80xi32, #tpu.memory_space<hbm>>
      %dma_start3A_108 = tpu.memref_squeeze %dma_start3A_107 : memref<1x1x63x80xi32, #tpu.memory_space<hbm>> -> memref<63x80xi32, #tpu.memory_space<hbm>>
      %dma_start3A_109 = arith.constant 0 : i32
      %dma_start3A_110 = arith.constant 0 : i32
      %dma_start3A_111 = tpu.memref_slice %arg4[%add3A_1, %arg1, %dma_start3A_109, %dma_start3A_110] : memref<4x16x63x80xi32, #tpu.memory_space<hbm>> -> memref<1x1x63x80xi32, #tpu.memory_space<hbm>>
      %dma_start3A_112 = tpu.memref_squeeze %dma_start3A_111 : memref<1x1x63x80xi32, #tpu.memory_space<hbm>> -> memref<63x80xi32, #tpu.memory_space<hbm>>
      tpu.enqueue_dma source(%dma_start3A_112 : memref<63x80xi32, #tpu.memory_space<hbm>>) target(%arg8 : memref<63x80xi32, #tpu.memory_space<vmem>>) target_semaphore(%run_scoped3A : memref<!tpu.dma_semaphore, #tpu.memory_space<semaphore_mem>>)
      %dma_wait3A = arith.constant 0 : i32
      %dma_wait3A_113 = arith.constant 0 : i32
      %dma_wait3A_114 = tpu.memref_slice %arg4[%add3A_1, %arg1, %dma_wait3A, %dma_wait3A_113] : memref<4x16x63x80xi32, #tpu.memory_space<hbm>> -> memref<1x1x63x80xi32, #tpu.memory_space<hbm>>
      %dma_wait3A_115 = tpu.memref_squeeze %dma_wait3A_114 : memref<1x1x63x80xi32, #tpu.memory_space<hbm>> -> memref<63x80xi32, #tpu.memory_space<hbm>>
      %dma_wait3A_116 = arith.constant 0 : i32
      %dma_wait3A_117 = arith.constant 0 : i32
      %dma_wait3A_118 = tpu.memref_slice %arg4[%add3A_1, %arg1, %dma_wait3A_116, %dma_wait3A_117] : memref<4x16x63x80xi32, #tpu.memory_space<hbm>> -> memref<1x1x63x80xi32, #tpu.memory_space<hbm>>
      %dma_wait3A_119 = tpu.memref_squeeze %dma_wait3A_118 : memref<1x1x63x80xi32, #tpu.memory_space<hbm>> -> memref<63x80xi32, #tpu.memory_space<hbm>>
      tpu.wait_dma2 semaphore(%run_scoped3A : memref<!tpu.dma_semaphore, #tpu.memory_space<semaphore_mem>>) src(%dma_wait3A_119 : memref<63x80xi32, #tpu.memory_space<hbm>>) dst(%arg8 : memref<63x80xi32, #tpu.memory_space<vmem>>)
      tpu.yield
    }) : () -> ()
    %dma_start3A = arith.constant 0 : i32
    %dma_start3A_25 = tpu.memref_slice %arg7[%dma_start3A] : memref<5040xi32, #tpu.memory_space<vmem>> -> memref<80xi32, #tpu.memory_space<vmem>>
    %dma_start3A_26 = arith.constant 0 : i32
    %dma_start3A_27 = arith.constant 0 : i32
    %dma_start3A_28 = tpu.memref_slice %arg2[%dma_start3A_26, %dma_start3A_27] : memref<10000x128xf32, #tpu.memory_space<hbm>> -> memref<10000x128xf32, #tpu.memory_space<hbm>>
    tpu.enqueue_indirect_dma source(%dma_start3A_28 : memref<10000x128xf32, #tpu.memory_space<hbm>>) target(%arg9 : memref<80x128xf32, #tpu.memory_space<vmem>>) offsets(%dma_start3A_25 : memref<80xi32, #tpu.memory_space<vmem>>) semaphore(%arg13 : memref<!tpu.dma_semaphore, #tpu.memory_space<semaphore_mem>>)
    %dma_start3A_29 = arith.constant 80 : i32
    %dma_start3A_30 = tpu.memref_slice %arg7[%dma_start3A_29] : memref<5040xi32, #tpu.memory_space<vmem>> -> memref<80xi32, #tpu.memory_space<vmem>>
    %dma_start3A_31 = arith.constant 0 : i32
    %dma_start3A_32 = arith.constant 0 : i32
    %dma_start3A_33 = tpu.memref_slice %arg2[%dma_start3A_31, %dma_start3A_32] : memref<10000x128xf32, #tpu.memory_space<hbm>> -> memref<10000x128xf32, #tpu.memory_space<hbm>>
    tpu.enqueue_indirect_dma source(%dma_start3A_33 : memref<10000x128xf32, #tpu.memory_space<hbm>>) target(%arg10 : memref<80x128xf32, #tpu.memory_space<vmem>>) offsets(%dma_start3A_30 : memref<80xi32, #tpu.memory_space<vmem>>) semaphore(%arg14 : memref<!tpu.dma_semaphore, #tpu.memory_space<semaphore_mem>>)
    %dma_start3A_34 = arith.constant 160 : i32
    %dma_start3A_35 = tpu.memref_slice %arg7[%dma_start3A_34] : memref<5040xi32, #tpu.memory_space<vmem>> -> memref<80xi32, #tpu.memory_space<vmem>>
    %dma_start3A_36 = arith.constant 0 : i32
    %dma_start3A_37 = arith.constant 0 : i32
    %dma_start3A_38 = tpu.memref_slice %arg2[%dma_start3A_36, %dma_start3A_37] : memref<10000x128xf32, #tpu.memory_space<hbm>> -> memref<10000x128xf32, #tpu.memory_space<hbm>>
    tpu.enqueue_indirect_dma source(%dma_start3A_38 : memref<10000x128xf32, #tpu.memory_space<hbm>>) target(%arg11 : memref<80x128xf32, #tpu.memory_space<vmem>>) offsets(%dma_start3A_35 : memref<80xi32, #tpu.memory_space<vmem>>) semaphore(%arg15 : memref<!tpu.dma_semaphore, #tpu.memory_space<semaphore_mem>>)
    %scan3A = arith.constant 0 : i32
    %scan3A_39 = arith.constant 0 : i32
    %scan3A_40 = arith.constant 21 : i32
    %scan3A_41 = arith.addi %scan3A_39, %scan3A_40 : i32
    %scan3A_42 = arith.constant 1 : i32
    scf.for %scan3A_105 = %scan3A_39 to %scan3A_41 step %scan3A_42  : i32 {
      %mul3A_106 = arith.constant 3 : i32
      %mul3A_107 = arith.muli %mul3A_106, %scan3A_105 : i32
      %add3A_108 = arith.constant 0 : i32
      %add3A_109 = arith.addi %mul3A_107, %add3A_108 : i32
      %mul3A_110 = arith.constant 80 : i32
      %mul3A_111 = arith.muli %add3A_109, %mul3A_110 : i32
      %dma_wait3A = tpu.memref_slice %arg7[%mul3A_111] : memref<5040xi32, #tpu.memory_space<vmem>> -> memref<80xi32, #tpu.memory_space<vmem>>
      %dma_wait3A_112 = arith.constant 0 : i32
      %dma_wait3A_113 = arith.constant 0 : i32
      %dma_wait3A_114 = tpu.memref_slice %arg2[%dma_wait3A_112, %dma_wait3A_113] : memref<10000x128xf32, #tpu.memory_space<hbm>> -> memref<10000x128xf32, #tpu.memory_space<hbm>>
      tpu.wait_indirect_dma semaphore(%arg13 : memref<!tpu.dma_semaphore, #tpu.memory_space<semaphore_mem>>) src(%dma_wait3A_114 : memref<10000x128xf32, #tpu.memory_space<hbm>>) dst(%arg9 : memref<80x128xf32, #tpu.memory_space<vmem>>)
      "tpu.region"() ({
        %run_scoped3A = tpu.sem_alloc : memref<!tpu.dma_semaphore, #tpu.memory_space<semaphore_mem>>
        %dma_start3A_153 = arith.constant 0 : i32
        %dma_start3A_154 = tpu.memref_slice %arg8[%add3A_109, %dma_start3A_153] : memref<63x80xi32, #tpu.memory_space<vmem>> -> memref<1x80xi32, #tpu.memory_space<vmem>>
        %dma_start3A_155 = tpu.memref_squeeze %dma_start3A_154 : memref<1x80xi32, #tpu.memory_space<vmem>> -> memref<80xi32, #tpu.memory_space<vmem>>
        %dma_start3A_156 = arith.constant 0 : i32
        %dma_start3A_157 = arith.constant 0 : i32
        %dma_start3A_158 = tpu.memref_slice %arg12[%dma_start3A_156, %dma_start3A_157] : memref<10240x128xf32, #tpu.memory_space<vmem_shared>> -> memref<10240x128xf32, #tpu.memory_space<vmem_shared>>
        tpu.enqueue_indirect_dma source(%arg9 : memref<80x128xf32, #tpu.memory_space<vmem>>) target(%dma_start3A_158 : memref<10240x128xf32, #tpu.memory_space<vmem_shared>>) offsets(%dma_start3A_155 : memref<80xi32, #tpu.memory_space<vmem>>) semaphore(%run_scoped3A : memref<!tpu.dma_semaphore, #tpu.memory_space<semaphore_mem>>) {add = true}
        %dma_wait3A_159 = arith.constant 0 : i32
        %dma_wait3A_160 = tpu.memref_slice %arg8[%add3A_109, %dma_wait3A_159] : memref<63x80xi32, #tpu.memory_space<vmem>> -> memref<1x80xi32, #tpu.memory_space<vmem>>
        %dma_wait3A_161 = tpu.memref_squeeze %dma_wait3A_160 : memref<1x80xi32, #tpu.memory_space<vmem>> -> memref<80xi32, #tpu.memory_space<vmem>>
        %dma_wait3A_162 = arith.constant 0 : i32
        %dma_wait3A_163 = arith.constant 0 : i32
        %dma_wait3A_164 = tpu.memref_slice %arg12[%dma_wait3A_162, %dma_wait3A_163] : memref<10240x128xf32, #tpu.memory_space<vmem_shared>> -> memref<10240x128xf32, #tpu.memory_space<vmem_shared>>
        tpu.wait_indirect_dma semaphore(%run_scoped3A : memref<!tpu.dma_semaphore, #tpu.memory_space<semaphore_mem>>) src(%arg9 : memref<80x128xf32, #tpu.memory_space<vmem>>) dst(%dma_wait3A_164 : memref<10240x128xf32, #tpu.memory_space<vmem_shared>>)
        tpu.yield
      }) : () -> ()
      %add3A_115 = arith.constant 3 : i32
      %add3A_116 = arith.addi %add3A_109, %add3A_115 : i32
      %lt3A = arith.constant 63 : i32
      %lt3A_117 = arith.cmpi slt, %add3A_116, %lt3A : i32
      %convert_element_type3A = arith.extui %lt3A_117 : i1 to i32
      %cond3A = arith.constant 0 : i32
      %cond3A_118 = arith.cmpi ne, %convert_element_type3A, %cond3A : i32
      scf.if %cond3A_118 {
        %add3A_153 = arith.constant 3 : i32
        %add3A_154 = arith.addi %add3A_109, %add3A_153 : i32
        %mul3A_155 = arith.constant 80 : i32
        %mul3A_156 = arith.muli %add3A_154, %mul3A_155 : i32
        %dma_start3A_157 = tpu.memref_slice %arg7[%mul3A_156] : memref<5040xi32, #tpu.memory_space<vmem>> -> memref<80xi32, #tpu.memory_space<vmem>>
        %dma_start3A_158 = arith.constant 0 : i32
        %dma_start3A_159 = arith.constant 0 : i32
        %dma_start3A_160 = tpu.memref_slice %arg2[%dma_start3A_158, %dma_start3A_159] : memref<10000x128xf32, #tpu.memory_space<hbm>> -> memref<10000x128xf32, #tpu.memory_space<hbm>>
        tpu.enqueue_indirect_dma source(%dma_start3A_160 : memref<10000x128xf32, #tpu.memory_space<hbm>>) target(%arg9 : memref<80x128xf32, #tpu.memory_space<vmem>>) offsets(%dma_start3A_157 : memref<80xi32, #tpu.memory_space<vmem>>) semaphore(%arg13 : memref<!tpu.dma_semaphore, #tpu.memory_space<semaphore_mem>>)
      } else {
      }
      %mul3A_119 = arith.constant 3 : i32
      %mul3A_120 = arith.muli %mul3A_119, %scan3A_105 : i32
      %add3A_121 = arith.constant 1 : i32
      %add3A_122 = arith.addi %mul3A_120, %add3A_121 : i32
      %mul3A_123 = arith.constant 80 : i32
      %mul3A_124 = arith.muli %add3A_122, %mul3A_123 : i32
      %dma_wait3A_125 = tpu.memref_slice %arg7[%mul3A_124] : memref<5040xi32, #tpu.memory_space<vmem>> -> memref<80xi32, #tpu.memory_space<vmem>>
      %dma_wait3A_126 = arith.constant 0 : i32
      %dma_wait3A_127 = arith.constant 0 : i32
      %dma_wait3A_128 = tpu.memref_slice %arg2[%dma_wait3A_126, %dma_wait3A_127] : memref<10000x128xf32, #tpu.memory_space<hbm>> -> memref<10000x128xf32, #tpu.memory_space<hbm>>
      tpu.wait_indirect_dma semaphore(%arg14 : memref<!tpu.dma_semaphore, #tpu.memory_space<semaphore_mem>>) src(%dma_wait3A_128 : memref<10000x128xf32, #tpu.memory_space<hbm>>) dst(%arg10 : memref<80x128xf32, #tpu.memory_space<vmem>>)
      "tpu.region"() ({
        %run_scoped3A = tpu.sem_alloc : memref<!tpu.dma_semaphore, #tpu.memory_space<semaphore_mem>>
        %dma_start3A_153 = arith.constant 0 : i32
        %dma_start3A_154 = tpu.memref_slice %arg8[%add3A_122, %dma_start3A_153] : memref<63x80xi32, #tpu.memory_space<vmem>> -> memref<1x80xi32, #tpu.memory_space<vmem>>
        %dma_start3A_155 = tpu.memref_squeeze %dma_start3A_154 : memref<1x80xi32, #tpu.memory_space<vmem>> -> memref<80xi32, #tpu.memory_space<vmem>>
        %dma_start3A_156 = arith.constant 0 : i32
        %dma_start3A_157 = arith.constant 0 : i32
        %dma_start3A_158 = tpu.memref_slice %arg12[%dma_start3A_156, %dma_start3A_157] : memref<10240x128xf32, #tpu.memory_space<vmem_shared>> -> memref<10240x128xf32, #tpu.memory_space<vmem_shared>>
        tpu.enqueue_indirect_dma source(%arg10 : memref<80x128xf32, #tpu.memory_space<vmem>>) target(%dma_start3A_158 : memref<10240x128xf32, #tpu.memory_space<vmem_shared>>) offsets(%dma_start3A_155 : memref<80xi32, #tpu.memory_space<vmem>>) semaphore(%run_scoped3A : memref<!tpu.dma_semaphore, #tpu.memory_space<semaphore_mem>>) {add = true}
        %dma_wait3A_159 = arith.constant 0 : i32
        %dma_wait3A_160 = tpu.memref_slice %arg8[%add3A_122, %dma_wait3A_159] : memref<63x80xi32, #tpu.memory_space<vmem>> -> memref<1x80xi32, #tpu.memory_space<vmem>>
        %dma_wait3A_161 = tpu.memref_squeeze %dma_wait3A_160 : memref<1x80xi32, #tpu.memory_space<vmem>> -> memref<80xi32, #tpu.memory_space<vmem>>
        %dma_wait3A_162 = arith.constant 0 : i32
        %dma_wait3A_163 = arith.constant 0 : i32
        %dma_wait3A_164 = tpu.memref_slice %arg12[%dma_wait3A_162, %dma_wait3A_163] : memref<10240x128xf32, #tpu.memory_space<vmem_shared>> -> memref<10240x128xf32, #tpu.memory_space<vmem_shared>>
        tpu.wait_indirect_dma semaphore(%run_scoped3A : memref<!tpu.dma_semaphore, #tpu.memory_space<semaphore_mem>>) src(%arg10 : memref<80x128xf32, #tpu.memory_space<vmem>>) dst(%dma_wait3A_164 : memref<10240x128xf32, #tpu.memory_space<vmem_shared>>)
        tpu.yield
      }) : () -> ()
      %add3A_129 = arith.constant 3 : i32
      %add3A_130 = arith.addi %add3A_122, %add3A_129 : i32
      %lt3A_131 = arith.constant 63 : i32
      %lt3A_132 = arith.cmpi slt, %add3A_130, %lt3A_131 : i32
      %convert_element_type3A_133 = arith.extui %lt3A_132 : i1 to i32
      %cond3A_134 = arith.constant 0 : i32
      %cond3A_135 = arith.cmpi ne, %convert_element_type3A_133, %cond3A_134 : i32
      scf.if %cond3A_135 {
        %add3A_153 = arith.constant 3 : i32
        %add3A_154 = arith.addi %add3A_122, %add3A_153 : i32
        %mul3A_155 = arith.constant 80 : i32
        %mul3A_156 = arith.muli %add3A_154, %mul3A_155 : i32
        %dma_start3A_157 = tpu.memref_slice %arg7[%mul3A_156] : memref<5040xi32, #tpu.memory_space<vmem>> -> memref<80xi32, #tpu.memory_space<vmem>>
        %dma_start3A_158 = arith.constant 0 : i32
        %dma_start3A_159 = arith.constant 0 : i32
        %dma_start3A_160 = tpu.memref_slice %arg2[%dma_start3A_158, %dma_start3A_159] : memref<10000x128xf32, #tpu.memory_space<hbm>> -> memref<10000x128xf32, #tpu.memory_space<hbm>>
        tpu.enqueue_indirect_dma source(%dma_start3A_160 : memref<10000x128xf32, #tpu.memory_space<hbm>>) target(%arg10 : memref<80x128xf32, #tpu.memory_space<vmem>>) offsets(%dma_start3A_157 : memref<80xi32, #tpu.memory_space<vmem>>) semaphore(%arg14 : memref<!tpu.dma_semaphore, #tpu.memory_space<semaphore_mem>>)
      } else {
      }
      %mul3A_136 = arith.constant 3 : i32
      %mul3A_137 = arith.muli %mul3A_136, %scan3A_105 : i32
      %add3A_138 = arith.constant 2 : i32
      %add3A_139 = arith.addi %mul3A_137, %add3A_138 : i32
      %mul3A_140 = arith.constant 80 : i32
      %mul3A_141 = arith.muli %add3A_139, %mul3A_140 : i32
      %dma_wait3A_142 = tpu.memref_slice %arg7[%mul3A_141] : memref<5040xi32, #tpu.memory_space<vmem>> -> memref<80xi32, #tpu.memory_space<vmem>>
      %dma_wait3A_143 = arith.constant 0 : i32
      %dma_wait3A_144 = arith.constant 0 : i32
      %dma_wait3A_145 = tpu.memref_slice %arg2[%dma_wait3A_143, %dma_wait3A_144] : memref<10000x128xf32, #tpu.memory_space<hbm>> -> memref<10000x128xf32, #tpu.memory_space<hbm>>
      tpu.wait_indirect_dma semaphore(%arg15 : memref<!tpu.dma_semaphore, #tpu.memory_space<semaphore_mem>>) src(%dma_wait3A_145 : memref<10000x128xf32, #tpu.memory_space<hbm>>) dst(%arg11 : memref<80x128xf32, #tpu.memory_space<vmem>>)
      "tpu.region"() ({
        %run_scoped3A = tpu.sem_alloc : memref<!tpu.dma_semaphore, #tpu.memory_space<semaphore_mem>>
        %dma_start3A_153 = arith.constant 0 : i32
        %dma_start3A_154 = tpu.memref_slice %arg8[%add3A_139, %dma_start3A_153] : memref<63x80xi32, #tpu.memory_space<vmem>> -> memref<1x80xi32, #tpu.memory_space<vmem>>
        %dma_start3A_155 = tpu.memref_squeeze %dma_start3A_154 : memref<1x80xi32, #tpu.memory_space<vmem>> -> memref<80xi32, #tpu.memory_space<vmem>>
        %dma_start3A_156 = arith.constant 0 : i32
        %dma_start3A_157 = arith.constant 0 : i32
        %dma_start3A_158 = tpu.memref_slice %arg12[%dma_start3A_156, %dma_start3A_157] : memref<10240x128xf32, #tpu.memory_space<vmem_shared>> -> memref<10240x128xf32, #tpu.memory_space<vmem_shared>>
        tpu.enqueue_indirect_dma source(%arg11 : memref<80x128xf32, #tpu.memory_space<vmem>>) target(%dma_start3A_158 : memref<10240x128xf32, #tpu.memory_space<vmem_shared>>) offsets(%dma_start3A_155 : memref<80xi32, #tpu.memory_space<vmem>>) semaphore(%run_scoped3A : memref<!tpu.dma_semaphore, #tpu.memory_space<semaphore_mem>>) {add = true}
        %dma_wait3A_159 = arith.constant 0 : i32
        %dma_wait3A_160 = tpu.memref_slice %arg8[%add3A_139, %dma_wait3A_159] : memref<63x80xi32, #tpu.memory_space<vmem>> -> memref<1x80xi32, #tpu.memory_space<vmem>>
        %dma_wait3A_161 = tpu.memref_squeeze %dma_wait3A_160 : memref<1x80xi32, #tpu.memory_space<vmem>> -> memref<80xi32, #tpu.memory_space<vmem>>
        %dma_wait3A_162 = arith.constant 0 : i32
        %dma_wait3A_163 = arith.constant 0 : i32
        %dma_wait3A_164 = tpu.memref_slice %arg12[%dma_wait3A_162, %dma_wait3A_163] : memref<10240x128xf32, #tpu.memory_space<vmem_shared>> -> memref<10240x128xf32, #tpu.memory_space<vmem_shared>>
        tpu.wait_indirect_dma semaphore(%run_scoped3A : memref<!tpu.dma_semaphore, #tpu.memory_space<semaphore_mem>>) src(%arg11 : memref<80x128xf32, #tpu.memory_space<vmem>>) dst(%dma_wait3A_164 : memref<10240x128xf32, #tpu.memory_space<vmem_shared>>)
        tpu.yield
      }) : () -> ()
      %add3A_146 = arith.constant 3 : i32
      %add3A_147 = arith.addi %add3A_139, %add3A_146 : i32
      %lt3A_148 = arith.constant 63 : i32
      %lt3A_149 = arith.cmpi slt, %add3A_147, %lt3A_148 : i32
      %convert_element_type3A_150 = arith.extui %lt3A_149 : i1 to i32
      %cond3A_151 = arith.constant 0 : i32
      %cond3A_152 = arith.cmpi ne, %convert_element_type3A_150, %cond3A_151 : i32
      scf.if %cond3A_152 {
        %add3A_153 = arith.constant 3 : i32
        %add3A_154 = arith.addi %add3A_139, %add3A_153 : i32
        %mul3A_155 = arith.constant 80 : i32
        %mul3A_156 = arith.muli %add3A_154, %mul3A_155 : i32
        %dma_start3A_157 = tpu.memref_slice %arg7[%mul3A_156] : memref<5040xi32, #tpu.memory_space<vmem>> -> memref<80xi32, #tpu.memory_space<vmem>>
        %dma_start3A_158 = arith.constant 0 : i32
        %dma_start3A_159 = arith.constant 0 : i32
        %dma_start3A_160 = tpu.memref_slice %arg2[%dma_start3A_158, %dma_start3A_159] : memref<10000x128xf32, #tpu.memory_space<hbm>> -> memref<10000x128xf32, #tpu.memory_space<hbm>>
        tpu.enqueue_indirect_dma source(%dma_start3A_160 : memref<10000x128xf32, #tpu.memory_space<hbm>>) target(%arg11 : memref<80x128xf32, #tpu.memory_space<vmem>>) offsets(%dma_start3A_157 : memref<80xi32, #tpu.memory_space<vmem>>) semaphore(%arg15 : memref<!tpu.dma_semaphore, #tpu.memory_space<semaphore_mem>>)
      } else {
      }
    }
    %scan3A_43 = arith.constant 21 : i32
    %barrier3A_44 = arith.constant 0 : index
    tpu.barrier barrier_id(%barrier3A_44)
    %mul3A_45 = arith.constant 640 : i32
    %mul3A_46 = arith.muli %arg1, %mul3A_45 : i32
    %mul3A_47 = arith.constant 640 : i32
    %mul3A_48 = arith.muli %arg1, %mul3A_47 : i32
    "tpu.region"() ({
      %run_scoped3A = tpu.sem_alloc : memref<!tpu.dma_semaphore, #tpu.memory_space<semaphore_mem>>
      %dma_start3A_105 = arith.constant 0 : i32
      %dma_start3A_106 = tpu.memref_slice %arg6[%add3A_1, %mul3A_48, %dma_start3A_105] : memref<4x10240x128xf32, #tpu.memory_space<hbm>> -> memref<1x640x128xf32, #tpu.memory_space<hbm>>
      %dma_start3A_107 = tpu.memref_squeeze %dma_start3A_106 : memref<1x640x128xf32, #tpu.memory_space<hbm>> -> memref<640x128xf32, #tpu.memory_space<hbm>>
      %dma_start3A_108 = arith.constant 0 : i32
      %dma_start3A_109 = tpu.memref_slice %arg12[%mul3A_46, %dma_start3A_108] : memref<10240x128xf32, #tpu.memory_space<vmem_shared>> -> memref<640x128xf32, #tpu.memory_space<vmem_shared>>
      tpu.enqueue_dma source(%dma_start3A_109 : memref<640x128xf32, #tpu.memory_space<vmem_shared>>) target(%dma_start3A_107 : memref<640x128xf32, #tpu.memory_space<hbm>>) target_semaphore(%run_scoped3A : memref<!tpu.dma_semaphore, #tpu.memory_space<semaphore_mem>>)
      %dma_wait3A = arith.constant 0 : i32
      %dma_wait3A_110 = tpu.memref_slice %arg6[%add3A_1, %mul3A_48, %dma_wait3A] : memref<4x10240x128xf32, #tpu.memory_space<hbm>> -> memref<1x640x128xf32, #tpu.memory_space<hbm>>
      %dma_wait3A_111 = tpu.memref_squeeze %dma_wait3A_110 : memref<1x640x128xf32, #tpu.memory_space<hbm>> -> memref<640x128xf32, #tpu.memory_space<hbm>>
      %dma_wait3A_112 = arith.constant 0 : i32
      %dma_wait3A_113 = tpu.memref_slice %arg12[%mul3A_46, %dma_wait3A_112] : memref<10240x128xf32, #tpu.memory_space<vmem_shared>> -> memref<640x128xf32, #tpu.memory_space<vmem_shared>>
      tpu.wait_dma2 semaphore(%run_scoped3A : memref<!tpu.dma_semaphore, #tpu.memory_space<semaphore_mem>>) src(%dma_wait3A_113 : memref<640x128xf32, #tpu.memory_space<vmem_shared>>) dst(%dma_wait3A_111 : memref<640x128xf32, #tpu.memory_space<hbm>>)
      tpu.yield
    }) : () -> ()
    %barrier3A_49 = arith.constant 0 : index
    tpu.barrier barrier_id(%barrier3A_49)
    %mul3A_50 = arith.constant 2 : i32
    %mul3A_51 = arith.muli %arg0, %mul3A_50 : i32
    %add3A_52 = arith.constant 1 : i32
    %add3A_53 = arith.addi %mul3A_51, %add3A_52 : i32
    "tpu.region"() ({
      %run_scoped3A = tpu.sem_alloc : memref<!tpu.dma_semaphore, #tpu.memory_space<semaphore_mem>>
      tpu.enqueue_dma source(%arg5 : memref<80x128xf32, #tpu.memory_space<hbm>>) target(%arg9 : memref<80x128xf32, #tpu.memory_space<vmem>>) target_semaphore(%run_scoped3A : memref<!tpu.dma_semaphore, #tpu.memory_space<semaphore_mem>>)
      tpu.wait_dma2 semaphore(%run_scoped3A : memref<!tpu.dma_semaphore, #tpu.memory_space<semaphore_mem>>) src(%arg5 : memref<80x128xf32, #tpu.memory_space<hbm>>) dst(%arg9 : memref<80x128xf32, #tpu.memory_space<vmem>>)
      tpu.yield
    }) : () -> ()
    %mul3A_54 = arith.constant 640 : i32
    %mul3A_55 = arith.muli %arg1, %mul3A_54 : i32
    %add3A_56 = arith.constant 0 : i32
    %add3A_57 = arith.addi %mul3A_55, %add3A_56 : i32
    "tpu.region"() ({
      %run_scoped3A = tpu.sem_alloc : memref<!tpu.dma_semaphore, #tpu.memory_space<semaphore_mem>>
      %dma_start3A_105 = arith.constant 0 : i32
      %dma_start3A_106 = tpu.memref_slice %arg12[%add3A_57, %dma_start3A_105] : memref<10240x128xf32, #tpu.memory_space<vmem_shared>> -> memref<80x128xf32, #tpu.memory_space<vmem_shared>>
      %dma_start3A_107 = arith.constant 0 : i32
      %dma_start3A_108 = tpu.memref_slice %arg12[%add3A_57, %dma_start3A_107] : memref<10240x128xf32, #tpu.memory_space<vmem_shared>> -> memref<80x128xf32, #tpu.memory_space<vmem_shared>>
      tpu.enqueue_dma source(%arg9 : memref<80x128xf32, #tpu.memory_space<vmem>>) target(%dma_start3A_108 : memref<80x128xf32, #tpu.memory_space<vmem_shared>>) target_semaphore(%run_scoped3A : memref<!tpu.dma_semaphore, #tpu.memory_space<semaphore_mem>>)
      %dma_wait3A = arith.constant 0 : i32
      %dma_wait3A_109 = tpu.memref_slice %arg12[%add3A_57, %dma_wait3A] : memref<10240x128xf32, #tpu.memory_space<vmem_shared>> -> memref<80x128xf32, #tpu.memory_space<vmem_shared>>
      %dma_wait3A_110 = arith.constant 0 : i32
      %dma_wait3A_111 = tpu.memref_slice %arg12[%add3A_57, %dma_wait3A_110] : memref<10240x128xf32, #tpu.memory_space<vmem_shared>> -> memref<80x128xf32, #tpu.memory_space<vmem_shared>>
      tpu.wait_dma2 semaphore(%run_scoped3A : memref<!tpu.dma_semaphore, #tpu.memory_space<semaphore_mem>>) src(%arg9 : memref<80x128xf32, #tpu.memory_space<vmem>>) dst(%dma_wait3A_111 : memref<80x128xf32, #tpu.memory_space<vmem_shared>>)
      tpu.yield
    }) : () -> ()
    %add3A_58 = arith.constant 80 : i32
    %add3A_59 = arith.addi %mul3A_55, %add3A_58 : i32
    "tpu.region"() ({
      %run_scoped3A = tpu.sem_alloc : memref<!tpu.dma_semaphore, #tpu.memory_space<semaphore_mem>>
      %dma_start3A_105 = arith.constant 0 : i32
      %dma_start3A_106 = tpu.memref_slice %arg12[%add3A_59, %dma_start3A_105] : memref<10240x128xf32, #tpu.memory_space<vmem_shared>> -> memref<80x128xf32, #tpu.memory_space<vmem_shared>>
      %dma_start3A_107 = arith.constant 0 : i32
      %dma_start3A_108 = tpu.memref_slice %arg12[%add3A_59, %dma_start3A_107] : memref<10240x128xf32, #tpu.memory_space<vmem_shared>> -> memref<80x128xf32, #tpu.memory_space<vmem_shared>>
      tpu.enqueue_dma source(%arg9 : memref<80x128xf32, #tpu.memory_space<vmem>>) target(%dma_start3A_108 : memref<80x128xf32, #tpu.memory_space<vmem_shared>>) target_semaphore(%run_scoped3A : memref<!tpu.dma_semaphore, #tpu.memory_space<semaphore_mem>>)
      %dma_wait3A = arith.constant 0 : i32
      %dma_wait3A_109 = tpu.memref_slice %arg12[%add3A_59, %dma_wait3A] : memref<10240x128xf32, #tpu.memory_space<vmem_shared>> -> memref<80x128xf32, #tpu.memory_space<vmem_shared>>
      %dma_wait3A_110 = arith.constant 0 : i32
      %dma_wait3A_111 = tpu.memref_slice %arg12[%add3A_59, %dma_wait3A_110] : memref<10240x128xf32, #tpu.memory_space<vmem_shared>> -> memref<80x128xf32, #tpu.memory_space<vmem_shared>>
      tpu.wait_dma2 semaphore(%run_scoped3A : memref<!tpu.dma_semaphore, #tpu.memory_space<semaphore_mem>>) src(%arg9 : memref<80x128xf32, #tpu.memory_space<vmem>>) dst(%dma_wait3A_111 : memref<80x128xf32, #tpu.memory_space<vmem_shared>>)
      tpu.yield
    }) : () -> ()
    %add3A_60 = arith.constant 160 : i32
    %add3A_61 = arith.addi %mul3A_55, %add3A_60 : i32
    "tpu.region"() ({
      %run_scoped3A = tpu.sem_alloc : memref<!tpu.dma_semaphore, #tpu.memory_space<semaphore_mem>>
      %dma_start3A_105 = arith.constant 0 : i32
      %dma_start3A_106 = tpu.memref_slice %arg12[%add3A_61, %dma_start3A_105] : memref<10240x128xf32, #tpu.memory_space<vmem_shared>> -> memref<80x128xf32, #tpu.memory_space<vmem_shared>>
      %dma_start3A_107 = arith.constant 0 : i32
      %dma_start3A_108 = tpu.memref_slice %arg12[%add3A_61, %dma_start3A_107] : memref<10240x128xf32, #tpu.memory_space<vmem_shared>> -> memref<80x128xf32, #tpu.memory_space<vmem_shared>>
      tpu.enqueue_dma source(%arg9 : memref<80x128xf32, #tpu.memory_space<vmem>>) target(%dma_start3A_108 : memref<80x128xf32, #tpu.memory_space<vmem_shared>>) target_semaphore(%run_scoped3A : memref<!tpu.dma_semaphore, #tpu.memory_space<semaphore_mem>>)
      %dma_wait3A = arith.constant 0 : i32
      %dma_wait3A_109 = tpu.memref_slice %arg12[%add3A_61, %dma_wait3A] : memref<10240x128xf32, #tpu.memory_space<vmem_shared>> -> memref<80x128xf32, #tpu.memory_space<vmem_shared>>
      %dma_wait3A_110 = arith.constant 0 : i32
      %dma_wait3A_111 = tpu.memref_slice %arg12[%add3A_61, %dma_wait3A_110] : memref<10240x128xf32, #tpu.memory_space<vmem_shared>> -> memref<80x128xf32, #tpu.memory_space<vmem_shared>>
      tpu.wait_dma2 semaphore(%run_scoped3A : memref<!tpu.dma_semaphore, #tpu.memory_space<semaphore_mem>>) src(%arg9 : memref<80x128xf32, #tpu.memory_space<vmem>>) dst(%dma_wait3A_111 : memref<80x128xf32, #tpu.memory_space<vmem_shared>>)
      tpu.yield
    }) : () -> ()
    %add3A_62 = arith.constant 240 : i32
    %add3A_63 = arith.addi %mul3A_55, %add3A_62 : i32
    "tpu.region"() ({
      %run_scoped3A = tpu.sem_alloc : memref<!tpu.dma_semaphore, #tpu.memory_space<semaphore_mem>>
      %dma_start3A_105 = arith.constant 0 : i32
      %dma_start3A_106 = tpu.memref_slice %arg12[%add3A_63, %dma_start3A_105] : memref<10240x128xf32, #tpu.memory_space<vmem_shared>> -> memref<80x128xf32, #tpu.memory_space<vmem_shared>>
      %dma_start3A_107 = arith.constant 0 : i32
      %dma_start3A_108 = tpu.memref_slice %arg12[%add3A_63, %dma_start3A_107] : memref<10240x128xf32, #tpu.memory_space<vmem_shared>> -> memref<80x128xf32, #tpu.memory_space<vmem_shared>>
      tpu.enqueue_dma source(%arg9 : memref<80x128xf32, #tpu.memory_space<vmem>>) target(%dma_start3A_108 : memref<80x128xf32, #tpu.memory_space<vmem_shared>>) target_semaphore(%run_scoped3A : memref<!tpu.dma_semaphore, #tpu.memory_space<semaphore_mem>>)
      %dma_wait3A = arith.constant 0 : i32
      %dma_wait3A_109 = tpu.memref_slice %arg12[%add3A_63, %dma_wait3A] : memref<10240x128xf32, #tpu.memory_space<vmem_shared>> -> memref<80x128xf32, #tpu.memory_space<vmem_shared>>
      %dma_wait3A_110 = arith.constant 0 : i32
      %dma_wait3A_111 = tpu.memref_slice %arg12[%add3A_63, %dma_wait3A_110] : memref<10240x128xf32, #tpu.memory_space<vmem_shared>> -> memref<80x128xf32, #tpu.memory_space<vmem_shared>>
      tpu.wait_dma2 semaphore(%run_scoped3A : memref<!tpu.dma_semaphore, #tpu.memory_space<semaphore_mem>>) src(%arg9 : memref<80x128xf32, #tpu.memory_space<vmem>>) dst(%dma_wait3A_111 : memref<80x128xf32, #tpu.memory_space<vmem_shared>>)
      tpu.yield
    }) : () -> ()
    %add3A_64 = arith.constant 320 : i32
    %add3A_65 = arith.addi %mul3A_55, %add3A_64 : i32
    "tpu.region"() ({
      %run_scoped3A = tpu.sem_alloc : memref<!tpu.dma_semaphore, #tpu.memory_space<semaphore_mem>>
      %dma_start3A_105 = arith.constant 0 : i32
      %dma_start3A_106 = tpu.memref_slice %arg12[%add3A_65, %dma_start3A_105] : memref<10240x128xf32, #tpu.memory_space<vmem_shared>> -> memref<80x128xf32, #tpu.memory_space<vmem_shared>>
      %dma_start3A_107 = arith.constant 0 : i32
      %dma_start3A_108 = tpu.memref_slice %arg12[%add3A_65, %dma_start3A_107] : memref<10240x128xf32, #tpu.memory_space<vmem_shared>> -> memref<80x128xf32, #tpu.memory_space<vmem_shared>>
      tpu.enqueue_dma source(%arg9 : memref<80x128xf32, #tpu.memory_space<vmem>>) target(%dma_start3A_108 : memref<80x128xf32, #tpu.memory_space<vmem_shared>>) target_semaphore(%run_scoped3A : memref<!tpu.dma_semaphore, #tpu.memory_space<semaphore_mem>>)
      %dma_wait3A = arith.constant 0 : i32
      %dma_wait3A_109 = tpu.memref_slice %arg12[%add3A_65, %dma_wait3A] : memref<10240x128xf32, #tpu.memory_space<vmem_shared>> -> memref<80x128xf32, #tpu.memory_space<vmem_shared>>
      %dma_wait3A_110 = arith.constant 0 : i32
      %dma_wait3A_111 = tpu.memref_slice %arg12[%add3A_65, %dma_wait3A_110] : memref<10240x128xf32, #tpu.memory_space<vmem_shared>> -> memref<80x128xf32, #tpu.memory_space<vmem_shared>>
      tpu.wait_dma2 semaphore(%run_scoped3A : memref<!tpu.dma_semaphore, #tpu.memory_space<semaphore_mem>>) src(%arg9 : memref<80x128xf32, #tpu.memory_space<vmem>>) dst(%dma_wait3A_111 : memref<80x128xf32, #tpu.memory_space<vmem_shared>>)
      tpu.yield
    }) : () -> ()
    %add3A_66 = arith.constant 400 : i32
    %add3A_67 = arith.addi %mul3A_55, %add3A_66 : i32
    "tpu.region"() ({
      %run_scoped3A = tpu.sem_alloc : memref<!tpu.dma_semaphore, #tpu.memory_space<semaphore_mem>>
      %dma_start3A_105 = arith.constant 0 : i32
      %dma_start3A_106 = tpu.memref_slice %arg12[%add3A_67, %dma_start3A_105] : memref<10240x128xf32, #tpu.memory_space<vmem_shared>> -> memref<80x128xf32, #tpu.memory_space<vmem_shared>>
      %dma_start3A_107 = arith.constant 0 : i32
      %dma_start3A_108 = tpu.memref_slice %arg12[%add3A_67, %dma_start3A_107] : memref<10240x128xf32, #tpu.memory_space<vmem_shared>> -> memref<80x128xf32, #tpu.memory_space<vmem_shared>>
      tpu.enqueue_dma source(%arg9 : memref<80x128xf32, #tpu.memory_space<vmem>>) target(%dma_start3A_108 : memref<80x128xf32, #tpu.memory_space<vmem_shared>>) target_semaphore(%run_scoped3A : memref<!tpu.dma_semaphore, #tpu.memory_space<semaphore_mem>>)
      %dma_wait3A = arith.constant 0 : i32
      %dma_wait3A_109 = tpu.memref_slice %arg12[%add3A_67, %dma_wait3A] : memref<10240x128xf32, #tpu.memory_space<vmem_shared>> -> memref<80x128xf32, #tpu.memory_space<vmem_shared>>
      %dma_wait3A_110 = arith.constant 0 : i32
      %dma_wait3A_111 = tpu.memref_slice %arg12[%add3A_67, %dma_wait3A_110] : memref<10240x128xf32, #tpu.memory_space<vmem_shared>> -> memref<80x128xf32, #tpu.memory_space<vmem_shared>>
      tpu.wait_dma2 semaphore(%run_scoped3A : memref<!tpu.dma_semaphore, #tpu.memory_space<semaphore_mem>>) src(%arg9 : memref<80x128xf32, #tpu.memory_space<vmem>>) dst(%dma_wait3A_111 : memref<80x128xf32, #tpu.memory_space<vmem_shared>>)
      tpu.yield
    }) : () -> ()
    %add3A_68 = arith.constant 480 : i32
    %add3A_69 = arith.addi %mul3A_55, %add3A_68 : i32
    "tpu.region"() ({
      %run_scoped3A = tpu.sem_alloc : memref<!tpu.dma_semaphore, #tpu.memory_space<semaphore_mem>>
      %dma_start3A_105 = arith.constant 0 : i32
      %dma_start3A_106 = tpu.memref_slice %arg12[%add3A_69, %dma_start3A_105] : memref<10240x128xf32, #tpu.memory_space<vmem_shared>> -> memref<80x128xf32, #tpu.memory_space<vmem_shared>>
      %dma_start3A_107 = arith.constant 0 : i32
      %dma_start3A_108 = tpu.memref_slice %arg12[%add3A_69, %dma_start3A_107] : memref<10240x128xf32, #tpu.memory_space<vmem_shared>> -> memref<80x128xf32, #tpu.memory_space<vmem_shared>>
      tpu.enqueue_dma source(%arg9 : memref<80x128xf32, #tpu.memory_space<vmem>>) target(%dma_start3A_108 : memref<80x128xf32, #tpu.memory_space<vmem_shared>>) target_semaphore(%run_scoped3A : memref<!tpu.dma_semaphore, #tpu.memory_space<semaphore_mem>>)
      %dma_wait3A = arith.constant 0 : i32
      %dma_wait3A_109 = tpu.memref_slice %arg12[%add3A_69, %dma_wait3A] : memref<10240x128xf32, #tpu.memory_space<vmem_shared>> -> memref<80x128xf32, #tpu.memory_space<vmem_shared>>
      %dma_wait3A_110 = arith.constant 0 : i32
      %dma_wait3A_111 = tpu.memref_slice %arg12[%add3A_69, %dma_wait3A_110] : memref<10240x128xf32, #tpu.memory_space<vmem_shared>> -> memref<80x128xf32, #tpu.memory_space<vmem_shared>>
      tpu.wait_dma2 semaphore(%run_scoped3A : memref<!tpu.dma_semaphore, #tpu.memory_space<semaphore_mem>>) src(%arg9 : memref<80x128xf32, #tpu.memory_space<vmem>>) dst(%dma_wait3A_111 : memref<80x128xf32, #tpu.memory_space<vmem_shared>>)
      tpu.yield
    }) : () -> ()
    %add3A_70 = arith.constant 560 : i32
    %add3A_71 = arith.addi %mul3A_55, %add3A_70 : i32
    "tpu.region"() ({
      %run_scoped3A = tpu.sem_alloc : memref<!tpu.dma_semaphore, #tpu.memory_space<semaphore_mem>>
      %dma_start3A_105 = arith.constant 0 : i32
      %dma_start3A_106 = tpu.memref_slice %arg12[%add3A_71, %dma_start3A_105] : memref<10240x128xf32, #tpu.memory_space<vmem_shared>> -> memref<80x128xf32, #tpu.memory_space<vmem_shared>>
      %dma_start3A_107 = arith.constant 0 : i32
      %dma_start3A_108 = tpu.memref_slice %arg12[%add3A_71, %dma_start3A_107] : memref<10240x128xf32, #tpu.memory_space<vmem_shared>> -> memref<80x128xf32, #tpu.memory_space<vmem_shared>>
      tpu.enqueue_dma source(%arg9 : memref<80x128xf32, #tpu.memory_space<vmem>>) target(%dma_start3A_108 : memref<80x128xf32, #tpu.memory_space<vmem_shared>>) target_semaphore(%run_scoped3A : memref<!tpu.dma_semaphore, #tpu.memory_space<semaphore_mem>>)
      %dma_wait3A = arith.constant 0 : i32
      %dma_wait3A_109 = tpu.memref_slice %arg12[%add3A_71, %dma_wait3A] : memref<10240x128xf32, #tpu.memory_space<vmem_shared>> -> memref<80x128xf32, #tpu.memory_space<vmem_shared>>
      %dma_wait3A_110 = arith.constant 0 : i32
      %dma_wait3A_111 = tpu.memref_slice %arg12[%add3A_71, %dma_wait3A_110] : memref<10240x128xf32, #tpu.memory_space<vmem_shared>> -> memref<80x128xf32, #tpu.memory_space<vmem_shared>>
      tpu.wait_dma2 semaphore(%run_scoped3A : memref<!tpu.dma_semaphore, #tpu.memory_space<semaphore_mem>>) src(%arg9 : memref<80x128xf32, #tpu.memory_space<vmem>>) dst(%dma_wait3A_111 : memref<80x128xf32, #tpu.memory_space<vmem_shared>>)
      tpu.yield
    }) : () -> ()
    %barrier3A_72 = arith.constant 0 : index
    tpu.barrier barrier_id(%barrier3A_72)
    %mul3A_73 = arith.constant 16 : i32
    %mul3A_74 = arith.muli %add3A_53, %mul3A_73 : i32
    %add3A_75 = arith.addi %mul3A_74, %arg1 : i32
    %mul3A_76 = arith.constant 5040 : i32
    %mul3A_77 = arith.muli %add3A_75, %mul3A_76 : i32
    "tpu.region"() ({
      %run_scoped3A = tpu.sem_alloc : memref<!tpu.dma_semaphore, #tpu.memory_space<semaphore_mem>>
      %dma_start3A_105 = tpu.memref_slice %arg3[%mul3A_77] : memref<322560xi32, #tpu.memory_space<hbm>> -> memref<5040xi32, #tpu.memory_space<hbm>>
      %dma_start3A_106 = tpu.memref_slice %arg3[%mul3A_77] : memref<322560xi32, #tpu.memory_space<hbm>> -> memref<5040xi32, #tpu.memory_space<hbm>>
      tpu.enqueue_dma source(%dma_start3A_106 : memref<5040xi32, #tpu.memory_space<hbm>>) target(%arg7 : memref<5040xi32, #tpu.memory_space<vmem>>) target_semaphore(%run_scoped3A : memref<!tpu.dma_semaphore, #tpu.memory_space<semaphore_mem>>)
      %dma_wait3A = tpu.memref_slice %arg3[%mul3A_77] : memref<322560xi32, #tpu.memory_space<hbm>> -> memref<5040xi32, #tpu.memory_space<hbm>>
      %dma_wait3A_107 = tpu.memref_slice %arg3[%mul3A_77] : memref<322560xi32, #tpu.memory_space<hbm>> -> memref<5040xi32, #tpu.memory_space<hbm>>
      tpu.wait_dma2 semaphore(%run_scoped3A : memref<!tpu.dma_semaphore, #tpu.memory_space<semaphore_mem>>) src(%dma_wait3A_107 : memref<5040xi32, #tpu.memory_space<hbm>>) dst(%arg7 : memref<5040xi32, #tpu.memory_space<vmem>>)
      tpu.yield
    }) : () -> ()
    "tpu.region"() ({
      %run_scoped3A = tpu.sem_alloc : memref<!tpu.dma_semaphore, #tpu.memory_space<semaphore_mem>>
      %dma_start3A_105 = arith.constant 0 : i32
      %dma_start3A_106 = arith.constant 0 : i32
      %dma_start3A_107 = tpu.memref_slice %arg4[%add3A_53, %arg1, %dma_start3A_105, %dma_start3A_106] : memref<4x16x63x80xi32, #tpu.memory_space<hbm>> -> memref<1x1x63x80xi32, #tpu.memory_space<hbm>>
      %dma_start3A_108 = tpu.memref_squeeze %dma_start3A_107 : memref<1x1x63x80xi32, #tpu.memory_space<hbm>> -> memref<63x80xi32, #tpu.memory_space<hbm>>
      %dma_start3A_109 = arith.constant 0 : i32
      %dma_start3A_110 = arith.constant 0 : i32
      %dma_start3A_111 = tpu.memref_slice %arg4[%add3A_53, %arg1, %dma_start3A_109, %dma_start3A_110] : memref<4x16x63x80xi32, #tpu.memory_space<hbm>> -> memref<1x1x63x80xi32, #tpu.memory_space<hbm>>
      %dma_start3A_112 = tpu.memref_squeeze %dma_start3A_111 : memref<1x1x63x80xi32, #tpu.memory_space<hbm>> -> memref<63x80xi32, #tpu.memory_space<hbm>>
      tpu.enqueue_dma source(%dma_start3A_112 : memref<63x80xi32, #tpu.memory_space<hbm>>) target(%arg8 : memref<63x80xi32, #tpu.memory_space<vmem>>) target_semaphore(%run_scoped3A : memref<!tpu.dma_semaphore, #tpu.memory_space<semaphore_mem>>)
      %dma_wait3A = arith.constant 0 : i32
      %dma_wait3A_113 = arith.constant 0 : i32
      %dma_wait3A_114 = tpu.memref_slice %arg4[%add3A_53, %arg1, %dma_wait3A, %dma_wait3A_113] : memref<4x16x63x80xi32, #tpu.memory_space<hbm>> -> memref<1x1x63x80xi32, #tpu.memory_space<hbm>>
      %dma_wait3A_115 = tpu.memref_squeeze %dma_wait3A_114 : memref<1x1x63x80xi32, #tpu.memory_space<hbm>> -> memref<63x80xi32, #tpu.memory_space<hbm>>
      %dma_wait3A_116 = arith.constant 0 : i32
      %dma_wait3A_117 = arith.constant 0 : i32
      %dma_wait3A_118 = tpu.memref_slice %arg4[%add3A_53, %arg1, %dma_wait3A_116, %dma_wait3A_117] : memref<4x16x63x80xi32, #tpu.memory_space<hbm>> -> memref<1x1x63x80xi32, #tpu.memory_space<hbm>>
      %dma_wait3A_119 = tpu.memref_squeeze %dma_wait3A_118 : memref<1x1x63x80xi32, #tpu.memory_space<hbm>> -> memref<63x80xi32, #tpu.memory_space<hbm>>
      tpu.wait_dma2 semaphore(%run_scoped3A : memref<!tpu.dma_semaphore, #tpu.memory_space<semaphore_mem>>) src(%dma_wait3A_119 : memref<63x80xi32, #tpu.memory_space<hbm>>) dst(%arg8 : memref<63x80xi32, #tpu.memory_space<vmem>>)
      tpu.yield
    }) : () -> ()
    %dma_start3A_78 = arith.constant 0 : i32
    %dma_start3A_79 = tpu.memref_slice %arg7[%dma_start3A_78] : memref<5040xi32, #tpu.memory_space<vmem>> -> memref<80xi32, #tpu.memory_space<vmem>>
    %dma_start3A_80 = arith.constant 0 : i32
    %dma_start3A_81 = arith.constant 0 : i32
    %dma_start3A_82 = tpu.memref_slice %arg2[%dma_start3A_80, %dma_start3A_81] : memref<10000x128xf32, #tpu.memory_space<hbm>> -> memref<10000x128xf32, #tpu.memory_space<hbm>>
    tpu.enqueue_indirect_dma source(%dma_start3A_82 : memref<10000x128xf32, #tpu.memory_space<hbm>>) target(%arg9 : memref<80x128xf32, #tpu.memory_space<vmem>>) offsets(%dma_start3A_79 : memref<80xi32, #tpu.memory_space<vmem>>) semaphore(%arg13 : memref<!tpu.dma_semaphore, #tpu.memory_space<semaphore_mem>>)
    %dma_start3A_83 = arith.constant 80 : i32
    %dma_start3A_84 = tpu.memref_slice %arg7[%dma_start3A_83] : memref<5040xi32, #tpu.memory_space<vmem>> -> memref<80xi32, #tpu.memory_space<vmem>>
    %dma_start3A_85 = arith.constant 0 : i32
    %dma_start3A_86 = arith.constant 0 : i32
    %dma_start3A_87 = tpu.memref_slice %arg2[%dma_start3A_85, %dma_start3A_86] : memref<10000x128xf32, #tpu.memory_space<hbm>> -> memref<10000x128xf32, #tpu.memory_space<hbm>>
    tpu.enqueue_indirect_dma source(%dma_start3A_87 : memref<10000x128xf32, #tpu.memory_space<hbm>>) target(%arg10 : memref<80x128xf32, #tpu.memory_space<vmem>>) offsets(%dma_start3A_84 : memref<80xi32, #tpu.memory_space<vmem>>) semaphore(%arg14 : memref<!tpu.dma_semaphore, #tpu.memory_space<semaphore_mem>>)
    %dma_start3A_88 = arith.constant 160 : i32
    %dma_start3A_89 = tpu.memref_slice %arg7[%dma_start3A_88] : memref<5040xi32, #tpu.memory_space<vmem>> -> memref<80xi32, #tpu.memory_space<vmem>>
    %dma_start3A_90 = arith.constant 0 : i32
    %dma_start3A_91 = arith.constant 0 : i32
    %dma_start3A_92 = tpu.memref_slice %arg2[%dma_start3A_90, %dma_start3A_91] : memref<10000x128xf32, #tpu.memory_space<hbm>> -> memref<10000x128xf32, #tpu.memory_space<hbm>>
    tpu.enqueue_indirect_dma source(%dma_start3A_92 : memref<10000x128xf32, #tpu.memory_space<hbm>>) target(%arg11 : memref<80x128xf32, #tpu.memory_space<vmem>>) offsets(%dma_start3A_89 : memref<80xi32, #tpu.memory_space<vmem>>) semaphore(%arg15 : memref<!tpu.dma_semaphore, #tpu.memory_space<semaphore_mem>>)
    %scan3A_93 = arith.constant 0 : i32
    %scan3A_94 = arith.constant 0 : i32
    %scan3A_95 = arith.constant 21 : i32
    %scan3A_96 = arith.addi %scan3A_94, %scan3A_95 : i32
    %scan3A_97 = arith.constant 1 : i32
    scf.for %scan3A_105 = %scan3A_94 to %scan3A_96 step %scan3A_97  : i32 {
      %mul3A_106 = arith.constant 3 : i32
      %mul3A_107 = arith.muli %mul3A_106, %scan3A_105 : i32
      %add3A_108 = arith.constant 0 : i32
      %add3A_109 = arith.addi %mul3A_107, %add3A_108 : i32
      %mul3A_110 = arith.constant 80 : i32
      %mul3A_111 = arith.muli %add3A_109, %mul3A_110 : i32
      %dma_wait3A = tpu.memref_slice %arg7[%mul3A_111] : memref<5040xi32, #tpu.memory_space<vmem>> -> memref<80xi32, #tpu.memory_space<vmem>>
      %dma_wait3A_112 = arith.constant 0 : i32
      %dma_wait3A_113 = arith.constant 0 : i32
      %dma_wait3A_114 = tpu.memref_slice %arg2[%dma_wait3A_112, %dma_wait3A_113] : memref<10000x128xf32, #tpu.memory_space<hbm>> -> memref<10000x128xf32, #tpu.memory_space<hbm>>
      tpu.wait_indirect_dma semaphore(%arg13 : memref<!tpu.dma_semaphore, #tpu.memory_space<semaphore_mem>>) src(%dma_wait3A_114 : memref<10000x128xf32, #tpu.memory_space<hbm>>) dst(%arg9 : memref<80x128xf32, #tpu.memory_space<vmem>>)
      "tpu.region"() ({
        %run_scoped3A = tpu.sem_alloc : memref<!tpu.dma_semaphore, #tpu.memory_space<semaphore_mem>>
        %dma_start3A_153 = arith.constant 0 : i32
        %dma_start3A_154 = tpu.memref_slice %arg8[%add3A_109, %dma_start3A_153] : memref<63x80xi32, #tpu.memory_space<vmem>> -> memref<1x80xi32, #tpu.memory_space<vmem>>
        %dma_start3A_155 = tpu.memref_squeeze %dma_start3A_154 : memref<1x80xi32, #tpu.memory_space<vmem>> -> memref<80xi32, #tpu.memory_space<vmem>>
        %dma_start3A_156 = arith.constant 0 : i32
        %dma_start3A_157 = arith.constant 0 : i32
        %dma_start3A_158 = tpu.memref_slice %arg12[%dma_start3A_156, %dma_start3A_157] : memref<10240x128xf32, #tpu.memory_space<vmem_shared>> -> memref<10240x128xf32, #tpu.memory_space<vmem_shared>>
        tpu.enqueue_indirect_dma source(%arg9 : memref<80x128xf32, #tpu.memory_space<vmem>>) target(%dma_start3A_158 : memref<10240x128xf32, #tpu.memory_space<vmem_shared>>) offsets(%dma_start3A_155 : memref<80xi32, #tpu.memory_space<vmem>>) semaphore(%run_scoped3A : memref<!tpu.dma_semaphore, #tpu.memory_space<semaphore_mem>>) {add = true}
        %dma_wait3A_159 = arith.constant 0 : i32
        %dma_wait3A_160 = tpu.memref_slice %arg8[%add3A_109, %dma_wait3A_159] : memref<63x80xi32, #tpu.memory_space<vmem>> -> memref<1x80xi32, #tpu.memory_space<vmem>>
        %dma_wait3A_161 = tpu.memref_squeeze %dma_wait3A_160 : memref<1x80xi32, #tpu.memory_space<vmem>> -> memref<80xi32, #tpu.memory_space<vmem>>
        %dma_wait3A_162 = arith.constant 0 : i32
        %dma_wait3A_163 = arith.constant 0 : i32
        %dma_wait3A_164 = tpu.memref_slice %arg12[%dma_wait3A_162, %dma_wait3A_163] : memref<10240x128xf32, #tpu.memory_space<vmem_shared>> -> memref<10240x128xf32, #tpu.memory_space<vmem_shared>>
        tpu.wait_indirect_dma semaphore(%run_scoped3A : memref<!tpu.dma_semaphore, #tpu.memory_space<semaphore_mem>>) src(%arg9 : memref<80x128xf32, #tpu.memory_space<vmem>>) dst(%dma_wait3A_164 : memref<10240x128xf32, #tpu.memory_space<vmem_shared>>)
        tpu.yield
      }) : () -> ()
      %add3A_115 = arith.constant 3 : i32
      %add3A_116 = arith.addi %add3A_109, %add3A_115 : i32
      %lt3A = arith.constant 63 : i32
      %lt3A_117 = arith.cmpi slt, %add3A_116, %lt3A : i32
      %convert_element_type3A = arith.extui %lt3A_117 : i1 to i32
      %cond3A = arith.constant 0 : i32
      %cond3A_118 = arith.cmpi ne, %convert_element_type3A, %cond3A : i32
      scf.if %cond3A_118 {
        %add3A_153 = arith.constant 3 : i32
        %add3A_154 = arith.addi %add3A_109, %add3A_153 : i32
        %mul3A_155 = arith.constant 80 : i32
        %mul3A_156 = arith.muli %add3A_154, %mul3A_155 : i32
        %dma_start3A_157 = tpu.memref_slice %arg7[%mul3A_156] : memref<5040xi32, #tpu.memory_space<vmem>> -> memref<80xi32, #tpu.memory_space<vmem>>
        %dma_start3A_158 = arith.constant 0 : i32
        %dma_start3A_159 = arith.constant 0 : i32
        %dma_start3A_160 = tpu.memref_slice %arg2[%dma_start3A_158, %dma_start3A_159] : memref<10000x128xf32, #tpu.memory_space<hbm>> -> memref<10000x128xf32, #tpu.memory_space<hbm>>
        tpu.enqueue_indirect_dma source(%dma_start3A_160 : memref<10000x128xf32, #tpu.memory_space<hbm>>) target(%arg9 : memref<80x128xf32, #tpu.memory_space<vmem>>) offsets(%dma_start3A_157 : memref<80xi32, #tpu.memory_space<vmem>>) semaphore(%arg13 : memref<!tpu.dma_semaphore, #tpu.memory_space<semaphore_mem>>)
      } else {
      }
      %mul3A_119 = arith.constant 3 : i32
      %mul3A_120 = arith.muli %mul3A_119, %scan3A_105 : i32
      %add3A_121 = arith.constant 1 : i32
      %add3A_122 = arith.addi %mul3A_120, %add3A_121 : i32
      %mul3A_123 = arith.constant 80 : i32
      %mul3A_124 = arith.muli %add3A_122, %mul3A_123 : i32
      %dma_wait3A_125 = tpu.memref_slice %arg7[%mul3A_124] : memref<5040xi32, #tpu.memory_space<vmem>> -> memref<80xi32, #tpu.memory_space<vmem>>
      %dma_wait3A_126 = arith.constant 0 : i32
      %dma_wait3A_127 = arith.constant 0 : i32
      %dma_wait3A_128 = tpu.memref_slice %arg2[%dma_wait3A_126, %dma_wait3A_127] : memref<10000x128xf32, #tpu.memory_space<hbm>> -> memref<10000x128xf32, #tpu.memory_space<hbm>>
      tpu.wait_indirect_dma semaphore(%arg14 : memref<!tpu.dma_semaphore, #tpu.memory_space<semaphore_mem>>) src(%dma_wait3A_128 : memref<10000x128xf32, #tpu.memory_space<hbm>>) dst(%arg10 : memref<80x128xf32, #tpu.memory_space<vmem>>)
      "tpu.region"() ({
        %run_scoped3A = tpu.sem_alloc : memref<!tpu.dma_semaphore, #tpu.memory_space<semaphore_mem>>
        %dma_start3A_153 = arith.constant 0 : i32
        %dma_start3A_154 = tpu.memref_slice %arg8[%add3A_122, %dma_start3A_153] : memref<63x80xi32, #tpu.memory_space<vmem>> -> memref<1x80xi32, #tpu.memory_space<vmem>>
        %dma_start3A_155 = tpu.memref_squeeze %dma_start3A_154 : memref<1x80xi32, #tpu.memory_space<vmem>> -> memref<80xi32, #tpu.memory_space<vmem>>
        %dma_start3A_156 = arith.constant 0 : i32
        %dma_start3A_157 = arith.constant 0 : i32
        %dma_start3A_158 = tpu.memref_slice %arg12[%dma_start3A_156, %dma_start3A_157] : memref<10240x128xf32, #tpu.memory_space<vmem_shared>> -> memref<10240x128xf32, #tpu.memory_space<vmem_shared>>
        tpu.enqueue_indirect_dma source(%arg10 : memref<80x128xf32, #tpu.memory_space<vmem>>) target(%dma_start3A_158 : memref<10240x128xf32, #tpu.memory_space<vmem_shared>>) offsets(%dma_start3A_155 : memref<80xi32, #tpu.memory_space<vmem>>) semaphore(%run_scoped3A : memref<!tpu.dma_semaphore, #tpu.memory_space<semaphore_mem>>) {add = true}
        %dma_wait3A_159 = arith.constant 0 : i32
        %dma_wait3A_160 = tpu.memref_slice %arg8[%add3A_122, %dma_wait3A_159] : memref<63x80xi32, #tpu.memory_space<vmem>> -> memref<1x80xi32, #tpu.memory_space<vmem>>
        %dma_wait3A_161 = tpu.memref_squeeze %dma_wait3A_160 : memref<1x80xi32, #tpu.memory_space<vmem>> -> memref<80xi32, #tpu.memory_space<vmem>>
        %dma_wait3A_162 = arith.constant 0 : i32
        %dma_wait3A_163 = arith.constant 0 : i32
        %dma_wait3A_164 = tpu.memref_slice %arg12[%dma_wait3A_162, %dma_wait3A_163] : memref<10240x128xf32, #tpu.memory_space<vmem_shared>> -> memref<10240x128xf32, #tpu.memory_space<vmem_shared>>
        tpu.wait_indirect_dma semaphore(%run_scoped3A : memref<!tpu.dma_semaphore, #tpu.memory_space<semaphore_mem>>) src(%arg10 : memref<80x128xf32, #tpu.memory_space<vmem>>) dst(%dma_wait3A_164 : memref<10240x128xf32, #tpu.memory_space<vmem_shared>>)
        tpu.yield
      }) : () -> ()
      %add3A_129 = arith.constant 3 : i32
      %add3A_130 = arith.addi %add3A_122, %add3A_129 : i32
      %lt3A_131 = arith.constant 63 : i32
      %lt3A_132 = arith.cmpi slt, %add3A_130, %lt3A_131 : i32
      %convert_element_type3A_133 = arith.extui %lt3A_132 : i1 to i32
      %cond3A_134 = arith.constant 0 : i32
      %cond3A_135 = arith.cmpi ne, %convert_element_type3A_133, %cond3A_134 : i32
      scf.if %cond3A_135 {
        %add3A_153 = arith.constant 3 : i32
        %add3A_154 = arith.addi %add3A_122, %add3A_153 : i32
        %mul3A_155 = arith.constant 80 : i32
        %mul3A_156 = arith.muli %add3A_154, %mul3A_155 : i32
        %dma_start3A_157 = tpu.memref_slice %arg7[%mul3A_156] : memref<5040xi32, #tpu.memory_space<vmem>> -> memref<80xi32, #tpu.memory_space<vmem>>
        %dma_start3A_158 = arith.constant 0 : i32
        %dma_start3A_159 = arith.constant 0 : i32
        %dma_start3A_160 = tpu.memref_slice %arg2[%dma_start3A_158, %dma_start3A_159] : memref<10000x128xf32, #tpu.memory_space<hbm>> -> memref<10000x128xf32, #tpu.memory_space<hbm>>
        tpu.enqueue_indirect_dma source(%dma_start3A_160 : memref<10000x128xf32, #tpu.memory_space<hbm>>) target(%arg10 : memref<80x128xf32, #tpu.memory_space<vmem>>) offsets(%dma_start3A_157 : memref<80xi32, #tpu.memory_space<vmem>>) semaphore(%arg14 : memref<!tpu.dma_semaphore, #tpu.memory_space<semaphore_mem>>)
      } else {
      }
      %mul3A_136 = arith.constant 3 : i32
      %mul3A_137 = arith.muli %mul3A_136, %scan3A_105 : i32
      %add3A_138 = arith.constant 2 : i32
      %add3A_139 = arith.addi %mul3A_137, %add3A_138 : i32
      %mul3A_140 = arith.constant 80 : i32
      %mul3A_141 = arith.muli %add3A_139, %mul3A_140 : i32
      %dma_wait3A_142 = tpu.memref_slice %arg7[%mul3A_141] : memref<5040xi32, #tpu.memory_space<vmem>> -> memref<80xi32, #tpu.memory_space<vmem>>
      %dma_wait3A_143 = arith.constant 0 : i32
      %dma_wait3A_144 = arith.constant 0 : i32
      %dma_wait3A_145 = tpu.memref_slice %arg2[%dma_wait3A_143, %dma_wait3A_144] : memref<10000x128xf32, #tpu.memory_space<hbm>> -> memref<10000x128xf32, #tpu.memory_space<hbm>>
      tpu.wait_indirect_dma semaphore(%arg15 : memref<!tpu.dma_semaphore, #tpu.memory_space<semaphore_mem>>) src(%dma_wait3A_145 : memref<10000x128xf32, #tpu.memory_space<hbm>>) dst(%arg11 : memref<80x128xf32, #tpu.memory_space<vmem>>)
      "tpu.region"() ({
        %run_scoped3A = tpu.sem_alloc : memref<!tpu.dma_semaphore, #tpu.memory_space<semaphore_mem>>
        %dma_start3A_153 = arith.constant 0 : i32
        %dma_start3A_154 = tpu.memref_slice %arg8[%add3A_139, %dma_start3A_153] : memref<63x80xi32, #tpu.memory_space<vmem>> -> memref<1x80xi32, #tpu.memory_space<vmem>>
        %dma_start3A_155 = tpu.memref_squeeze %dma_start3A_154 : memref<1x80xi32, #tpu.memory_space<vmem>> -> memref<80xi32, #tpu.memory_space<vmem>>
        %dma_start3A_156 = arith.constant 0 : i32
        %dma_start3A_157 = arith.constant 0 : i32
        %dma_start3A_158 = tpu.memref_slice %arg12[%dma_start3A_156, %dma_start3A_157] : memref<10240x128xf32, #tpu.memory_space<vmem_shared>> -> memref<10240x128xf32, #tpu.memory_space<vmem_shared>>
        tpu.enqueue_indirect_dma source(%arg11 : memref<80x128xf32, #tpu.memory_space<vmem>>) target(%dma_start3A_158 : memref<10240x128xf32, #tpu.memory_space<vmem_shared>>) offsets(%dma_start3A_155 : memref<80xi32, #tpu.memory_space<vmem>>) semaphore(%run_scoped3A : memref<!tpu.dma_semaphore, #tpu.memory_space<semaphore_mem>>) {add = true}
        %dma_wait3A_159 = arith.constant 0 : i32
        %dma_wait3A_160 = tpu.memref_slice %arg8[%add3A_139, %dma_wait3A_159] : memref<63x80xi32, #tpu.memory_space<vmem>> -> memref<1x80xi32, #tpu.memory_space<vmem>>
        %dma_wait3A_161 = tpu.memref_squeeze %dma_wait3A_160 : memref<1x80xi32, #tpu.memory_space<vmem>> -> memref<80xi32, #tpu.memory_space<vmem>>
        %dma_wait3A_162 = arith.constant 0 : i32
        %dma_wait3A_163 = arith.constant 0 : i32
        %dma_wait3A_164 = tpu.memref_slice %arg12[%dma_wait3A_162, %dma_wait3A_163] : memref<10240x128xf32, #tpu.memory_space<vmem_shared>> -> memref<10240x128xf32, #tpu.memory_space<vmem_shared>>
        tpu.wait_indirect_dma semaphore(%run_scoped3A : memref<!tpu.dma_semaphore, #tpu.memory_space<semaphore_mem>>) src(%arg11 : memref<80x128xf32, #tpu.memory_space<vmem>>) dst(%dma_wait3A_164 : memref<10240x128xf32, #tpu.memory_space<vmem_shared>>)
        tpu.yield
      }) : () -> ()
      %add3A_146 = arith.constant 3 : i32
      %add3A_147 = arith.addi %add3A_139, %add3A_146 : i32
      %lt3A_148 = arith.constant 63 : i32
      %lt3A_149 = arith.cmpi slt, %add3A_147, %lt3A_148 : i32
      %convert_element_type3A_150 = arith.extui %lt3A_149 : i1 to i32
      %cond3A_151 = arith.constant 0 : i32
      %cond3A_152 = arith.cmpi ne, %convert_element_type3A_150, %cond3A_151 : i32
      scf.if %cond3A_152 {
        %add3A_153 = arith.constant 3 : i32
        %add3A_154 = arith.addi %add3A_139, %add3A_153 : i32
        %mul3A_155 = arith.constant 80 : i32
        %mul3A_156 = arith.muli %add3A_154, %mul3A_155 : i32
        %dma_start3A_157 = tpu.memref_slice %arg7[%mul3A_156] : memref<5040xi32, #tpu.memory_space<vmem>> -> memref<80xi32, #tpu.memory_space<vmem>>
        %dma_start3A_158 = arith.constant 0 : i32
        %dma_start3A_159 = arith.constant 0 : i32
        %dma_start3A_160 = tpu.memref_slice %arg2[%dma_start3A_158, %dma_start3A_159] : memref<10000x128xf32, #tpu.memory_space<hbm>> -> memref<10000x128xf32, #tpu.memory_space<hbm>>
        tpu.enqueue_indirect_dma source(%dma_start3A_160 : memref<10000x128xf32, #tpu.memory_space<hbm>>) target(%arg11 : memref<80x128xf32, #tpu.memory_space<vmem>>) offsets(%dma_start3A_157 : memref<80xi32, #tpu.memory_space<vmem>>) semaphore(%arg15 : memref<!tpu.dma_semaphore, #tpu.memory_space<semaphore_mem>>)
      } else {
      }
    }
    %scan3A_98 = arith.constant 21 : i32
    %barrier3A_99 = arith.constant 0 : index
    tpu.barrier barrier_id(%barrier3A_99)
    %mul3A_100 = arith.constant 640 : i32
    %mul3A_101 = arith.muli %arg1, %mul3A_100 : i32
    %mul3A_102 = arith.constant 640 : i32
    %mul3A_103 = arith.muli %arg1, %mul3A_102 : i32
    "tpu.region"() ({
      %run_scoped3A = tpu.sem_alloc : memref<!tpu.dma_semaphore, #tpu.memory_space<semaphore_mem>>
      %dma_start3A_105 = arith.constant 0 : i32
      %dma_start3A_106 = tpu.memref_slice %arg6[%add3A_53, %mul3A_103, %dma_start3A_105] : memref<4x10240x128xf32, #tpu.memory_space<hbm>> -> memref<1x640x128xf32, #tpu.memory_space<hbm>>
      %dma_start3A_107 = tpu.memref_squeeze %dma_start3A_106 : memref<1x640x128xf32, #tpu.memory_space<hbm>> -> memref<640x128xf32, #tpu.memory_space<hbm>>
      %dma_start3A_108 = arith.constant 0 : i32
      %dma_start3A_109 = tpu.memref_slice %arg12[%mul3A_101, %dma_start3A_108] : memref<10240x128xf32, #tpu.memory_space<vmem_shared>> -> memref<640x128xf32, #tpu.memory_space<vmem_shared>>
      tpu.enqueue_dma source(%dma_start3A_109 : memref<640x128xf32, #tpu.memory_space<vmem_shared>>) target(%dma_start3A_107 : memref<640x128xf32, #tpu.memory_space<hbm>>) target_semaphore(%run_scoped3A : memref<!tpu.dma_semaphore, #tpu.memory_space<semaphore_mem>>)
      %dma_wait3A = arith.constant 0 : i32
      %dma_wait3A_110 = tpu.memref_slice %arg6[%add3A_53, %mul3A_103, %dma_wait3A] : memref<4x10240x128xf32, #tpu.memory_space<hbm>> -> memref<1x640x128xf32, #tpu.memory_space<hbm>>
      %dma_wait3A_111 = tpu.memref_squeeze %dma_wait3A_110 : memref<1x640x128xf32, #tpu.memory_space<hbm>> -> memref<640x128xf32, #tpu.memory_space<hbm>>
      %dma_wait3A_112 = arith.constant 0 : i32
      %dma_wait3A_113 = tpu.memref_slice %arg12[%mul3A_101, %dma_wait3A_112] : memref<10240x128xf32, #tpu.memory_space<vmem_shared>> -> memref<640x128xf32, #tpu.memory_space<vmem_shared>>
      tpu.wait_dma2 semaphore(%run_scoped3A : memref<!tpu.dma_semaphore, #tpu.memory_space<semaphore_mem>>) src(%dma_wait3A_113 : memref<640x128xf32, #tpu.memory_space<vmem_shared>>) dst(%dma_wait3A_111 : memref<640x128xf32, #tpu.memory_space<hbm>>)
      tpu.yield
    }) : () -> ()
    %barrier3A_104 = arith.constant 0 : index
    tpu.barrier barrier_id(%barrier3A_104)
    return
  }
}

module attributes {stable_mosaic.version = 14 : i64} {
  func.func @_tc_layer_body(%arg0: i32, %arg1: memref<4x1000x128xf32, #tpu.memory_space<vmem>>, %arg2: memref<1000x128xf32, #tpu.memory_space<vmem>>, %arg3: memref<4x128x128xf32, #tpu.memory_space<vmem>>, %arg4: memref<128x128xf32, #tpu.memory_space<vmem>>, %arg5: memref<1x128xf32, #tpu.memory_space<vmem>>, %arg6: memref<1000x128xf32, #tpu.memory_space<vmem>>) attributes {dimension_semantics = [#tpu.dimension_semantics<arbitrary>], iteration_bounds = array<i64: 10>, scalar_prefetch = 0 : i64, scratch_operands = 0 : i64, tpu.core_type = #tpu.core_type<tc>, window_params = [{transform_indices = @transform_0, window_bounds = array<i64: 4, 1000, 128>}, {transform_indices = @transform_1, window_bounds = array<i64: 1000, 128>}, {pipeline_mode = #tpu.pipeline_mode<synchronous>, transform_indices = @transform_2, window_bounds = array<i64: 4, 128, 128>}, {pipeline_mode = #tpu.pipeline_mode<synchronous>, transform_indices = @transform_3, window_bounds = array<i64: 128, 128>}, {pipeline_mode = #tpu.pipeline_mode<synchronous>, transform_indices = @transform_4, window_bounds = array<i64: 1, 128>}, {transform_indices = @transform_5, window_bounds = array<i64: 1000, 128>}]} {
    %get3A = arith.constant 0 : index
    %get3A_0 = arith.constant 0 : index
    %get3A_1 = vector.load %arg2[%get3A, %get3A_0] : memref<1000x128xf32, #tpu.memory_space<vmem>>, vector<1000x128xf32>
    %get3A_2 = arith.constant 0 : index
    %get3A_3 = arith.constant 0 : index
    %get3A_4 = vector.load %arg4[%get3A_2, %get3A_3] : memref<128x128xf32, #tpu.memory_space<vmem>>, vector<128x128xf32>
    %dot_general3A = arith.constant dense<0.000000e+00> : vector<1000x128xf32>
    %dot_general3A_5 = tpu.matmul %get3A_1, %get3A_4, %dot_general3A {dimension_numbers = #tpu.dot_dimension_numbers<[1], [0], [0], [1], [0, 0, 1, 1], [], []>, transpose_lhs_hint = false} : vector<1000x128xf32>, vector<128x128xf32>, vector<1000x128xf32> -> vector<1000x128xf32>
    %get3A_6 = arith.constant 0 : index
    %get3A_7 = arith.constant 0 : index
    %get3A_8 = arith.constant 0 : index
    %get3A_9 = vector.load %arg1[%get3A_6, %get3A_7, %get3A_8] : memref<4x1000x128xf32, #tpu.memory_space<vmem>>, vector<1x1000x128xf32>
    %get3A_10 = vector.shape_cast %get3A_9 : vector<1x1000x128xf32> to vector<1000x128xf32>
    %get3A_11 = arith.constant 0 : index
    %get3A_12 = arith.constant 0 : index
    %get3A_13 = arith.constant 0 : index
    %get3A_14 = vector.load %arg3[%get3A_11, %get3A_12, %get3A_13] : memref<4x128x128xf32, #tpu.memory_space<vmem>>, vector<1x128x128xf32>
    %get3A_15 = vector.shape_cast %get3A_14 : vector<1x128x128xf32> to vector<128x128xf32>
    %dot_general3A_16 = arith.constant dense<0.000000e+00> : vector<1000x128xf32>
    %dot_general3A_17 = tpu.matmul %get3A_10, %get3A_15, %dot_general3A_16 {dimension_numbers = #tpu.dot_dimension_numbers<[1], [0], [0], [1], [0, 0, 1, 1], [], []>, transpose_lhs_hint = false} : vector<1000x128xf32>, vector<128x128xf32>, vector<1000x128xf32> -> vector<1000x128xf32>
    %add3A = arith.addf %dot_general3A_5, %dot_general3A_17 : vector<1000x128xf32>
    %get3A_18 = arith.constant 1 : index
    %get3A_19 = arith.constant 0 : index
    %get3A_20 = arith.constant 0 : index
    %get3A_21 = vector.load %arg1[%get3A_18, %get3A_19, %get3A_20] : memref<4x1000x128xf32, #tpu.memory_space<vmem>>, vector<1x1000x128xf32>
    %get3A_22 = vector.shape_cast %get3A_21 : vector<1x1000x128xf32> to vector<1000x128xf32>
    %get3A_23 = arith.constant 1 : index
    %get3A_24 = arith.constant 0 : index
    %get3A_25 = arith.constant 0 : index
    %get3A_26 = vector.load %arg3[%get3A_23, %get3A_24, %get3A_25] : memref<4x128x128xf32, #tpu.memory_space<vmem>>, vector<1x128x128xf32>
    %get3A_27 = vector.shape_cast %get3A_26 : vector<1x128x128xf32> to vector<128x128xf32>
    %dot_general3A_28 = arith.constant dense<0.000000e+00> : vector<1000x128xf32>
    %dot_general3A_29 = tpu.matmul %get3A_22, %get3A_27, %dot_general3A_28 {dimension_numbers = #tpu.dot_dimension_numbers<[1], [0], [0], [1], [0, 0, 1, 1], [], []>, transpose_lhs_hint = false} : vector<1000x128xf32>, vector<128x128xf32>, vector<1000x128xf32> -> vector<1000x128xf32>
    %add3A_30 = arith.addf %add3A, %dot_general3A_29 : vector<1000x128xf32>
    %get3A_31 = arith.constant 2 : index
    %get3A_32 = arith.constant 0 : index
    %get3A_33 = arith.constant 0 : index
    %get3A_34 = vector.load %arg1[%get3A_31, %get3A_32, %get3A_33] : memref<4x1000x128xf32, #tpu.memory_space<vmem>>, vector<1x1000x128xf32>
    %get3A_35 = vector.shape_cast %get3A_34 : vector<1x1000x128xf32> to vector<1000x128xf32>
    %get3A_36 = arith.constant 2 : index
    %get3A_37 = arith.constant 0 : index
    %get3A_38 = arith.constant 0 : index
    %get3A_39 = vector.load %arg3[%get3A_36, %get3A_37, %get3A_38] : memref<4x128x128xf32, #tpu.memory_space<vmem>>, vector<1x128x128xf32>
    %get3A_40 = vector.shape_cast %get3A_39 : vector<1x128x128xf32> to vector<128x128xf32>
    %dot_general3A_41 = arith.constant dense<0.000000e+00> : vector<1000x128xf32>
    %dot_general3A_42 = tpu.matmul %get3A_35, %get3A_40, %dot_general3A_41 {dimension_numbers = #tpu.dot_dimension_numbers<[1], [0], [0], [1], [0, 0, 1, 1], [], []>, transpose_lhs_hint = false} : vector<1000x128xf32>, vector<128x128xf32>, vector<1000x128xf32> -> vector<1000x128xf32>
    %add3A_43 = arith.addf %add3A_30, %dot_general3A_42 : vector<1000x128xf32>
    %get3A_44 = arith.constant 3 : index
    %get3A_45 = arith.constant 0 : index
    %get3A_46 = arith.constant 0 : index
    %get3A_47 = vector.load %arg1[%get3A_44, %get3A_45, %get3A_46] : memref<4x1000x128xf32, #tpu.memory_space<vmem>>, vector<1x1000x128xf32>
    %get3A_48 = vector.shape_cast %get3A_47 : vector<1x1000x128xf32> to vector<1000x128xf32>
    %get3A_49 = arith.constant 3 : index
    %get3A_50 = arith.constant 0 : index
    %get3A_51 = arith.constant 0 : index
    %get3A_52 = vector.load %arg3[%get3A_49, %get3A_50, %get3A_51] : memref<4x128x128xf32, #tpu.memory_space<vmem>>, vector<1x128x128xf32>
    %get3A_53 = vector.shape_cast %get3A_52 : vector<1x128x128xf32> to vector<128x128xf32>
    %dot_general3A_54 = arith.constant dense<0.000000e+00> : vector<1000x128xf32>
    %dot_general3A_55 = tpu.matmul %get3A_48, %get3A_53, %dot_general3A_54 {dimension_numbers = #tpu.dot_dimension_numbers<[1], [0], [0], [1], [0, 0, 1, 1], [], []>, transpose_lhs_hint = false} : vector<1000x128xf32>, vector<128x128xf32>, vector<1000x128xf32> -> vector<1000x128xf32>
    %add3A_56 = arith.addf %add3A_43, %dot_general3A_55 : vector<1000x128xf32>
    %get3A_57 = arith.constant 0 : index
    %get3A_58 = arith.constant 0 : index
    %get3A_59 = vector.load %arg5[%get3A_57, %get3A_58] : memref<1x128xf32, #tpu.memory_space<vmem>>, vector<1x128xf32>
    %add3A_60 = vector.broadcast %get3A_59 : vector<1x128xf32> to vector<1000x128xf32>
    %add3A_61 = arith.addf %add3A_56, %add3A_60 : vector<1000x128xf32>
    %max3A = arith.constant 0.000000e+00 : f32
    %max3A_62 = vector.broadcast %max3A : f32 to vector<1000x128xf32>
    %max3A_63 = arith.maximumf %add3A_61, %max3A_62 : vector<1000x128xf32>
    %swap3A = arith.constant 0 : index
    %swap3A_64 = arith.constant 0 : index
    %swap3A_65 = vector.load %arg6[%swap3A, %swap3A_64] : memref<1000x128xf32, #tpu.memory_space<vmem>>, vector<1000x128xf32>
    tpu.vector_store %arg6[%swap3A, %swap3A_64], %max3A_63 {strides = array<i32>} : memref<1000x128xf32, #tpu.memory_space<vmem>>, vector<1000x128xf32>,
    return
  }
  func.func @transform_0(%arg0: i32) -> (i32, i32, i32) {
    %c0_i32 = arith.constant 0 : i32
    %c0_i32_0 = arith.constant 0 : i32
    %c0_i32_1 = arith.constant 0 : i32
    return %c0_i32, %arg0, %c0_i32_0 : i32, i32, i32
  }
  func.func @transform_1(%arg0: i32) -> (i32, i32) {
    %c0_i32 = arith.constant 0 : i32
    %c0_i32_0 = arith.constant 0 : i32
    return %arg0, %c0_i32 : i32, i32
  }
  func.func @transform_2(%arg0: i32) -> (i32, i32, i32) {
    %c0_i32 = arith.constant 0 : i32
    %c0_i32_0 = arith.constant 0 : i32
    %c0_i32_1 = arith.constant 0 : i32
    %c0_i32_2 = arith.constant 0 : i32
    return %c0_i32, %c0_i32_0, %c0_i32_1 : i32, i32, i32
  }
  func.func @transform_3(%arg0: i32) -> (i32, i32) {
    %c0_i32 = arith.constant 0 : i32
    %c0_i32_0 = arith.constant 0 : i32
    %c0_i32_1 = arith.constant 0 : i32
    return %c0_i32, %c0_i32_0 : i32, i32
  }
  func.func @transform_4(%arg0: i32) -> (i32, i32) {
    %c0_i32 = arith.constant 0 : i32
    %c0_i32_0 = arith.constant 0 : i32
    %c0_i32_1 = arith.constant 0 : i32
    return %c0_i32, %c0_i32_0 : i32, i32
  }
  func.func @transform_5(%arg0: i32) -> (i32, i32) {
    %c0_i32 = arith.constant 0 : i32
    %c0_i32_0 = arith.constant 0 : i32
    return %arg0, %c0_i32 : i32, i32
  }
}

module attributes {stable_mosaic.version = 14 : i64} {
  func.func @_tc_layer2_body(%arg0: i32, %arg1: memref<4x1000x128xf32, #tpu.memory_space<vmem>>, %arg2: memref<1000x128xf32, #tpu.memory_space<vmem>>, %arg3: memref<4x128x128xf32, #tpu.memory_space<vmem>>, %arg4: memref<128x128xf32, #tpu.memory_space<vmem>>, %arg5: memref<1x128xf32, #tpu.memory_space<vmem>>, %arg6: memref<128x16xf32, #tpu.memory_space<vmem>>, %arg7: memref<1x16xf32, #tpu.memory_space<vmem>>, %arg8: memref<1x16xf32, #tpu.memory_space<vmem>>, %arg9: memref<1x128xf32, #tpu.memory_space<vmem>>) attributes {dimension_semantics = [#tpu.dimension_semantics<arbitrary>], iteration_bounds = array<i64: 10>, scalar_prefetch = 0 : i64, scratch_operands = 1 : i64, tpu.core_type = #tpu.core_type<tc>, window_params = [{transform_indices = @transform_0, window_bounds = array<i64: 4, 1000, 128>}, {transform_indices = @transform_1, window_bounds = array<i64: 1000, 128>}, {pipeline_mode = #tpu.pipeline_mode<synchronous>, transform_indices = @transform_2, window_bounds = array<i64: 4, 128, 128>}, {pipeline_mode = #tpu.pipeline_mode<synchronous>, transform_indices = @transform_3, window_bounds = array<i64: 128, 128>}, {pipeline_mode = #tpu.pipeline_mode<synchronous>, transform_indices = @transform_4, window_bounds = array<i64: 1, 128>}, {pipeline_mode = #tpu.pipeline_mode<synchronous>, transform_indices = @transform_5, window_bounds = array<i64: 128, 16>}, {pipeline_mode = #tpu.pipeline_mode<synchronous>, transform_indices = @transform_6, window_bounds = array<i64: 1, 16>}, {pipeline_mode = #tpu.pipeline_mode<synchronous>, transform_indices = @transform_7, window_bounds = array<i64: 1, 16>}]} {
    %get3A = arith.constant 0 : index
    %get3A_0 = arith.constant 0 : index
    %get3A_1 = vector.load %arg2[%get3A, %get3A_0] : memref<1000x128xf32, #tpu.memory_space<vmem>>, vector<1000x128xf32>
    %get3A_2 = arith.constant 0 : index
    %get3A_3 = arith.constant 0 : index
    %get3A_4 = vector.load %arg4[%get3A_2, %get3A_3] : memref<128x128xf32, #tpu.memory_space<vmem>>, vector<128x128xf32>
    %dot_general3A = arith.constant dense<0.000000e+00> : vector<1000x128xf32>
    %dot_general3A_5 = tpu.matmul %get3A_1, %get3A_4, %dot_general3A {dimension_numbers = #tpu.dot_dimension_numbers<[1], [0], [0], [1], [0, 0, 1, 1], [], []>, transpose_lhs_hint = false} : vector<1000x128xf32>, vector<128x128xf32>, vector<1000x128xf32> -> vector<1000x128xf32>
    %get3A_6 = arith.constant 0 : index
    %get3A_7 = arith.constant 0 : index
    %get3A_8 = arith.constant 0 : index
    %get3A_9 = vector.load %arg1[%get3A_6, %get3A_7, %get3A_8] : memref<4x1000x128xf32, #tpu.memory_space<vmem>>, vector<1x1000x128xf32>
    %get3A_10 = vector.shape_cast %get3A_9 : vector<1x1000x128xf32> to vector<1000x128xf32>
    %get3A_11 = arith.constant 0 : index
    %get3A_12 = arith.constant 0 : index
    %get3A_13 = arith.constant 0 : index
    %get3A_14 = vector.load %arg3[%get3A_11, %get3A_12, %get3A_13] : memref<4x128x128xf32, #tpu.memory_space<vmem>>, vector<1x128x128xf32>
    %get3A_15 = vector.shape_cast %get3A_14 : vector<1x128x128xf32> to vector<128x128xf32>
    %dot_general3A_16 = arith.constant dense<0.000000e+00> : vector<1000x128xf32>
    %dot_general3A_17 = tpu.matmul %get3A_10, %get3A_15, %dot_general3A_16 {dimension_numbers = #tpu.dot_dimension_numbers<[1], [0], [0], [1], [0, 0, 1, 1], [], []>, transpose_lhs_hint = false} : vector<1000x128xf32>, vector<128x128xf32>, vector<1000x128xf32> -> vector<1000x128xf32>
    %add3A = arith.addf %dot_general3A_5, %dot_general3A_17 : vector<1000x128xf32>
    %get3A_18 = arith.constant 1 : index
    %get3A_19 = arith.constant 0 : index
    %get3A_20 = arith.constant 0 : index
    %get3A_21 = vector.load %arg1[%get3A_18, %get3A_19, %get3A_20] : memref<4x1000x128xf32, #tpu.memory_space<vmem>>, vector<1x1000x128xf32>
    %get3A_22 = vector.shape_cast %get3A_21 : vector<1x1000x128xf32> to vector<1000x128xf32>
    %get3A_23 = arith.constant 1 : index
    %get3A_24 = arith.constant 0 : index
    %get3A_25 = arith.constant 0 : index
    %get3A_26 = vector.load %arg3[%get3A_23, %get3A_24, %get3A_25] : memref<4x128x128xf32, #tpu.memory_space<vmem>>, vector<1x128x128xf32>
    %get3A_27 = vector.shape_cast %get3A_26 : vector<1x128x128xf32> to vector<128x128xf32>
    %dot_general3A_28 = arith.constant dense<0.000000e+00> : vector<1000x128xf32>
    %dot_general3A_29 = tpu.matmul %get3A_22, %get3A_27, %dot_general3A_28 {dimension_numbers = #tpu.dot_dimension_numbers<[1], [0], [0], [1], [0, 0, 1, 1], [], []>, transpose_lhs_hint = false} : vector<1000x128xf32>, vector<128x128xf32>, vector<1000x128xf32> -> vector<1000x128xf32>
    %add3A_30 = arith.addf %add3A, %dot_general3A_29 : vector<1000x128xf32>
    %get3A_31 = arith.constant 2 : index
    %get3A_32 = arith.constant 0 : index
    %get3A_33 = arith.constant 0 : index
    %get3A_34 = vector.load %arg1[%get3A_31, %get3A_32, %get3A_33] : memref<4x1000x128xf32, #tpu.memory_space<vmem>>, vector<1x1000x128xf32>
    %get3A_35 = vector.shape_cast %get3A_34 : vector<1x1000x128xf32> to vector<1000x128xf32>
    %get3A_36 = arith.constant 2 : index
    %get3A_37 = arith.constant 0 : index
    %get3A_38 = arith.constant 0 : index
    %get3A_39 = vector.load %arg3[%get3A_36, %get3A_37, %get3A_38] : memref<4x128x128xf32, #tpu.memory_space<vmem>>, vector<1x128x128xf32>
    %get3A_40 = vector.shape_cast %get3A_39 : vector<1x128x128xf32> to vector<128x128xf32>
    %dot_general3A_41 = arith.constant dense<0.000000e+00> : vector<1000x128xf32>
    %dot_general3A_42 = tpu.matmul %get3A_35, %get3A_40, %dot_general3A_41 {dimension_numbers = #tpu.dot_dimension_numbers<[1], [0], [0], [1], [0, 0, 1, 1], [], []>, transpose_lhs_hint = false} : vector<1000x128xf32>, vector<128x128xf32>, vector<1000x128xf32> -> vector<1000x128xf32>
    %add3A_43 = arith.addf %add3A_30, %dot_general3A_42 : vector<1000x128xf32>
    %get3A_44 = arith.constant 3 : index
    %get3A_45 = arith.constant 0 : index
    %get3A_46 = arith.constant 0 : index
    %get3A_47 = vector.load %arg1[%get3A_44, %get3A_45, %get3A_46] : memref<4x1000x128xf32, #tpu.memory_space<vmem>>, vector<1x1000x128xf32>
    %get3A_48 = vector.shape_cast %get3A_47 : vector<1x1000x128xf32> to vector<1000x128xf32>
    %get3A_49 = arith.constant 3 : index
    %get3A_50 = arith.constant 0 : index
    %get3A_51 = arith.constant 0 : index
    %get3A_52 = vector.load %arg3[%get3A_49, %get3A_50, %get3A_51] : memref<4x128x128xf32, #tpu.memory_space<vmem>>, vector<1x128x128xf32>
    %get3A_53 = vector.shape_cast %get3A_52 : vector<1x128x128xf32> to vector<128x128xf32>
    %dot_general3A_54 = arith.constant dense<0.000000e+00> : vector<1000x128xf32>
    %dot_general3A_55 = tpu.matmul %get3A_48, %get3A_53, %dot_general3A_54 {dimension_numbers = #tpu.dot_dimension_numbers<[1], [0], [0], [1], [0, 0, 1, 1], [], []>, transpose_lhs_hint = false} : vector<1000x128xf32>, vector<128x128xf32>, vector<1000x128xf32> -> vector<1000x128xf32>
    %add3A_56 = arith.addf %add3A_43, %dot_general3A_55 : vector<1000x128xf32>
    %get3A_57 = arith.constant 0 : index
    %get3A_58 = arith.constant 0 : index
    %get3A_59 = vector.load %arg5[%get3A_57, %get3A_58] : memref<1x128xf32, #tpu.memory_space<vmem>>, vector<1x128xf32>
    %add3A_60 = vector.broadcast %get3A_59 : vector<1x128xf32> to vector<1000x128xf32>
    %add3A_61 = arith.addf %add3A_56, %add3A_60 : vector<1000x128xf32>
    %max3A = arith.constant 0.000000e+00 : f32
    %max3A_62 = vector.broadcast %max3A : f32 to vector<1000x128xf32>
    %max3A_63 = arith.maximumf %add3A_61, %max3A_62 : vector<1000x128xf32>
    %reduce_max3A = arith.constant dense<0xFF800000> : vector<128xf32>
    %reduce_max3A_64 = vector.multi_reduction <maximumf>, %max3A_63, %reduce_max3A [0] : vector<1000x128xf32> to vector<128xf32>
    %broadcast_in_dim3A = vector.shape_cast %reduce_max3A_64 : vector<128xf32> to vector<1x128xf32>
    %eq3A = arith.constant 0 : i32
    %eq3A_65 = arith.cmpi eq, %arg0, %eq3A : i32
    %convert_element_type3A = arith.extui %eq3A_65 : i1 to i32
    %cond3A = arith.constant 0 : i32
    %cond3A_66 = arith.cmpi ne, %convert_element_type3A, %cond3A : i32
    scf.if %cond3A_66 {
      %swap3A = arith.constant 0 : index
      %swap3A_76 = arith.constant 0 : index
      %swap3A_77 = vector.load %arg9[%swap3A, %swap3A_76] : memref<1x128xf32, #tpu.memory_space<vmem>>, vector<1x128xf32>
      tpu.vector_store %arg9[%swap3A, %swap3A_76], %broadcast_in_dim3A {strides = array<i32>} : memref<1x128xf32, #tpu.memory_space<vmem>>, vector<1x128xf32>,
    } else {
    }
    %gt3A = arith.constant 0 : i32
    %gt3A_67 = arith.cmpi sgt, %arg0, %gt3A : i32
    %convert_element_type3A_68 = arith.extui %gt3A_67 : i1 to i32
    %cond3A_69 = arith.constant 0 : i32
    %cond3A_70 = arith.cmpi ne, %convert_element_type3A_68, %cond3A_69 : i32
    scf.if %cond3A_70 {
      %get3A_76 = arith.constant 0 : index
      %get3A_77 = arith.constant 0 : index
      %get3A_78 = vector.load %arg9[%get3A_76, %get3A_77] : memref<1x128xf32, #tpu.memory_space<vmem>>, vector<1x128xf32>
      %max3A_79 = arith.maximumf %get3A_78, %broadcast_in_dim3A : vector<1x128xf32>
      %swap3A = arith.constant 0 : index
      %swap3A_80 = arith.constant 0 : index
      %swap3A_81 = vector.load %arg9[%swap3A, %swap3A_80] : memref<1x128xf32, #tpu.memory_space<vmem>>, vector<1x128xf32>
      tpu.vector_store %arg9[%swap3A, %swap3A_80], %max3A_79 {strides = array<i32>} : memref<1x128xf32, #tpu.memory_space<vmem>>, vector<1x128xf32>,
    } else {
    }
    %eq3A_71 = arith.constant 9 : i32
    %eq3A_72 = arith.cmpi eq, %arg0, %eq3A_71 : i32
    %convert_element_type3A_73 = arith.extui %eq3A_72 : i1 to i32
    %cond3A_74 = arith.constant 0 : i32
    %cond3A_75 = arith.cmpi ne, %convert_element_type3A_73, %cond3A_74 : i32
    scf.if %cond3A_75 {
      %get3A_76 = arith.constant 0 : index
      %get3A_77 = arith.constant 0 : index
      %get3A_78 = vector.load %arg9[%get3A_76, %get3A_77] : memref<1x128xf32, #tpu.memory_space<vmem>>, vector<1x128xf32>
      %get3A_79 = arith.constant 0 : index
      %get3A_80 = arith.constant 0 : index
      %get3A_81 = vector.load %arg6[%get3A_79, %get3A_80] : memref<128x16xf32, #tpu.memory_space<vmem>>, vector<128x16xf32>
      %dot_general3A_82 = arith.constant dense<0.000000e+00> : vector<1x16xf32>
      %dot_general3A_83 = tpu.matmul %get3A_78, %get3A_81, %dot_general3A_82 {dimension_numbers = #tpu.dot_dimension_numbers<[1], [0], [0], [1], [0, 0, 1, 1], [], []>, transpose_lhs_hint = false} : vector<1x128xf32>, vector<128x16xf32>, vector<1x16xf32> -> vector<1x16xf32>
      %get3A_84 = arith.constant 0 : index
      %get3A_85 = arith.constant 0 : index
      %get3A_86 = vector.load %arg7[%get3A_84, %get3A_85] : memref<1x16xf32, #tpu.memory_space<vmem>>, vector<1x16xf32>
      %add3A_87 = arith.addf %dot_general3A_83, %get3A_86 : vector<1x16xf32>
      %swap3A = arith.constant 0 : index
      %swap3A_88 = arith.constant 0 : index
      %swap3A_89 = vector.load %arg8[%swap3A, %swap3A_88] : memref<1x16xf32, #tpu.memory_space<vmem>>, vector<1x16xf32>
      tpu.vector_store %arg8[%swap3A, %swap3A_88], %add3A_87 {strides = array<i32>} : memref<1x16xf32, #tpu.memory_space<vmem>>, vector<1x16xf32>,
    } else {
    }
    return
  }
  func.func @transform_0(%arg0: i32) -> (i32, i32, i32) {
    %c0_i32 = arith.constant 0 : i32
    %c0_i32_0 = arith.constant 0 : i32
    %c0_i32_1 = arith.constant 0 : i32
    return %c0_i32, %arg0, %c0_i32_0 : i32, i32, i32
  }
  func.func @transform_1(%arg0: i32) -> (i32, i32) {
    %c0_i32 = arith.constant 0 : i32
    %c0_i32_0 = arith.constant 0 : i32
    return %arg0, %c0_i32 : i32, i32
  }
  func.func @transform_2(%arg0: i32) -> (i32, i32, i32) {
    %c0_i32 = arith.constant 0 : i32
    %c0_i32_0 = arith.constant 0 : i32
    %c0_i32_1 = arith.constant 0 : i32
    %c0_i32_2 = arith.constant 0 : i32
    return %c0_i32, %c0_i32_0, %c0_i32_1 : i32, i32, i32
  }
  func.func @transform_3(%arg0: i32) -> (i32, i32) {
    %c0_i32 = arith.constant 0 : i32
    %c0_i32_0 = arith.constant 0 : i32
    %c0_i32_1 = arith.constant 0 : i32
    return %c0_i32, %c0_i32_0 : i32, i32
  }
  func.func @transform_4(%arg0: i32) -> (i32, i32) {
    %c0_i32 = arith.constant 0 : i32
    %c0_i32_0 = arith.constant 0 : i32
    %c0_i32_1 = arith.constant 0 : i32
    return %c0_i32, %c0_i32_0 : i32, i32
  }
  func.func @transform_5(%arg0: i32) -> (i32, i32) {
    %c0_i32 = arith.constant 0 : i32
    %c0_i32_0 = arith.constant 0 : i32
    %c0_i32_1 = arith.constant 0 : i32
    return %c0_i32, %c0_i32_0 : i32, i32
  }
  func.func @transform_6(%arg0: i32) -> (i32, i32) {
    %c0_i32 = arith.constant 0 : i32
    %c0_i32_0 = arith.constant 0 : i32
    %c0_i32_1 = arith.constant 0 : i32
    return %c0_i32, %c0_i32_0 : i32, i32
  }
  func.func @transform_7(%arg0: i32) -> (i32, i32) {
    %c0_i32 = arith.constant 0 : i32
    %c0_i32_0 = arith.constant 0 : i32
    %c0_i32_1 = arith.constant 0 : i32
    return %c0_i32, %c0_i32_0 : i32, i32
  }
}

</mosaic_0001>

<sc_bundles>
// kernel: kernel.6.cloned.1.call-start
scs
__scs_entry_jumppad:
0x0: {  	(pc) =	sbr.rel $0x88, $3  }
0x1: {  	(tag) =	ssettag $0x0;
	lr =	simm.s32 $0x1  }
0x2: {  	[smem:$0x3F97] =	sst lr;
	_ =	strace $0xD0000000  }
0x3: {  	_ = 	snop  }
0x4: {  	_ = 	snop  }
0x5: {  	_ = 	snop  }
0x6: {  	_ = 	snop  }
0x7: {  	_ = 	snop  }
__scs_overlays_trampoline_lowered:
0x8: {  	[smem:$0x3FA6] =	sst s0  }
0x9: {  	[smem:$0x3FA7] =	sst s1  }
0xa: {  	[smem:$0x3FA8] =	sst s2  }
0xb: {  	[smem:$0x3FA9] =	sst s3  }
0xc: {  	[smem:$0x3FAA] =	sst s4  }
0xd: {  	[smem:$0x3FAB] =	sst s5  }
0xe: {  	[smem:$0x3FAC] =	sst s6  }
0xf: {  	[smem:$0x3FAD] =	sst s7  }
0x10: {  	[smem:$0x3FAE] =	sst s8  }
0x11: {  	[smem:$0x3FAF] =	sst s9;
	s0 =	simm.s32 @!p0 $0x0  }
0x12: {  	s1 =	sld [smem:$0x3F95];
	s0 =	simm.s32 @p0 $0x1  }
0x13: {  	[smem:$0x3FB0] =	sst s0;
	s0 =	simm.s32 @!p1 $0x0  }
0x14: {  	s2 =	sld [smem:$0x3F94];
	s0 =	simm.s32 @p1 $0x1  }
0x15: {  	[smem:$0x3FB1] =	sst s0;
	s0 =	simm.s32 @!p2 $0x0  }
0x16: {  	s3 =	sld [smem:$0x3FDB];
	s0 =	simm.s32 @p2 $0x1  }
0x17: {  	s4 =	simm.s32 $0x1BF5;
	[smem:$0x3FB3] =	sst s0  }
0x18: {  	s0 =	sld [smem:$0x3F96];
	_ =	swait.ge [sflag:s4], $0x0  }
0x19: {  	s7 =	sld [smem:$0x3F97]  }
0x1a: {  	s8 =	sadd.s32 $0xFFFFE003, lr  }
0x1b: {  	s9 =	sadd.s32 $0xFFFFFEF7, lr;
	s5 =	simm.s32 $0xFFFFFFFF;
	p2 =	slt.u32 s8, $0xFFFFF086  }
0x1c: {  	p1 =	slt.u32 s9, $0xF7A;
	s5 =	simm.s32 @!p2 $0x0  }
0x1d: {  	s5 =	simm.s32 @p1 $0x1;
	p0 =	seq.s32 s7, s2  }
0x1e: {  	s7 =	smul.u32 @!p0 $0xF7A, s2;
	p2 =	seq.s32 @!p0 s5, $0x0  }
0x1f: {  	s9 =	smul.u32 $0xF7A, s1;
	s8 =	simm.s32 @!p0 $0x1BF5;
	p2 =	por !p2, p0  }
0x20: {  	[sflag:s8] =	ssyncset.s32 @!p0 $0xFFFFF086;
	s6 =	sadd.s32 @!p0 s3, s7;
	s7 =	simm.s32 @!p0 $0x108  }
0x21: {  	s3 =	sadd.s32 s3, s9;
	s6 =	sadd.s32 @!p0 $0x88, s6;
	s7 =	simm.s32 @p2 $0x1082  }
0x22: {  	[simem:s7], [sflag:s8] =	dma.local @!p0 [hbm:s6], $0xF7A  }
0x23: {  	s9 =	sor.u32 $0xD0000000, s2;
	s6 =	simm.s32 $0x108;
	_ =	swait.ge @!p0 [sflag:s8], $0x0  }
0x24: {  	s3 =	sadd.s32 $0x88, s3;
	s6 =	simm.s32 @!p1 $0x1082;
	[sflag:s4] =	ssyncset.s32 $0xFFFFF086  }
0x25: {  	[simem:s6], [sflag:s4] =	dma.local [hbm:s3], $0xF7A  }
0x26: {  	[smem:$0x3F97] =	sst s1;
	(tag) =	ssettag s2;
	_ =	strace s9  }
0x27: {  	s1 =	sld [smem:$0x3FA7]  }
0x28: {  	s2 =	sld [smem:$0x3FA8]  }
0x29: {  	s4 =	sld [smem:$0x3FAA]  }
0x2a: {  	p0 =	seq.s32 s5, $0x0;
	s5 =	sld [smem:$0x3FAB]  }
0x2b: {  	s6 =	sld [smem:$0x3FAC]  }
0x2c: {  	s7 =	sld [smem:$0x3FAD]  }
0x2d: {  	s3 =	simm.s32 $0x108;
	s8 =	sld [smem:$0x3FAE]  }
0x2e: {  	s3 =	simm.s32 @!p0 $0x1082;
	s9 =	sld [smem:$0x3FAF]  }
0x2f: {  	lr =	sadd.s32 s0, s3;
	s0 =	sld [smem:$0x3FA6]  }
0x30: {  	s3 =	sld [smem:$0x3FA9]  }
0x31: {  	[smem:$0x3FB2] =	sst s10  }
0x32: {  	s10 =	sld [smem:$0x3FB0];
	_ =	sdelay $0x3  }
0x33: {  	p0 =	seq.s32 s10, $0x1;
	s10 =	sld [smem:$0x3FB2];
	_ =	sdelay $0x3  }
0x34: {  	[smem:$0x3FB2] =	sst s10  }
0x35: {  	s10 =	sld [smem:$0x3FB1];
	_ =	sdelay $0x3  }
0x36: {  	p1 =	seq.s32 s10, $0x1;
	s10 =	sld [smem:$0x3FB2];
	_ =	sdelay $0x3  }
0x37: {  	[smem:$0x3FB2] =	sst s10  }
0x38: {  	s10 =	sld [smem:$0x3FB3]  }
0x39: {  	_ = 	snop;
	(pc) =	sbr.ind lr, $3  }
0x3a: {  	_ = 	snop  }
0x3b: {  	_ = 	snop  }
0x3c: {  	p2 =	seq.s32 s10, $0x1;
	s10 =	sld [smem:$0x3FB2]  }
0x3d: {  	_ =	shalt  }
0x3e: {  	_ =	shalt  }
0x3f: {  	_ =	shalt  }
0x40: {  	_ =	shalt  }
0x41: {  	_ =	shalt  }
0x42: {  	_ =	shalt  }
0x43: {  	_ =	shalt  }
0x44: {  	_ =	shalt  }
0x45: {  	_ =	shalt  }
0x46: {  	_ =	shalt  }
0x47: {  	_ =	shalt  }
0x48: {  	_ =	shalt  }
0x49: {  	_ =	shalt  }
0x4a: {  	_ =	shalt  }
0x4b: {  	_ =	shalt  }
0x4c: {  	_ =	shalt  }
0x4d: {  	_ =	shalt  }
0x4e: {  	_ =	shalt  }
0x4f: {  	_ =	shalt  }
0x50: {  	_ =	shalt  }
0x51: {  	_ =	shalt  }
0x52: {  	_ =	shalt  }
0x53: {  	_ =	shalt  }
0x54: {  	_ =	shalt  }
0x55: {  	_ =	shalt  }
0x56: {  	_ =	shalt  }
0x57: {  	_ =	shalt  }
0x58: {  	_ =	shalt  }
0x59: {  	_ =	shalt  }
0x5a: {  	_ =	shalt  }
0x5b: {  	_ =	shalt  }
0x5c: {  	_ =	shalt  }
0x5d: {  	_ =	shalt  }
0x5e: {  	_ =	shalt  }
0x5f: {  	_ =	shalt  }
0x60: {  	_ =	shalt  }
0x61: {  	_ =	shalt  }
0x62: {  	_ =	shalt  }
0x63: {  	_ =	shalt  }
0x64: {  	_ =	shalt  }
0x65: {  	_ =	shalt  }
0x66: {  	_ =	shalt  }
0x67: {  	_ =	shalt  }
0x68: {  	_ =	shalt  }
0x69: {  	_ =	shalt  }
0x6a: {  	_ =	shalt  }
0x6b: {  	_ =	shalt  }
0x6c: {  	_ =	shalt  }
0x6d: {  	_ =	shalt  }
0x6e: {  	_ =	shalt  }
0x6f: {  	_ =	shalt  }
0x70: {  	_ =	shalt  }
0x71: {  	_ =	shalt  }
0x72: {  	_ =	shalt  }
0x73: {  	_ =	shalt  }
0x74: {  	_ =	shalt  }
0x75: {  	_ =	shalt  }
0x76: {  	_ =	shalt  }
0x77: {  	_ =	shalt  }
0x78: {  	_ =	shalt  }
0x79: {  	_ =	shalt  }
0x7a: {  	_ =	shalt  }
0x7b: {  	_ =	shalt  }
0x7c: {  	_ =	shalt  }
0x7d: {  	_ =	shalt  }
0x7e: {  	_ =	shalt  }
0x7f: {  	_ =	shalt  }
0x80: {  	_ =	shalt  }
0x81: {  	_ =	shalt  }
0x82: {  	_ =	shalt  }
0x83: {  	_ =	shalt  }
0x84: {  	_ =	shalt  }
0x85: {  	_ =	shalt  }
0x86: {  	_ =	shalt  }
0x87: {  	_ =	shalt  }
.Lfunc_end0:
.L_simem_size_0:
called_computation_lowered:
.L_overlay_start_0:
0x88: {  	s2 =	sld [smem:$0x3FD9]  }
0x89: {  	s3 =	sld [smem:$0x3FFE];
	_ =	sdelay $0x1  }
0x8a: {  	s1 =	srdreg.scid  }
0x8b: {  	s0 =	sand.u32 $0x1, s1  }
0x8c: {  	s17 =	sshll.u32 s0, $0xA;
	s2 =	sadd.s32 s3, s2  }
0x8d: {  	s2 =	sadd.s32 s2, s17  }
0x8e: {  	[smem:$0x3FBE] =	sst s2  }
0x8f: {  	_ = 	snop  }
0x90: {  	s2 =	sld [smem:$0x3FC9];
	(tm) =	ssettm $0x1  }
0x91: {  	s18 =	sld [smem:$0x3FFB];
	_ =	sdelay $0x3  }
0x92: {  	_ =	strace s18  }
0x93: {  	s3 =	sld [smem:$0x3FFC];
	_ =	sdelay $0x3  }
0x94: {  	_ =	strace s3  }
0x95: {  	s3 =	sld [smem:$0x3FFD];
	_ =	sdelay $0x3  }
0x96: {  	_ =	strace s3  }
0x97: {  	_ =	strace $0x8FFFFFFF  }
0x98: {  	s19 =	sld [smem:$0x3FDB];
	_ =	sdelay $0x1  }
0x99: {  	s4 =	simm.s32 $_scs_section_size  }
0x9a: {  	s5 =	simm.s32 $_size__tile_overlayer_lowered;
	s6 =	simm.s32 $_tile_overlayer_lowered  }
0x9b: {  	s22 =	simm.s32 $0x1BFF;
	s21 =	sshll.u32 s6, $0x1;
	s3 =	sadd.s32 s4, s19  }
0x9c: {  	s7 =	simm.s32 $0x0;
	s20 =	sshll.u32 s5, $0x1;
	s5 =	sadd.s32 s21, s3  }
0x9d: {  	[timem:s7], [sflag:s22] =	dma.local [hbm:s5], s20  }
0x9e: {  	_ =	swait.ge [sflag:s22], s20  }
0x9f: {  	s4 =	ssub.s32 $0x0, s20;
	[sflag:s22] =	ssyncset.done $0x0  }
0xa0: {  	[sflag:s22] =	ssyncadd.s32 s4;
	_ =	sdelay $0x1  }
0xa1: {  	s23 =	simm.s32 $0x1B8B  }
0xa2: {  	_ =	swait.ge [sflag:s23], $0x1  }
0xa3: {  	[sflag:s23] =	ssyncset.done $0x0  }
0xa4: {  	s25 =	simm.s32 $0x1B8E;
	s24 =	sld [smem:$0x3FFE];
	[sflag:s23] =	ssyncadd.s32 $0xFFFFFFFF  }
0xa5: {  	s26 =	simm.s32 $execute0_lowered;
	[smem:$0x3FD2] =	sst s25  }
0xa6: {  	s5 =	sshll.u32 s26, $0x1;
	_ =	strace $0x80000046;
	[dreg:$0x1] =	wrdreg $0xFFFFFFFF  }
0xa7: {  	s28 =	simm.s32 $_size_execute0_lowered;
	s3 =	sadd.s32 s3, s5;
	[dreg:$0x0] =	wrdreg $0x0  }
0xa8: {  	s5 =	sshll.u32 s28, $0x1;
	[dreg:$0x2] =	wrdreg s3  }
0xa9: {  	[dreg:$0x3] =	wrdreg s5  }
0xaa: {  	[dreg:$0x4] =	wrdreg $0xC0  }
0xab: {  	_ =	task [dreg:s7], $0x5FFFF  }
0xac: {  	[dreg:$0x1] =	wrdreg $0xFFFFFFFF  }
0xad: {  	[dreg:$0x0] =	wrdreg $0x60  }
0xae: {  	[dreg:$0x2] =	wrdreg s2  }
0xaf: {  	[dreg:$0x3] =	wrdreg s24  }
0xb0: {  	[dreg:$0x4] =	wrdreg $0xAC000  }
0xb1: {  	[dreg:$0x5] =	wrdreg $0x9  }
0xb2: {  	_ =	task.clear_ibuf [dreg:s7], $0x6FFFF;
	_ =	strace $0x90000046  }
0xb3: {  	s29 =	simm.s32 $0x9;
	_ =	strace $0x80000048  }
0xb4: {  	_ =	swait.ge [sflag:s29], $0x1  }
0xb5: {  	[sflag:s29] =	ssyncadd.s32 $0xFFFFFFFF  }
0xb6: {  	_ =	strace $0x90000048  }
0xb7: {  	_ =	sfence  }
0xb8: {  	s30 =	sld [smem:$0x0];
	_ =	sdelay $0x2  }
0xb9: {  	s31 =	sshll.u32 s1, $0xD;
	s1 =	sshrl.u32 s1, $0x2  }
0xba: {  	s3 =	sand.u32 $0x4000, s31;
	s1 =	sadd.s32 s1, s30  }
0xbb: {  	s0 =	sor.u32 s3, s0;
	s1 =	sshll.u32 s1, $0x11  }
0xbc: {  	s0 =	sor.u32 s1, s0  }
0xbd: {  	s0 =	sadd.s32 $0x8F2B, s0  }
0xbe: {  	[sflag:s0] =	ssyncadd.remote.s32 $0x1  }
0xbf: {  	_ =	sfence.sel $0xFFFF  }
0xc0: {  	[dreg:$0x0] =	wrdreg $0xFFFFFFFF;
	(pc) =	sbr.abs _section_cstart, $3  }
0xc1: {  	[dreg:$0x1] =	wrdreg $0xFFFFFFFF  }
0xc2: {  	_ =	task.clear_ibuf [dreg:s7], $0x2FFFF;
	_ =	strace $0x9FFFFFFF  }
0xc3: {  	(tm) =	ssettm $0x7FFFFFFF  }
tec
execute0_lowered:
.L_overlay_start_1:
0x0: {  	(tag) =	ssettag $0x1  }
0x1: {  	s1 =	rddreg [dreg:$0x0]  }
0x2: {  	s0 =	rddreg [dreg:$0x1]  }
0x3: {  	s3 =	rddreg [dreg:$0x2]  }
0x4: {  	s4 =	simm.s32 $0x0;
	s22 =	stileid.u32;
	s2 =	srdreg.scid  }
0x5: {  	s28 =	simm.s32 $0x8400;
	s29 =	simm.s32 $0x1;
	s30 =	simm.s32 $0x2  }
0x6: {  	s31 =	simm.s32 $0x3;
	[smem:$0x7FF] =	sst s4;
	s5 =	smul.u32 $0x50000, s22  }
0x7: {  	s14 =	sadd.s32 $0x11C00, s0;
	s2 =	sand.u32 $0x1, s2;
	s15 =	sadd.s32 $0x1C00, s0  }
0x8: {  	s18 =	sshll.u32 s22, $0xD;
	s20 =	smul.u32 $0x14000, s22;
	_ =	strace $0x80000047  }
0x9: {  	s7 =	ssub.s32 $0x2, s2;
	s12 =	sshll.u32 s2, $0x5;
	s13 =	sshll.u32 s2, $0x12  }
0xa: {  	s21 =	smul.u32 $0x280000, s2;
	s2 =	sshllo.u32 s2, $0x1;
	s6 =	sshrl.u32 s5, $0x2  }
0xb: {  	s5 =	sadd.s32 $0x1BA00, s0;
	s8 =	sshrl.u32 s7, $0x1;
	s0 =	sadd.s32 $0x1C000, s0  }
0xc: {  	s12 =	sor.u32 s22, s12;
	s19 =	sor.u32 s18, s13;
	s23 =	smul.u32 $0x140000, s2  }
0xd: {  	s6 =	sadd.s32 s6, s3;
	s16 =	ssub.s32 s7, s8;
	s17 =	smul.u32 $0x276, s12  }
0xe: {  	s19 =	sshrl.u32 s19, $0x3;
	s7 =	sadd.s32 $0x2800, s6;
	s8 =	sadd.s32 $0x5000, s6  }
0xf: {  	s9 =	sadd.s32 $0x7800, s6;
	s10 =	sadd.s32 $0xA000, s6;
	s11 =	sadd.s32 $0xC800, s6  }
0x10: {  	s12 =	sadd.s32 $0xF000, s6;
	s13 =	sadd.s32 $0x11800, s6;
	s26 =	sadd.s32 s15, s19  }
0x11: {  	s19 =	sadd.s32 s20, s21;
	s21 =	sshll.u32 s2, $0x4;
	s2 =	sshll.u32 s2, $0x11  }
0x12: {  	s24 =	sadd.s32 s20, s23;
	s20 =	simm.s32 $0x1400;
	s17 =	sadd.s32 s14, s17  }
0x13: {  	[dreg:$0x5] =	wrdreg s26;
	s2 =	sor.u32 s18, s2;
	s25 =	sshrl.u32 s24, $0x3  }
0x14: {  	s26 =	smax.u32 s16, $0x1;
	s24 =	simm.s32 $0x50;
	[dreg:$0x4] =	wrdreg s17  }
0x15: {  	s17 =	sshrl.u32 s19, $0x3;
	s19 =	sor.u32 s22, s21;
	s2 =	sshrl.u32 s2, $0x3  }
0x16: {  	[dreg:$0xa] =	wrdreg s26;
	s21 =	simm.s32 $0x3400;
	s22 =	simm.s32 $0x4  }
0x17: {  	s26 =	simm.s32 $0xA0;
	s19 =	smul.u32 $0x276, s19;
	s17 =	sadd.s32 s0, s17  }
0x18: {  	s2 =	sadd.s32 s15, s2;
	s0 =	sadd.s32 s0, s25;
	[dreg:$0x6] =	wrdreg s17  }
0x19: {  	s25 =	simm.s32 $0x5C00;
	s15 =	simm.s32 $0x0;
	[dreg:$0x8] =	wrdreg s2  }
0x1a: {  	[dreg:$0x9] =	wrdreg s0;
	s0 =	simm.s32 $0x3200;
	s14 =	sadd.s32 s14, s19  }
0x1b: {  	s2 =	simm.s32 $0x3280;
	[dreg:$0x7] =	wrdreg s14;
	s14 =	simm.s32 $0x3300  }
.LBB2_1:
0x1c: {  	[tilespmem:s21], [sflag:$0x4] =	stream.linear.gather [hbm4b:s5+s4], $0x2800, $0x38;
	[tilespmem:$0x1EC00] =	vst v63  }
0x1d: {  	_ =	swait.ge [sflag:s22], $0x2800  }
0x1e: {  	[sflag:s22] =	ssyncset.done $0x0  }
0x1f: {  	[sflag:s22] =	ssyncadd.s32 $0xFFFFD800  }
0x20: {  	[spmem:s6] =	stream.linear.scatter [tilespmem:s21], [sflag:$0x4], $0x2800, $0x38;
	[tilespmem:$0x1EC00] =	vst v63  }
0x21: {  	_ =	swait.ge [sflag:s22], $0x2800  }
0x22: {  	[sflag:s22] =	ssyncset.done $0x0  }
0x23: {  	[sflag:s22] =	ssyncadd.s32 $0xFFFFD800  }
0x24: {  	[spmem:s7] =	stream.linear.scatter [tilespmem:s21], [sflag:$0x4], $0x2800, $0x38;
	[tilespmem:$0x1EC00] =	vst v63  }
0x25: {  	_ =	swait.ge [sflag:s22], $0x2800  }
0x26: {  	[sflag:s22] =	ssyncset.done $0x0  }
0x27: {  	[sflag:s22] =	ssyncadd.s32 $0xFFFFD800  }
0x28: {  	[spmem:s8] =	stream.linear.scatter [tilespmem:s21], [sflag:$0x4], $0x2800, $0x38;
	[tilespmem:$0x1EC00] =	vst v63  }
0x29: {  	_ =	swait.ge [sflag:s22], $0x2800  }
0x2a: {  	[sflag:s22] =	ssyncset.done $0x0  }
0x2b: {  	[sflag:s22] =	ssyncadd.s32 $0xFFFFD800  }
0x2c: {  	[spmem:s9] =	stream.linear.scatter [tilespmem:s21], [sflag:$0x4], $0x2800, $0x38;
	[tilespmem:$0x1EC00] =	vst v63  }
0x2d: {  	_ =	swait.ge [sflag:s22], $0x2800  }
0x2e: {  	[sflag:s22] =	ssyncset.done $0x0  }
0x2f: {  	[sflag:s22] =	ssyncadd.s32 $0xFFFFD800  }
0x30: {  	[spmem:s10] =	stream.linear.scatter [tilespmem:s21], [sflag:$0x4], $0x2800, $0x38;
	[tilespmem:$0x1EC00] =	vst v63  }
0x31: {  	_ =	swait.ge [sflag:s22], $0x2800  }
0x32: {  	[sflag:s22] =	ssyncset.done $0x0  }
0x33: {  	[sflag:s22] =	ssyncadd.s32 $0xFFFFD800  }
0x34: {  	[spmem:s11] =	stream.linear.scatter [tilespmem:s21], [sflag:$0x4], $0x2800, $0x38;
	[tilespmem:$0x1EC00] =	vst v63  }
0x35: {  	_ =	swait.ge [sflag:s22], $0x2800  }
0x36: {  	[sflag:s22] =	ssyncset.done $0x0  }
0x37: {  	[sflag:s22] =	ssyncadd.s32 $0xFFFFD800  }
0x38: {  	[spmem:s12] =	stream.linear.scatter [tilespmem:s21], [sflag:$0x4], $0x2800, $0x38;
	[tilespmem:$0x1EC00] =	vst v63  }
0x39: {  	_ =	swait.ge [sflag:s22], $0x2800  }
0x3a: {  	[sflag:s22] =	ssyncset.done $0x0  }
0x3b: {  	[sflag:s22] =	ssyncadd.s32 $0xFFFFD800  }
0x3c: {  	[spmem:s13] =	stream.linear.scatter [tilespmem:s21], [sflag:$0x4], $0x2800, $0x38;
	[tilespmem:$0x1EC00] =	vst v63  }
0x3d: {  	_ =	swait.ge [sflag:s22], $0x2800  }
0x3e: {  	[sflag:s22] =	ssyncset.done $0x0  }
0x3f: {  	[sflag:s22] =	ssyncadd.s32 $0xFFFFD800  }
0x40: {  	[bflag:$0x0] =	sbarrier.arrive $0xFFFF  }
0x41: {  	s16 =	rddreg [dreg:$0x4]  }
0x42: {  	[tilespmem:s4], [sflag:$0x4] =	stream.linear.gather [hbm4b:s16+s4], $0x13B0, $0x38;
	[tilespmem:$0x1EC00] =	vst v63  }
0x43: {  	_ =	swait.ge [sflag:s22], $0x13B0  }
0x44: {  	[sflag:s22] =	ssyncset.done $0x0  }
0x45: {  	s19 =	rddreg [dreg:$0x5];
	[sflag:s22] =	ssyncadd.s32 $0xFFFFEC50  }
0x46: {  	[tilespmem:s20], [sflag:$0x4] =	stream.linear.gather [hbm4b:s19+s4], $0x1F80, $0x38;
	[tilespmem:$0x1EC00] =	vst v63  }
0x47: {  	_ =	swait.ge [sflag:s22], $0x1F80  }
0x48: {  	[sflag:s22] =	ssyncset.done $0x0  }
0x49: {  	[sflag:s22] =	ssyncadd.s32 $0xFFFFE080  }
0x4a: {  	[tilespmem:s21], [sflag:$0x1] =	stream.indirect.gather [hbm4b:s1+s24], $0x80, s4, s24, $0xb8;
	[tilespmem:$0x1EC00] =	vst v63  }
0x4b: {  	_ = 	snop  }
0x4c: {  	[tilespmem:s25], [sflag:$0x2] =	stream.indirect.gather [hbm4b:s1+s24], $0x80, s24, s24, $0xb8;
	[tilespmem:$0x1EC00] =	vst v63  }
0x4d: {  	_ = 	snop  }
0x4e: {  	[tilespmem:s28], [sflag:$0x3] =	stream.indirect.gather [hbm4b:s1+s24], $0x80, s26, s24, $0xb8;
	[tilespmem:$0x1EC00] =	vst v63  }
0x4f: {  	_ =	swait.ge [sflag:s29], $0x2800  }
0x50: {  	[sflag:s29] =	ssyncset.done $0x0  }
0x51: {  	s23 =	simm.s32 $0x1400;
	[sflag:s29] =	ssyncadd.s32 $0xFFFFD800  }
0x52: {  	[spmem:s3] =	stream.indirect.scatter.add.f32 [tilespmem:s21], [sflag:$0x4], $0x80, s23, s24, $0xb8;
	[tilespmem:$0x1EC00] =	vst v63  }
0x53: {  	_ =	swait.ge [sflag:s22], $0x2800  }
0x54: {  	[sflag:s22] =	ssyncset.done $0x0  }
0x55: {  	s17 =	simm.s32 $0xF0;
	[sflag:s22] =	ssyncadd.s32 $0xFFFFD800  }
0x56: {  	[tilespmem:s21], [sflag:$0x1] =	stream.indirect.gather [hbm4b:s1+s24], $0x80, s17, s24, $0xb8;
	[tilespmem:$0x1EC00] =	vst v63  }
0x57: {  	_ =	swait.ge [sflag:s30], $0x2800  }
0x58: {  	[sflag:s30] =	ssyncset.done $0x0  }
0x59: {  	s18 =	simm.s32 $0x1480;
	[sflag:s30] =	ssyncadd.s32 $0xFFFFD800  }
0x5a: {  	[spmem:s3] =	stream.indirect.scatter.add.f32 [tilespmem:s25], [sflag:$0x4], $0x80, s18, s24, $0xb8;
	[tilespmem:$0x1EC00] =	vst v63  }
0x5b: {  	_ =	swait.ge [sflag:s22], $0x2800  }
0x5c: {  	[sflag:s22] =	ssyncset.done $0x0  }
0x5d: {  	s19 =	simm.s32 $0x140;
	[sflag:s22] =	ssyncadd.s32 $0xFFFFD800  }
0x5e: {  	[tilespmem:s25], [sflag:$0x2] =	stream.indirect.gather [hbm4b:s1+s24], $0x80, s19, s24, $0xb8;
	[tilespmem:$0x1EC00] =	vst v63  }
0x5f: {  	_ =	swait.ge [sflag:s31], $0x2800  }
0x60: {  	[sflag:s31] =	ssyncset.done $0x0  }
0x61: {  	s23 =	simm.s32 $0x1500;
	[sflag:s31] =	ssyncadd.s32 $0xFFFFD800  }
0x62: {  	[spmem:s3] =	stream.indirect.scatter.add.f32 [tilespmem:s28], [sflag:$0x4], $0x80, s23, s24, $0xb8;
	[tilespmem:$0x1EC00] =	vst v63  }
0x63: {  	_ =	swait.ge [sflag:s22], $0x2800  }
0x64: {  	s16 =	simm.s32 $0x190;
	[sflag:s22] =	ssyncset.done $0x0  }
0x65: {  	s17 =	simm.s32 $0x600;
	s18 =	simm.s32 $0x280;
	[sflag:s22] =	ssyncadd.s32 $0xFFFFD800  }
.LBB2_2:
0x66: {  	[tilespmem:s28], [sflag:$0x3] =	stream.indirect.gather [hbm4b:s1+s24], $0x80, s16, s24, $0xb8;
	[tilespmem:$0x1EC00] =	vst v63  }
0x67: {  	s19 =	smov.u32 s17;
	s16 =	smov.u32 s18  }
0x68: {  	p0 =	sne.s32 s17, $0x7200;
	s17 =	sadd.s32 $0x600, s17;
	_ =	swait.ge [sflag:s29], $0x2800  }
0x69: {  	s19 =	sshra.s32 s19, $0x2;
	[sflag:s29] =	ssyncset.done $0x0  }
0x6a: {  	s23 =	sadd.s32 $0x1400, s19;
	[sflag:s29] =	ssyncadd.s32 $0xFFFFD800  }
0x6b: {  	[spmem:s3] =	stream.indirect.scatter.add.f32 [tilespmem:s21], [sflag:$0x4], $0x80, s23, s24, $0xb8;
	[tilespmem:$0x1EC00] =	vst v63  }
0x6c: {  	_ =	swait.ge [sflag:s22], $0x2800  }
0x6d: {  	[sflag:s22] =	ssyncset.done $0x0  }
0x6e: {  	s23 =	sadd.s32 $0xFFFFFF60, s18;
	[sflag:s22] =	ssyncadd.s32 $0xFFFFD800  }
0x6f: {  	[tilespmem:s21], [sflag:$0x1] =	stream.indirect.gather [hbm4b:s1+s24], $0x80, s23, s24, $0xb8;
	[tilespmem:$0x1EC00] =	vst v63  }
0x70: {  	_ =	swait.ge [sflag:s30], $0x2800  }
0x71: {  	[sflag:s30] =	ssyncset.done $0x0  }
0x72: {  	s23 =	sadd.s32 $0x1480, s19;
	[sflag:s30] =	ssyncadd.s32 $0xFFFFD800  }
0x73: {  	[spmem:s3] =	stream.indirect.scatter.add.f32 [tilespmem:s25], [sflag:$0x4], $0x80, s23, s24, $0xb8;
	[tilespmem:$0x1EC00] =	vst v63  }
0x74: {  	_ =	swait.ge [sflag:s22], $0x2800  }
0x75: {  	[sflag:s22] =	ssyncset.done $0x0  }
0x76: {  	s23 =	sadd.s32 $0xFFFFFFB0, s18;
	[sflag:s22] =	ssyncadd.s32 $0xFFFFD800  }
0x77: {  	[tilespmem:s25], [sflag:$0x2] =	stream.indirect.gather [hbm4b:s1+s24], $0x80, s23, s24, $0xb8;
	[tilespmem:$0x1EC00] =	vst v63  }
0x78: {  	_ =	swait.ge [sflag:s31], $0x2800  }
0x79: {  	[sflag:s31] =	ssyncset.done $0x0  }
.Ltmp0:
0x7a: {  	s19 =	sadd.s32 $0x1500, s19;
	[sflag:s31] =	ssyncadd.s32 $0xFFFFD800;
	(pc) =	sbr.rel @p0 .LBB2_2-.Ltmp0, $4  }
0x7b: {  	[spmem:s3] =	stream.indirect.scatter.add.f32 [tilespmem:s28], [sflag:$0x4], $0x80, s19, s24, $0xb8;
	[tilespmem:$0x1EC00] =	vst v63  }
0x7c: {  	_ =	swait.ge [sflag:s22], $0x2800  }
0x7d: {  	[sflag:s22] =	ssyncset.done $0x0  }
0x7e: {  	s18 =	sadd.s32 $0xF0, s18;
	[sflag:s22] =	ssyncadd.s32 $0xFFFFD800  }
0x7f: {  	[tilespmem:s28], [sflag:$0x3] =	stream.indirect.gather [hbm4b:s1+s24], $0x80, s16, s24, $0xb8;
	[tilespmem:$0x1EC00] =	vst v63  }
0x80: {  	_ =	swait.ge [sflag:s29], $0x2800  }
0x81: {  	[sflag:s29] =	ssyncset.done $0x0  }
0x82: {  	[sflag:s29] =	ssyncadd.s32 $0xFFFFD800  }
0x83: {  	[spmem:s3] =	stream.indirect.scatter.add.f32 [tilespmem:s21], [sflag:$0x4], $0x80, s0, s24, $0xb8;
	[tilespmem:$0x1EC00] =	vst v63  }
0x84: {  	_ =	swait.ge [sflag:s22], $0x2800  }
0x85: {  	[sflag:s22] =	ssyncset.done $0x0  }
0x86: {  	[sflag:s22] =	ssyncadd.s32 $0xFFFFD800  }
0x87: {  	_ =	swait.ge [sflag:s30], $0x2800  }
0x88: {  	[sflag:s30] =	ssyncset.done $0x0  }
0x89: {  	[sflag:s30] =	ssyncadd.s32 $0xFFFFD800  }
0x8a: {  	[spmem:s3] =	stream.indirect.scatter.add.f32 [tilespmem:s25], [sflag:$0x4], $0x80, s2, s24, $0xb8;
	[tilespmem:$0x1EC00] =	vst v63  }
0x8b: {  	_ =	swait.ge [sflag:s22], $0x2800  }
0x8c: {  	[sflag:s22] =	ssyncset.done $0x0  }
0x8d: {  	[sflag:s22] =	ssyncadd.s32 $0xFFFFD800  }
0x8e: {  	_ =	swait.ge [sflag:s31], $0x2800  }
0x8f: {  	[sflag:s31] =	ssyncset.done $0x0  }
0x90: {  	[sflag:s31] =	ssyncadd.s32 $0xFFFFD800  }
0x91: {  	[spmem:s3] =	stream.indirect.scatter.add.f32 [tilespmem:s28], [sflag:$0x4], $0x80, s14, s24, $0xb8;
	[tilespmem:$0x1EC00] =	vst v63  }
0x92: {  	_ =	swait.ge [sflag:s22], $0x2800  }
0x93: {  	[sflag:s22] =	ssyncset.done $0x0  }
0x94: {  	s19 =	stileid.u32;
	[sflag:s22] =	ssyncadd.s32 $0xFFFFD800  }
0x95: {  	s16 =	sshll.u32 s19, $0x6;
	[bflag:$0x0] =	sbarrier.arrive $0xFFFF  }
0x96: {  	s17 =	sshrl.u32 s6, $0x3;
	s16 =	sor.u32 $0x1C04, s16;
	s18 =	rddreg [dreg:$0x6]  }
0x97: {  	[hbm:s18], [sflag:s16] =	dma.local [spmem:s17], $0x2800  }
0x98: {  	_ =	swait.ge [sflag:s22], $0x2800  }
0x99: {  	[sflag:s22] =	ssyncset.done $0x0  }
0x9a: {  	[sflag:s22] =	ssyncadd.s32 $0xFFFFD800  }
0x9b: {  	s18 =	simm.s32 $0x0;
	[bflag:$0x0] =	sbarrier.arrive $0xFFFF  }
0x9c: {  	[tilespmem:s21], [sflag:$0x4] =	stream.linear.gather [hbm4b:s5+s18], $0x2800, $0x38;
	[tilespmem:$0x1EC00] =	vst v63  }
0x9d: {  	_ =	swait.ge [sflag:s22], $0x2800  }
0x9e: {  	[sflag:s22] =	ssyncset.done $0x0  }
0x9f: {  	[sflag:s22] =	ssyncadd.s32 $0xFFFFD800  }
0xa0: {  	[spmem:s6] =	stream.linear.scatter [tilespmem:s21], [sflag:$0x4], $0x2800, $0x38;
	[tilespmem:$0x1EC00] =	vst v63  }
0xa1: {  	_ =	swait.ge [sflag:s22], $0x2800  }
0xa2: {  	[sflag:s22] =	ssyncset.done $0x0  }
0xa3: {  	[sflag:s22] =	ssyncadd.s32 $0xFFFFD800  }
0xa4: {  	[spmem:s7] =	stream.linear.scatter [tilespmem:s21], [sflag:$0x4], $0x2800, $0x38;
	[tilespmem:$0x1EC00] =	vst v63  }
0xa5: {  	_ =	swait.ge [sflag:s22], $0x2800  }
0xa6: {  	[sflag:s22] =	ssyncset.done $0x0  }
0xa7: {  	[sflag:s22] =	ssyncadd.s32 $0xFFFFD800  }
0xa8: {  	[spmem:s8] =	stream.linear.scatter [tilespmem:s21], [sflag:$0x4], $0x2800, $0x38;
	[tilespmem:$0x1EC00] =	vst v63  }
0xa9: {  	_ =	swait.ge [sflag:s22], $0x2800  }
0xaa: {  	[sflag:s22] =	ssyncset.done $0x0  }
0xab: {  	[sflag:s22] =	ssyncadd.s32 $0xFFFFD800  }
0xac: {  	[spmem:s9] =	stream.linear.scatter [tilespmem:s21], [sflag:$0x4], $0x2800, $0x38;
	[tilespmem:$0x1EC00] =	vst v63  }
0xad: {  	_ =	swait.ge [sflag:s22], $0x2800  }
0xae: {  	[sflag:s22] =	ssyncset.done $0x0  }
0xaf: {  	[sflag:s22] =	ssyncadd.s32 $0xFFFFD800  }
0xb0: {  	[spmem:s10] =	stream.linear.scatter [tilespmem:s21], [sflag:$0x4], $0x2800, $0x38;
	[tilespmem:$0x1EC00] =	vst v63  }
0xb1: {  	_ =	swait.ge [sflag:s22], $0x2800  }
0xb2: {  	[sflag:s22] =	ssyncset.done $0x0  }
0xb3: {  	[sflag:s22] =	ssyncadd.s32 $0xFFFFD800  }
0xb4: {  	[spmem:s11] =	stream.linear.scatter [tilespmem:s21], [sflag:$0x4], $0x2800, $0x38;
	[tilespmem:$0x1EC00] =	vst v63  }
0xb5: {  	_ =	swait.ge [sflag:s22], $0x2800  }
0xb6: {  	[sflag:s22] =	ssyncset.done $0x0  }
0xb7: {  	[sflag:s22] =	ssyncadd.s32 $0xFFFFD800  }
0xb8: {  	[spmem:s12] =	stream.linear.scatter [tilespmem:s21], [sflag:$0x4], $0x2800, $0x38;
	[tilespmem:$0x1EC00] =	vst v63  }
0xb9: {  	_ =	swait.ge [sflag:s22], $0x2800  }
0xba: {  	[sflag:s22] =	ssyncset.done $0x0  }
0xbb: {  	[sflag:s22] =	ssyncadd.s32 $0xFFFFD800  }
0xbc: {  	[spmem:s13] =	stream.linear.scatter [tilespmem:s21], [sflag:$0x4], $0x2800, $0x38;
	[tilespmem:$0x1EC00] =	vst v63  }
0xbd: {  	_ =	swait.ge [sflag:s22], $0x2800  }
0xbe: {  	[sflag:s22] =	ssyncset.done $0x0  }
0xbf: {  	[sflag:s22] =	ssyncadd.s32 $0xFFFFD800  }
0xc0: {  	[bflag:$0x0] =	sbarrier.arrive $0xFFFF  }
0xc1: {  	s19 =	rddreg [dreg:$0x7]  }
0xc2: {  	[tilespmem:s18], [sflag:$0x4] =	stream.linear.gather [hbm4b:s19+s18], $0x13B0, $0x38;
	[tilespmem:$0x1EC00] =	vst v63  }
0xc3: {  	_ =	swait.ge [sflag:s22], $0x13B0  }
0xc4: {  	[sflag:s22] =	ssyncset.done $0x0  }
0xc5: {  	s23 =	rddreg [dreg:$0x8];
	[sflag:s22] =	ssyncadd.s32 $0xFFFFEC50  }
0xc6: {  	[tilespmem:s20], [sflag:$0x4] =	stream.linear.gather [hbm4b:s23+s18], $0x1F80, $0x38;
	[tilespmem:$0x1EC00] =	vst v63  }
0xc7: {  	_ =	swait.ge [sflag:s22], $0x1F80  }
0xc8: {  	[sflag:s22] =	ssyncset.done $0x0  }
0xc9: {  	[sflag:s22] =	ssyncadd.s32 $0xFFFFE080  }
0xca: {  	[tilespmem:s21], [sflag:$0x1] =	stream.indirect.gather [hbm4b:s1+s24], $0x80, s18, s24, $0xb8;
	[tilespmem:$0x1EC00] =	vst v63  }
0xcb: {  	_ = 	snop  }
0xcc: {  	[tilespmem:s25], [sflag:$0x2] =	stream.indirect.gather [hbm4b:s1+s24], $0x80, s24, s24, $0xb8;
	[tilespmem:$0x1EC00] =	vst v63  }
0xcd: {  	_ = 	snop  }
0xce: {  	[tilespmem:s28], [sflag:$0x3] =	stream.indirect.gather [hbm4b:s1+s24], $0x80, s26, s24, $0xb8;
	[tilespmem:$0x1EC00] =	vst v63  }
0xcf: {  	_ =	swait.ge [sflag:s29], $0x2800  }
0xd0: {  	[sflag:s29] =	ssyncset.done $0x0  }
0xd1: {  	s26 =	simm.s32 $0x1400;
	[sflag:s29] =	ssyncadd.s32 $0xFFFFD800  }
0xd2: {  	[spmem:s3] =	stream.indirect.scatter.add.f32 [tilespmem:s21], [sflag:$0x4], $0x80, s26, s24, $0xb8;
	[tilespmem:$0x1EC00] =	vst v63  }
0xd3: {  	_ =	swait.ge [sflag:s22], $0x2800  }
0xd4: {  	[sflag:s22] =	ssyncset.done $0x0  }
0xd5: {  	s19 =	simm.s32 $0xF0;
	[sflag:s22] =	ssyncadd.s32 $0xFFFFD800  }
0xd6: {  	[tilespmem:s21], [sflag:$0x1] =	stream.indirect.gather [hbm4b:s1+s24], $0x80, s19, s24, $0xb8;
	[tilespmem:$0x1EC00] =	vst v63  }
0xd7: {  	_ =	swait.ge [sflag:s30], $0x2800  }
0xd8: {  	[sflag:s30] =	ssyncset.done $0x0  }
0xd9: {  	s20 =	simm.s32 $0x1480;
	[sflag:s30] =	ssyncadd.s32 $0xFFFFD800  }
0xda: {  	[spmem:s3] =	stream.indirect.scatter.add.f32 [tilespmem:s25], [sflag:$0x4], $0x80, s20, s24, $0xb8;
	[tilespmem:$0x1EC00] =	vst v63  }
0xdb: {  	_ =	swait.ge [sflag:s22], $0x2800  }
0xdc: {  	[sflag:s22] =	ssyncset.done $0x0  }
0xdd: {  	s23 =	simm.s32 $0x140;
	[sflag:s22] =	ssyncadd.s32 $0xFFFFD800  }
0xde: {  	[tilespmem:s25], [sflag:$0x2] =	stream.indirect.gather [hbm4b:s1+s24], $0x80, s23, s24, $0xb8;
	[tilespmem:$0x1EC00] =	vst v63  }
0xdf: {  	_ =	swait.ge [sflag:s31], $0x2800  }
0xe0: {  	[sflag:s31] =	ssyncset.done $0x0  }
0xe1: {  	s26 =	simm.s32 $0x1500;
	[sflag:s31] =	ssyncadd.s32 $0xFFFFD800  }
0xe2: {  	[spmem:s3] =	stream.indirect.scatter.add.f32 [tilespmem:s28], [sflag:$0x4], $0x80, s26, s24, $0xb8;
	[tilespmem:$0x1EC00] =	vst v63  }
0xe3: {  	_ =	swait.ge [sflag:s22], $0x2800  }
0xe4: {  	s18 =	simm.s32 $0x600;
	[sflag:s22] =	ssyncset.done $0x0  }
0xe5: {  	s19 =	simm.s32 $0x280;
	s23 =	simm.s32 $0x190;
	[sflag:s22] =	ssyncadd.s32 $0xFFFFD800  }
.LBB2_4:
0xe6: {  	[tilespmem:s28], [sflag:$0x3] =	stream.indirect.gather [hbm4b:s1+s24], $0x80, s23, s24, $0xb8;
	[tilespmem:$0x1EC00] =	vst v63  }
0xe7: {  	s20 =	smov.u32 s18;
	s23 =	smov.u32 s19  }
0xe8: {  	p0 =	sne.s32 s18, $0x7200;
	s18 =	sadd.s32 $0x600, s18;
	_ =	swait.ge [sflag:s29], $0x2800  }
0xe9: {  	s20 =	sshra.s32 s20, $0x2;
	[sflag:s29] =	ssyncset.done $0x0  }
0xea: {  	s26 =	sadd.s32 $0x1400, s20;
	[sflag:s29] =	ssyncadd.s32 $0xFFFFD800  }
0xeb: {  	[spmem:s3] =	stream.indirect.scatter.add.f32 [tilespmem:s21], [sflag:$0x4], $0x80, s26, s24, $0xb8;
	[tilespmem:$0x1EC00] =	vst v63  }
0xec: {  	_ =	swait.ge [sflag:s22], $0x2800  }
0xed: {  	[sflag:s22] =	ssyncset.done $0x0  }
0xee: {  	s26 =	sadd.s32 $0xFFFFFF60, s19;
	[sflag:s22] =	ssyncadd.s32 $0xFFFFD800  }
0xef: {  	[tilespmem:s21], [sflag:$0x1] =	stream.indirect.gather [hbm4b:s1+s24], $0x80, s26, s24, $0xb8;
	[tilespmem:$0x1EC00] =	vst v63  }
0xf0: {  	_ =	swait.ge [sflag:s30], $0x2800  }
0xf1: {  	[sflag:s30] =	ssyncset.done $0x0  }
0xf2: {  	s26 =	sadd.s32 $0x1480, s20;
	[sflag:s30] =	ssyncadd.s32 $0xFFFFD800  }
0xf3: {  	[spmem:s3] =	stream.indirect.scatter.add.f32 [tilespmem:s25], [sflag:$0x4], $0x80, s26, s24, $0xb8;
	[tilespmem:$0x1EC00] =	vst v63  }
0xf4: {  	_ =	swait.ge [sflag:s22], $0x2800  }
0xf5: {  	[sflag:s22] =	ssyncset.done $0x0  }
0xf6: {  	s26 =	sadd.s32 $0xFFFFFFB0, s19;
	[sflag:s22] =	ssyncadd.s32 $0xFFFFD800  }
0xf7: {  	[tilespmem:s25], [sflag:$0x2] =	stream.indirect.gather [hbm4b:s1+s24], $0x80, s26, s24, $0xb8;
	[tilespmem:$0x1EC00] =	vst v63  }
0xf8: {  	_ =	swait.ge [sflag:s31], $0x2800  }
0xf9: {  	[sflag:s31] =	ssyncset.done $0x0  }
.Ltmp1:
0xfa: {  	s20 =	sadd.s32 $0x1500, s20;
	[sflag:s31] =	ssyncadd.s32 $0xFFFFD800;
	(pc) =	sbr.rel @p0 .LBB2_4-.Ltmp1, $4  }
0xfb: {  	[spmem:s3] =	stream.indirect.scatter.add.f32 [tilespmem:s28], [sflag:$0x4], $0x80, s20, s24, $0xb8;
	[tilespmem:$0x1EC00] =	vst v63  }
0xfc: {  	_ =	swait.ge [sflag:s22], $0x2800  }
0xfd: {  	[sflag:s22] =	ssyncset.done $0x0  }
0xfe: {  	s19 =	sadd.s32 $0xF0, s19;
	[sflag:s22] =	ssyncadd.s32 $0xFFFFD800  }
0xff: {  	[tilespmem:s28], [sflag:$0x3] =	stream.indirect.gather [hbm4b:s1+s24], $0x80, s23, s24, $0xb8;
	[tilespmem:$0x1EC00] =	vst v63  }
0x100: {  	_ =	swait.ge [sflag:s29], $0x2800  }
0x101: {  	[sflag:s29] =	ssyncset.done $0x0  }
0x102: {  	[sflag:s29] =	ssyncadd.s32 $0xFFFFD800  }
0x103: {  	[spmem:s3] =	stream.indirect.scatter.add.f32 [tilespmem:s21], [sflag:$0x4], $0x80, s0, s24, $0xb8;
	[tilespmem:$0x1EC00] =	vst v63  }
0x104: {  	_ =	swait.ge [sflag:s22], $0x2800  }
0x105: {  	[sflag:s22] =	ssyncset.done $0x0  }
0x106: {  	[sflag:s22] =	ssyncadd.s32 $0xFFFFD800  }
0x107: {  	_ =	swait.ge [sflag:s30], $0x2800  }
0x108: {  	[sflag:s30] =	ssyncset.done $0x0  }
0x109: {  	[sflag:s30] =	ssyncadd.s32 $0xFFFFD800  }
0x10a: {  	[spmem:s3] =	stream.indirect.scatter.add.f32 [tilespmem:s25], [sflag:$0x4], $0x80, s2, s24, $0xb8;
	[tilespmem:$0x1EC00] =	vst v63  }
0x10b: {  	_ =	swait.ge [sflag:s22], $0x2800  }
0x10c: {  	[sflag:s22] =	ssyncset.done $0x0  }
0x10d: {  	[sflag:s22] =	ssyncadd.s32 $0xFFFFD800  }
0x10e: {  	_ =	swait.ge [sflag:s31], $0x2800  }
0x10f: {  	[sflag:s31] =	ssyncset.done $0x0  }
0x110: {  	[sflag:s31] =	ssyncadd.s32 $0xFFFFD800  }
0x111: {  	[spmem:s3] =	stream.indirect.scatter.add.f32 [tilespmem:s28], [sflag:$0x4], $0x80, s14, s24, $0xb8;
	[tilespmem:$0x1EC00] =	vst v63  }
0x112: {  	_ =	swait.ge [sflag:s22], $0x2800  }
0x113: {  	[sflag:s22] =	ssyncset.done $0x0  }
0x114: {  	[sflag:s22] =	ssyncadd.s32 $0xFFFFD800  }
0x115: {  	[bflag:$0x0] =	sbarrier.arrive $0xFFFF  }
0x116: {  	s18 =	rddreg [dreg:$0x9]  }
0x117: {  	[hbm:s18], [sflag:s16] =	dma.local [spmem:s17], $0x2800  }
0x118: {  	_ =	swait.ge [sflag:s22], $0x2800  }
0x119: {  	s15 =	sadd.s32 $0x1, s15;
	s26 =	rddreg [dreg:$0xa]  }
0x11a: {  	p0 =	sne.s32 s15, s26  }
.Ltmp2:
0x11b: {  	_ = 	snop;
	(pc) =	sbr.rel @p0 .LBB2_1-.Ltmp2, $4  }
0x11c: {  	[sflag:s22] =	ssyncset.done $0x0  }
0x11d: {  	[sflag:s22] =	ssyncadd.s32 $0xFFFFD800  }
0x11e: {  	[bflag:$0x0] =	sbarrier.arrive $0xFFFF  }
0x11f: {  	s20 =	simm.s32 $0x1400;
	s26 =	simm.s32 $0xA0  }
0x120: {  	_ =	sfence.sel $0x180000  }
0x121: {  	[bflag:$0x0] =	sbarrier.arrive $0xFFFF  }
0x122: {  	_ =	strace $0x90000047  }
0x123: {  	s0 =	stileid.u32;
	[bflag:$0x2] =	sbarrier.arrive $0xFFFF  }
0x124: {  	p0 =	sne.s32 s0, $0x0;
	s0 =	rddreg [dreg:$0x3]  }
0x125: {  	s0 =	sadd.s32 @!p0 $0x100000, s0  }
0x126: {  	[sflag:s0] =	ssyncadd.tile.s32 @!p0 $0x1;
	_ =	shalt  }
.Lfunc_end2:
_tile_overlayer_lowered:
.L_overlay_start_2:
0x127: {  	(tag) =	ssettag $0x2  }
0x128: {  	s0 =	rddreg [dreg:$0x0];
	s2 =	stileid.u32  }
0x129: {  	s1 =	rddreg [dreg:$0x1];
	p0 =	sne.s32 s2, $0x0  }
0x12a: {  	s3 =	rddreg [dreg:$0x2];
	[bflag:$0x3] =	sbarrier.arrive $0xFFFF;
	s2 =	simm.s32 @!p0 $0x1C04  }
0x12b: {  	[timem:s3], [sflag:s2] =	dma.local @!p0 [hbm:s0], s1  }
0x12c: {  	s0 =	simm.s32 @!p0 $0x4  }
0x12d: {  	_ =	swait.ge @!p0 [sflag:s0], s1  }
0x12e: {  	s1 =	ssub.s32 @!p0 $0x0, s1;
	[sflag:s0] =	ssyncset.done @!p0 $0x0  }
0x12f: {  	[sflag:s0] =	ssyncadd.s32 @!p0 s1  }
0x130: {  	[bflag:$0x3] =	sbarrier.arrive $0xFFFF  }
0x131: {  	_ =	shalt  }

// kernel: kernel.9.cloned.1.call-start
scs
__scs_entry_jumppad:
0x0: {  	(pc) =	sbr.rel $0x88, $3  }
0x1: {  	(tag) =	ssettag $0x0;
	lr =	simm.s32 $0x1  }
0x2: {  	[smem:$0x3F97] =	sst lr;
	_ =	strace $0xD0000000  }
0x3: {  	_ = 	snop  }
0x4: {  	_ = 	snop  }
0x5: {  	_ = 	snop  }
0x6: {  	_ = 	snop  }
0x7: {  	_ = 	snop  }
__scs_overlays_trampoline_lowered:
0x8: {  	[smem:$0x3FA6] =	sst s0  }
0x9: {  	[smem:$0x3FA7] =	sst s1  }
0xa: {  	[smem:$0x3FA8] =	sst s2  }
0xb: {  	[smem:$0x3FA9] =	sst s3  }
0xc: {  	[smem:$0x3FAA] =	sst s4  }
0xd: {  	[smem:$0x3FAB] =	sst s5  }
0xe: {  	[smem:$0x3FAC] =	sst s6  }
0xf: {  	[smem:$0x3FAD] =	sst s7  }
0x10: {  	[smem:$0x3FAE] =	sst s8  }
0x11: {  	[smem:$0x3FAF] =	sst s9;
	s0 =	simm.s32 @!p0 $0x0  }
0x12: {  	s1 =	sld [smem:$0x3F95];
	s0 =	simm.s32 @p0 $0x1  }
0x13: {  	[smem:$0x3FB0] =	sst s0;
	s0 =	simm.s32 @!p1 $0x0  }
0x14: {  	s2 =	sld [smem:$0x3F94];
	s0 =	simm.s32 @p1 $0x1  }
0x15: {  	[smem:$0x3FB1] =	sst s0;
	s0 =	simm.s32 @!p2 $0x0  }
0x16: {  	s3 =	sld [smem:$0x3FDB];
	s0 =	simm.s32 @p2 $0x1  }
0x17: {  	s4 =	simm.s32 $0x1BF5;
	[smem:$0x3FB3] =	sst s0  }
0x18: {  	s0 =	sld [smem:$0x3F96];
	_ =	swait.ge [sflag:s4], $0x0  }
0x19: {  	s7 =	sld [smem:$0x3F97]  }
0x1a: {  	s8 =	sadd.s32 $0xFFFFE003, lr  }
0x1b: {  	s9 =	sadd.s32 $0xFFFFFEF7, lr;
	s5 =	simm.s32 $0xFFFFFFFF;
	p2 =	slt.u32 s8, $0xFFFFF086  }
0x1c: {  	p1 =	slt.u32 s9, $0xF7A;
	s5 =	simm.s32 @!p2 $0x0  }
0x1d: {  	s5 =	simm.s32 @p1 $0x1;
	p0 =	seq.s32 s7, s2  }
0x1e: {  	s7 =	smul.u32 @!p0 $0xF7A, s2;
	p2 =	seq.s32 @!p0 s5, $0x0  }
0x1f: {  	s9 =	smul.u32 $0xF7A, s1;
	s8 =	simm.s32 @!p0 $0x1BF5;
	p2 =	por !p2, p0  }
0x20: {  	[sflag:s8] =	ssyncset.s32 @!p0 $0xFFFFF086;
	s6 =	sadd.s32 @!p0 s3, s7;
	s7 =	simm.s32 @!p0 $0x108  }
0x21: {  	s3 =	sadd.s32 s3, s9;
	s6 =	sadd.s32 @!p0 $0x88, s6;
	s7 =	simm.s32 @p2 $0x1082  }
0x22: {  	[simem:s7], [sflag:s8] =	dma.local @!p0 [hbm:s6], $0xF7A  }
0x23: {  	s9 =	sor.u32 $0xD0000000, s2;
	s6 =	simm.s32 $0x108;
	_ =	swait.ge @!p0 [sflag:s8], $0x0  }
0x24: {  	s3 =	sadd.s32 $0x88, s3;
	s6 =	simm.s32 @!p1 $0x1082;
	[sflag:s4] =	ssyncset.s32 $0xFFFFF086  }
0x25: {  	[simem:s6], [sflag:s4] =	dma.local [hbm:s3], $0xF7A  }
0x26: {  	[smem:$0x3F97] =	sst s1;
	(tag) =	ssettag s2;
	_ =	strace s9  }
0x27: {  	s1 =	sld [smem:$0x3FA7]  }
0x28: {  	s2 =	sld [smem:$0x3FA8]  }
0x29: {  	s4 =	sld [smem:$0x3FAA]  }
0x2a: {  	p0 =	seq.s32 s5, $0x0;
	s5 =	sld [smem:$0x3FAB]  }
0x2b: {  	s6 =	sld [smem:$0x3FAC]  }
0x2c: {  	s7 =	sld [smem:$0x3FAD]  }
0x2d: {  	s3 =	simm.s32 $0x108;
	s8 =	sld [smem:$0x3FAE]  }
0x2e: {  	s3 =	simm.s32 @!p0 $0x1082;
	s9 =	sld [smem:$0x3FAF]  }
0x2f: {  	lr =	sadd.s32 s0, s3;
	s0 =	sld [smem:$0x3FA6]  }
0x30: {  	s3 =	sld [smem:$0x3FA9]  }
0x31: {  	[smem:$0x3FB2] =	sst s10  }
0x32: {  	s10 =	sld [smem:$0x3FB0];
	_ =	sdelay $0x3  }
0x33: {  	p0 =	seq.s32 s10, $0x1;
	s10 =	sld [smem:$0x3FB2];
	_ =	sdelay $0x3  }
0x34: {  	[smem:$0x3FB2] =	sst s10  }
0x35: {  	s10 =	sld [smem:$0x3FB1];
	_ =	sdelay $0x3  }
0x36: {  	p1 =	seq.s32 s10, $0x1;
	s10 =	sld [smem:$0x3FB2];
	_ =	sdelay $0x3  }
0x37: {  	[smem:$0x3FB2] =	sst s10  }
0x38: {  	s10 =	sld [smem:$0x3FB3]  }
0x39: {  	_ = 	snop;
	(pc) =	sbr.ind lr, $3  }
0x3a: {  	_ = 	snop  }
0x3b: {  	_ = 	snop  }
0x3c: {  	p2 =	seq.s32 s10, $0x1;
	s10 =	sld [smem:$0x3FB2]  }
0x3d: {  	_ =	shalt  }
0x3e: {  	_ =	shalt  }
0x3f: {  	_ =	shalt  }
0x40: {  	_ =	shalt  }
0x41: {  	_ =	shalt  }
0x42: {  	_ =	shalt  }
0x43: {  	_ =	shalt  }
0x44: {  	_ =	shalt  }
0x45: {  	_ =	shalt  }
0x46: {  	_ =	shalt  }
0x47: {  	_ =	shalt  }
0x48: {  	_ =	shalt  }
0x49: {  	_ =	shalt  }
0x4a: {  	_ =	shalt  }
0x4b: {  	_ =	shalt  }
0x4c: {  	_ =	shalt  }
0x4d: {  	_ =	shalt  }
0x4e: {  	_ =	shalt  }
0x4f: {  	_ =	shalt  }
0x50: {  	_ =	shalt  }
0x51: {  	_ =	shalt  }
0x52: {  	_ =	shalt  }
0x53: {  	_ =	shalt  }
0x54: {  	_ =	shalt  }
0x55: {  	_ =	shalt  }
0x56: {  	_ =	shalt  }
0x57: {  	_ =	shalt  }
0x58: {  	_ =	shalt  }
0x59: {  	_ =	shalt  }
0x5a: {  	_ =	shalt  }
0x5b: {  	_ =	shalt  }
0x5c: {  	_ =	shalt  }
0x5d: {  	_ =	shalt  }
0x5e: {  	_ =	shalt  }
0x5f: {  	_ =	shalt  }
0x60: {  	_ =	shalt  }
0x61: {  	_ =	shalt  }
0x62: {  	_ =	shalt  }
0x63: {  	_ =	shalt  }
0x64: {  	_ =	shalt  }
0x65: {  	_ =	shalt  }
0x66: {  	_ =	shalt  }
0x67: {  	_ =	shalt  }
0x68: {  	_ =	shalt  }
0x69: {  	_ =	shalt  }
0x6a: {  	_ =	shalt  }
0x6b: {  	_ =	shalt  }
0x6c: {  	_ =	shalt  }
0x6d: {  	_ =	shalt  }
0x6e: {  	_ =	shalt  }
0x6f: {  	_ =	shalt  }
0x70: {  	_ =	shalt  }
0x71: {  	_ =	shalt  }
0x72: {  	_ =	shalt  }
0x73: {  	_ =	shalt  }
0x74: {  	_ =	shalt  }
0x75: {  	_ =	shalt  }
0x76: {  	_ =	shalt  }
0x77: {  	_ =	shalt  }
0x78: {  	_ =	shalt  }
0x79: {  	_ =	shalt  }
0x7a: {  	_ =	shalt  }
0x7b: {  	_ =	shalt  }
0x7c: {  	_ =	shalt  }
0x7d: {  	_ =	shalt  }
0x7e: {  	_ =	shalt  }
0x7f: {  	_ =	shalt  }
0x80: {  	_ =	shalt  }
0x81: {  	_ =	shalt  }
0x82: {  	_ =	shalt  }
0x83: {  	_ =	shalt  }
0x84: {  	_ =	shalt  }
0x85: {  	_ =	shalt  }
0x86: {  	_ =	shalt  }
0x87: {  	_ =	shalt  }
.Lfunc_end0:
.L_simem_size_0:
called_computation.1_lowered:
.L_overlay_start_0:
0x88: {  	s2 =	sld [smem:$0x3FD9]  }
0x89: {  	s3 =	sld [smem:$0x3FFE];
	_ =	sdelay $0x1  }
0x8a: {  	s1 =	srdreg.scid  }
0x8b: {  	s0 =	sand.u32 $0x1, s1  }
0x8c: {  	s16 =	sshll.u32 s0, $0xA;
	s2 =	sadd.s32 s3, s2  }
0x8d: {  	s2 =	sadd.s32 s2, s16  }
0x8e: {  	[smem:$0x3FBE] =	sst s2  }
0x8f: {  	_ = 	snop  }
0x90: {  	(tm) =	ssettm $0x1  }
0x91: {  	s17 =	sld [smem:$0x3FFB];
	_ =	sdelay $0x3  }
0x92: {  	_ =	strace s17  }
0x93: {  	s2 =	sld [smem:$0x3FFC];
	_ =	sdelay $0x3  }
0x94: {  	_ =	strace s2  }
0x95: {  	s2 =	sld [smem:$0x3FFD];
	_ =	sdelay $0x3  }
0x96: {  	_ =	strace s2  }
0x97: {  	_ =	strace $0x8FFFFFFF  }
0x98: {  	s18 =	sld [smem:$0x3FDB];
	_ =	sdelay $0x1  }
0x99: {  	s19 =	simm.s32 $_scs_section_size  }
0x9a: {  	s4 =	simm.s32 $_size__tile_overlayer_lowered;
	s5 =	simm.s32 $_tile_overlayer_lowered  }
0x9b: {  	s22 =	simm.s32 $0x1BFF;
	s21 =	sshll.u32 s5, $0x1;
	s2 =	sadd.s32 s19, s18  }
0x9c: {  	s6 =	simm.s32 $0x0;
	s20 =	sshll.u32 s4, $0x1;
	s4 =	sadd.s32 s21, s2  }
0x9d: {  	[timem:s6], [sflag:s22] =	dma.local [hbm:s4], s20  }
0x9e: {  	_ =	swait.ge [sflag:s22], s20  }
0x9f: {  	s3 =	ssub.s32 $0x0, s20;
	[sflag:s22] =	ssyncset.done $0x0  }
0xa0: {  	[sflag:s22] =	ssyncadd.s32 s3;
	_ =	sdelay $0x1  }
0xa1: {  	s23 =	simm.s32 $0x1B8B  }
0xa2: {  	_ =	swait.ge [sflag:s23], $0x1  }
0xa3: {  	[sflag:s23] =	ssyncset.done $0x0  }
0xa4: {  	s25 =	simm.s32 $0x1B8E;
	s24 =	sld [smem:$0x3FFE];
	[sflag:s23] =	ssyncadd.s32 $0xFFFFFFFF  }
0xa5: {  	s26 =	simm.s32 $execute0_lowered;
	[smem:$0x3FD2] =	sst s25  }
0xa6: {  	s4 =	sshll.u32 s26, $0x1;
	_ =	strace $0x80000049;
	[dreg:$0x1] =	wrdreg $0xFFFFFFFF  }
0xa7: {  	s28 =	simm.s32 $_size_execute0_lowered;
	s2 =	sadd.s32 s2, s4;
	[dreg:$0x0] =	wrdreg $0x0  }
0xa8: {  	s4 =	sshll.u32 s28, $0x1;
	[dreg:$0x2] =	wrdreg s2  }
0xa9: {  	[dreg:$0x3] =	wrdreg s4  }
0xaa: {  	[dreg:$0x4] =	wrdreg $0xC0  }
0xab: {  	_ =	task [dreg:s6], $0x5FFFF  }
0xac: {  	[dreg:$0x1] =	wrdreg $0xFFFFFFFF  }
0xad: {  	[dreg:$0x0] =	wrdreg $0x60  }
0xae: {  	[dreg:$0x2] =	wrdreg s24  }
0xaf: {  	[dreg:$0x3] =	wrdreg $0xAC000  }
0xb0: {  	[dreg:$0x4] =	wrdreg $0x9  }
0xb1: {  	_ =	task.clear_ibuf [dreg:s6], $0x5FFFF;
	_ =	strace $0x90000049  }
0xb2: {  	s29 =	simm.s32 $0x9;
	_ =	strace $0x8000004B  }
0xb3: {  	_ =	swait.ge [sflag:s29], $0x1  }
0xb4: {  	[sflag:s29] =	ssyncadd.s32 $0xFFFFFFFF  }
0xb5: {  	_ =	strace $0x9000004B  }
0xb6: {  	_ =	sfence  }
0xb7: {  	s30 =	sld [smem:$0x0];
	_ =	sdelay $0x2  }
0xb8: {  	s31 =	sshll.u32 s1, $0xD;
	s1 =	sshrl.u32 s1, $0x2  }
0xb9: {  	s3 =	sand.u32 $0x4000, s31;
	s1 =	sadd.s32 s1, s30  }
0xba: {  	s0 =	sor.u32 s3, s0;
	s1 =	sshll.u32 s1, $0x11  }
0xbb: {  	s0 =	sor.u32 s1, s0  }
0xbc: {  	s0 =	sadd.s32 $0x8F2B, s0  }
0xbd: {  	[sflag:s0] =	ssyncadd.remote.s32 $0x1  }
0xbe: {  	_ =	sfence.sel $0xFFFF  }
0xbf: {  	[dreg:$0x0] =	wrdreg $0xFFFFFFFF;
	(pc) =	sbr.abs _section_cstart, $3  }
0xc0: {  	[dreg:$0x1] =	wrdreg $0xFFFFFFFF  }
0xc1: {  	_ =	task.clear_ibuf [dreg:s6], $0x2FFFF;
	_ =	strace $0x9FFFFFFF  }
0xc2: {  	(tm) =	ssettm $0x7FFFFFFF  }
0xc3: {  	_ =	shalt  }
tec
execute0_lowered:
.L_overlay_start_1:
0x0: {  	(tag) =	ssettag $0x1  }
0x1: {  	s0 =	rddreg [dreg:$0x0]  }
0x2: {  	s2 =	rddreg [dreg:$0x1];
	s3 =	simm.s32 $0x0  }
0x3: {  	s22 =	stileid.u32;
	s1 =	srdreg.scid;
	s28 =	simm.s32 $0x8400  }
0x4: {  	s29 =	simm.s32 $0x1;
	s30 =	simm.s32 $0x2;
	s31 =	simm.s32 $0x3  }
0x5: {  	[smem:$0x7FF] =	sst s3;
	s5 =	smul.u32 $0x50000, s22;
	s4 =	sadd.s32 $0x1C000, s0  }
0x6: {  	s14 =	sadd.s32 $0x11C00, s0;
	s1 =	sand.u32 $0x1, s1;
	s15 =	sadd.s32 $0x1C00, s0  }
0x7: {  	s18 =	sshll.u32 s22, $0xD;
	s20 =	smul.u32 $0x14000, s22;
	_ =	strace $0x8000004A  }
0x8: {  	s7 =	ssub.s32 $0x2, s1;
	s12 =	sshll.u32 s1, $0x5;
	s13 =	sshll.u32 s1, $0x12  }
0x9: {  	s21 =	smul.u32 $0x280000, s1;
	s1 =	sshllo.u32 s1, $0x1;
	s6 =	sshrl.u32 s5, $0x2  }
0xa: {  	s5 =	sadd.s32 $0x1BA00, s0;
	s8 =	sshrl.u32 s7, $0x1;
	s0 =	sadd.s32 $0x43200, s0  }
0xb: {  	s12 =	sor.u32 s22, s12;
	s19 =	sor.u32 s18, s13;
	s23 =	smul.u32 $0x140000, s1  }
0xc: {  	s6 =	sadd.s32 s6, s2;
	s16 =	ssub.s32 s7, s8;
	s17 =	smul.u32 $0x276, s12  }
0xd: {  	s19 =	sshrl.u32 s19, $0x3;
	s7 =	sadd.s32 $0x2800, s6;
	s8 =	sadd.s32 $0x5000, s6  }
0xe: {  	s9 =	sadd.s32 $0x7800, s6;
	s10 =	sadd.s32 $0xA000, s6;
	s11 =	sadd.s32 $0xC800, s6  }
0xf: {  	s12 =	sadd.s32 $0xF000, s6;
	s13 =	sadd.s32 $0x11800, s6;
	s26 =	sadd.s32 s15, s19  }
0x10: {  	s19 =	sadd.s32 s20, s21;
	s21 =	sshll.u32 s1, $0x4;
	s1 =	sshll.u32 s1, $0x11  }
0x11: {  	s24 =	sadd.s32 s20, s23;
	s20 =	simm.s32 $0x1400;
	s17 =	sadd.s32 s14, s17  }
0x12: {  	[dreg:$0x4] =	wrdreg s26;
	s1 =	sor.u32 s18, s1;
	s25 =	sshrl.u32 s24, $0x3  }
0x13: {  	s26 =	smax.u32 s16, $0x1;
	s24 =	simm.s32 $0x50;
	[dreg:$0x3] =	wrdreg s17  }
0x14: {  	s17 =	sshrl.u32 s19, $0x3;
	s19 =	sor.u32 s22, s21;
	s1 =	sshrl.u32 s1, $0x3  }
0x15: {  	[dreg:$0x9] =	wrdreg s26;
	s21 =	simm.s32 $0x3400;
	s22 =	simm.s32 $0x4  }
0x16: {  	s26 =	simm.s32 $0xA0;
	s19 =	smul.u32 $0x276, s19;
	s17 =	sadd.s32 s0, s17  }
0x17: {  	s1 =	sadd.s32 s15, s1;
	s0 =	sadd.s32 s0, s25;
	[dreg:$0x5] =	wrdreg s17  }
0x18: {  	s25 =	simm.s32 $0x5C00;
	s15 =	simm.s32 $0x0;
	[dreg:$0x7] =	wrdreg s1  }
0x19: {  	[dreg:$0x8] =	wrdreg s0;
	s0 =	simm.s32 $0x3200;
	s14 =	sadd.s32 s14, s19  }
0x1a: {  	s1 =	simm.s32 $0x3280;
	[dreg:$0x6] =	wrdreg s14;
	s14 =	simm.s32 $0x3300  }
.LBB2_1:
0x1b: {  	[tilespmem:s21], [sflag:$0x4] =	stream.linear.gather [hbm4b:s5+s3], $0x2800, $0x38;
	[tilespmem:$0x1EC00] =	vst v63  }
0x1c: {  	_ =	swait.ge [sflag:s22], $0x2800  }
0x1d: {  	[sflag:s22] =	ssyncset.done $0x0  }
0x1e: {  	[sflag:s22] =	ssyncadd.s32 $0xFFFFD800  }
0x1f: {  	[spmem:s6] =	stream.linear.scatter [tilespmem:s21], [sflag:$0x4], $0x2800, $0x38;
	[tilespmem:$0x1EC00] =	vst v63  }
0x20: {  	_ =	swait.ge [sflag:s22], $0x2800  }
0x21: {  	[sflag:s22] =	ssyncset.done $0x0  }
0x22: {  	[sflag:s22] =	ssyncadd.s32 $0xFFFFD800  }
0x23: {  	[spmem:s7] =	stream.linear.scatter [tilespmem:s21], [sflag:$0x4], $0x2800, $0x38;
	[tilespmem:$0x1EC00] =	vst v63  }
0x24: {  	_ =	swait.ge [sflag:s22], $0x2800  }
0x25: {  	[sflag:s22] =	ssyncset.done $0x0  }
0x26: {  	[sflag:s22] =	ssyncadd.s32 $0xFFFFD800  }
0x27: {  	[spmem:s8] =	stream.linear.scatter [tilespmem:s21], [sflag:$0x4], $0x2800, $0x38;
	[tilespmem:$0x1EC00] =	vst v63  }
0x28: {  	_ =	swait.ge [sflag:s22], $0x2800  }
0x29: {  	[sflag:s22] =	ssyncset.done $0x0  }
0x2a: {  	[sflag:s22] =	ssyncadd.s32 $0xFFFFD800  }
0x2b: {  	[spmem:s9] =	stream.linear.scatter [tilespmem:s21], [sflag:$0x4], $0x2800, $0x38;
	[tilespmem:$0x1EC00] =	vst v63  }
0x2c: {  	_ =	swait.ge [sflag:s22], $0x2800  }
0x2d: {  	[sflag:s22] =	ssyncset.done $0x0  }
0x2e: {  	[sflag:s22] =	ssyncadd.s32 $0xFFFFD800  }
0x2f: {  	[spmem:s10] =	stream.linear.scatter [tilespmem:s21], [sflag:$0x4], $0x2800, $0x38;
	[tilespmem:$0x1EC00] =	vst v63  }
0x30: {  	_ =	swait.ge [sflag:s22], $0x2800  }
0x31: {  	[sflag:s22] =	ssyncset.done $0x0  }
0x32: {  	[sflag:s22] =	ssyncadd.s32 $0xFFFFD800  }
0x33: {  	[spmem:s11] =	stream.linear.scatter [tilespmem:s21], [sflag:$0x4], $0x2800, $0x38;
	[tilespmem:$0x1EC00] =	vst v63  }
0x34: {  	_ =	swait.ge [sflag:s22], $0x2800  }
0x35: {  	[sflag:s22] =	ssyncset.done $0x0  }
0x36: {  	[sflag:s22] =	ssyncadd.s32 $0xFFFFD800  }
0x37: {  	[spmem:s12] =	stream.linear.scatter [tilespmem:s21], [sflag:$0x4], $0x2800, $0x38;
	[tilespmem:$0x1EC00] =	vst v63  }
0x38: {  	_ =	swait.ge [sflag:s22], $0x2800  }
0x39: {  	[sflag:s22] =	ssyncset.done $0x0  }
0x3a: {  	[sflag:s22] =	ssyncadd.s32 $0xFFFFD800  }
0x3b: {  	[spmem:s13] =	stream.linear.scatter [tilespmem:s21], [sflag:$0x4], $0x2800, $0x38;
	[tilespmem:$0x1EC00] =	vst v63  }
0x3c: {  	_ =	swait.ge [sflag:s22], $0x2800  }
0x3d: {  	[sflag:s22] =	ssyncset.done $0x0  }
0x3e: {  	[sflag:s22] =	ssyncadd.s32 $0xFFFFD800  }
0x3f: {  	[bflag:$0x0] =	sbarrier.arrive $0xFFFF  }
0x40: {  	s16 =	rddreg [dreg:$0x3]  }
0x41: {  	[tilespmem:s3], [sflag:$0x4] =	stream.linear.gather [hbm4b:s16+s3], $0x13B0, $0x38;
	[tilespmem:$0x1EC00] =	vst v63  }
0x42: {  	_ =	swait.ge [sflag:s22], $0x13B0  }
0x43: {  	[sflag:s22] =	ssyncset.done $0x0  }
0x44: {  	s19 =	rddreg [dreg:$0x4];
	[sflag:s22] =	ssyncadd.s32 $0xFFFFEC50  }
0x45: {  	[tilespmem:s20], [sflag:$0x4] =	stream.linear.gather [hbm4b:s19+s3], $0x1F80, $0x38;
	[tilespmem:$0x1EC00] =	vst v63  }
0x46: {  	_ =	swait.ge [sflag:s22], $0x1F80  }
0x47: {  	[sflag:s22] =	ssyncset.done $0x0  }
0x48: {  	[sflag:s22] =	ssyncadd.s32 $0xFFFFE080  }
0x49: {  	[tilespmem:s21], [sflag:$0x1] =	stream.indirect.gather [hbm4b:s4+s24], $0x80, s3, s24, $0xb8;
	[tilespmem:$0x1EC00] =	vst v63  }
0x4a: {  	_ = 	snop  }
0x4b: {  	[tilespmem:s25], [sflag:$0x2] =	stream.indirect.gather [hbm4b:s4+s24], $0x80, s24, s24, $0xb8;
	[tilespmem:$0x1EC00] =	vst v63  }
0x4c: {  	_ = 	snop  }
0x4d: {  	[tilespmem:s28], [sflag:$0x3] =	stream.indirect.gather [hbm4b:s4+s24], $0x80, s26, s24, $0xb8;
	[tilespmem:$0x1EC00] =	vst v63  }
0x4e: {  	_ =	swait.ge [sflag:s29], $0x2800  }
0x4f: {  	[sflag:s29] =	ssyncset.done $0x0  }
0x50: {  	s23 =	simm.s32 $0x1400;
	[sflag:s29] =	ssyncadd.s32 $0xFFFFD800  }
0x51: {  	[spmem:s2] =	stream.indirect.scatter.add.f32 [tilespmem:s21], [sflag:$0x4], $0x80, s23, s24, $0xb8;
	[tilespmem:$0x1EC00] =	vst v63  }
0x52: {  	_ =	swait.ge [sflag:s22], $0x2800  }
0x53: {  	[sflag:s22] =	ssyncset.done $0x0  }
0x54: {  	s17 =	simm.s32 $0xF0;
	[sflag:s22] =	ssyncadd.s32 $0xFFFFD800  }
0x55: {  	[tilespmem:s21], [sflag:$0x1] =	stream.indirect.gather [hbm4b:s4+s24], $0x80, s17, s24, $0xb8;
	[tilespmem:$0x1EC00] =	vst v63  }
0x56: {  	_ =	swait.ge [sflag:s30], $0x2800  }
0x57: {  	[sflag:s30] =	ssyncset.done $0x0  }
0x58: {  	s18 =	simm.s32 $0x1480;
	[sflag:s30] =	ssyncadd.s32 $0xFFFFD800  }
0x59: {  	[spmem:s2] =	stream.indirect.scatter.add.f32 [tilespmem:s25], [sflag:$0x4], $0x80, s18, s24, $0xb8;
	[tilespmem:$0x1EC00] =	vst v63  }
0x5a: {  	_ =	swait.ge [sflag:s22], $0x2800  }
0x5b: {  	[sflag:s22] =	ssyncset.done $0x0  }
0x5c: {  	s19 =	simm.s32 $0x140;
	[sflag:s22] =	ssyncadd.s32 $0xFFFFD800  }
0x5d: {  	[tilespmem:s25], [sflag:$0x2] =	stream.indirect.gather [hbm4b:s4+s24], $0x80, s19, s24, $0xb8;
	[tilespmem:$0x1EC00] =	vst v63  }
0x5e: {  	_ =	swait.ge [sflag:s31], $0x2800  }
0x5f: {  	[sflag:s31] =	ssyncset.done $0x0  }
0x60: {  	s23 =	simm.s32 $0x1500;
	[sflag:s31] =	ssyncadd.s32 $0xFFFFD800  }
0x61: {  	[spmem:s2] =	stream.indirect.scatter.add.f32 [tilespmem:s28], [sflag:$0x4], $0x80, s23, s24, $0xb8;
	[tilespmem:$0x1EC00] =	vst v63  }
0x62: {  	_ =	swait.ge [sflag:s22], $0x2800  }
0x63: {  	s16 =	simm.s32 $0x190;
	[sflag:s22] =	ssyncset.done $0x0  }
0x64: {  	s17 =	simm.s32 $0x600;
	s18 =	simm.s32 $0x280;
	[sflag:s22] =	ssyncadd.s32 $0xFFFFD800  }
.LBB2_2:
0x65: {  	[tilespmem:s28], [sflag:$0x3] =	stream.indirect.gather [hbm4b:s4+s24], $0x80, s16, s24, $0xb8;
	[tilespmem:$0x1EC00] =	vst v63  }
0x66: {  	s19 =	smov.u32 s17;
	s16 =	smov.u32 s18  }
0x67: {  	p0 =	sne.s32 s17, $0x7200;
	s17 =	sadd.s32 $0x600, s17;
	_ =	swait.ge [sflag:s29], $0x2800  }
0x68: {  	s19 =	sshra.s32 s19, $0x2;
	[sflag:s29] =	ssyncset.done $0x0  }
0x69: {  	s23 =	sadd.s32 $0x1400, s19;
	[sflag:s29] =	ssyncadd.s32 $0xFFFFD800  }
0x6a: {  	[spmem:s2] =	stream.indirect.scatter.add.f32 [tilespmem:s21], [sflag:$0x4], $0x80, s23, s24, $0xb8;
	[tilespmem:$0x1EC00] =	vst v63  }
0x6b: {  	_ =	swait.ge [sflag:s22], $0x2800  }
0x6c: {  	[sflag:s22] =	ssyncset.done $0x0  }
0x6d: {  	s23 =	sadd.s32 $0xFFFFFF60, s18;
	[sflag:s22] =	ssyncadd.s32 $0xFFFFD800  }
0x6e: {  	[tilespmem:s21], [sflag:$0x1] =	stream.indirect.gather [hbm4b:s4+s24], $0x80, s23, s24, $0xb8;
	[tilespmem:$0x1EC00] =	vst v63  }
0x6f: {  	_ =	swait.ge [sflag:s30], $0x2800  }
0x70: {  	[sflag:s30] =	ssyncset.done $0x0  }
0x71: {  	s23 =	sadd.s32 $0x1480, s19;
	[sflag:s30] =	ssyncadd.s32 $0xFFFFD800  }
0x72: {  	[spmem:s2] =	stream.indirect.scatter.add.f32 [tilespmem:s25], [sflag:$0x4], $0x80, s23, s24, $0xb8;
	[tilespmem:$0x1EC00] =	vst v63  }
0x73: {  	_ =	swait.ge [sflag:s22], $0x2800  }
0x74: {  	[sflag:s22] =	ssyncset.done $0x0  }
0x75: {  	s23 =	sadd.s32 $0xFFFFFFB0, s18;
	[sflag:s22] =	ssyncadd.s32 $0xFFFFD800  }
0x76: {  	[tilespmem:s25], [sflag:$0x2] =	stream.indirect.gather [hbm4b:s4+s24], $0x80, s23, s24, $0xb8;
	[tilespmem:$0x1EC00] =	vst v63  }
0x77: {  	_ =	swait.ge [sflag:s31], $0x2800  }
0x78: {  	[sflag:s31] =	ssyncset.done $0x0  }
.Ltmp0:
0x79: {  	s19 =	sadd.s32 $0x1500, s19;
	[sflag:s31] =	ssyncadd.s32 $0xFFFFD800;
	(pc) =	sbr.rel @p0 .LBB2_2-.Ltmp0, $4  }
0x7a: {  	[spmem:s2] =	stream.indirect.scatter.add.f32 [tilespmem:s28], [sflag:$0x4], $0x80, s19, s24, $0xb8;
	[tilespmem:$0x1EC00] =	vst v63  }
0x7b: {  	_ =	swait.ge [sflag:s22], $0x2800  }
0x7c: {  	[sflag:s22] =	ssyncset.done $0x0  }
0x7d: {  	s18 =	sadd.s32 $0xF0, s18;
	[sflag:s22] =	ssyncadd.s32 $0xFFFFD800  }
0x7e: {  	[tilespmem:s28], [sflag:$0x3] =	stream.indirect.gather [hbm4b:s4+s24], $0x80, s16, s24, $0xb8;
	[tilespmem:$0x1EC00] =	vst v63  }
0x7f: {  	_ =	swait.ge [sflag:s29], $0x2800  }
0x80: {  	[sflag:s29] =	ssyncset.done $0x0  }
0x81: {  	[sflag:s29] =	ssyncadd.s32 $0xFFFFD800  }
0x82: {  	[spmem:s2] =	stream.indirect.scatter.add.f32 [tilespmem:s21], [sflag:$0x4], $0x80, s0, s24, $0xb8;
	[tilespmem:$0x1EC00] =	vst v63  }
0x83: {  	_ =	swait.ge [sflag:s22], $0x2800  }
0x84: {  	[sflag:s22] =	ssyncset.done $0x0  }
0x85: {  	[sflag:s22] =	ssyncadd.s32 $0xFFFFD800  }
0x86: {  	_ =	swait.ge [sflag:s30], $0x2800  }
0x87: {  	[sflag:s30] =	ssyncset.done $0x0  }
0x88: {  	[sflag:s30] =	ssyncadd.s32 $0xFFFFD800  }
0x89: {  	[spmem:s2] =	stream.indirect.scatter.add.f32 [tilespmem:s25], [sflag:$0x4], $0x80, s1, s24, $0xb8;
	[tilespmem:$0x1EC00] =	vst v63  }
0x8a: {  	_ =	swait.ge [sflag:s22], $0x2800  }
0x8b: {  	[sflag:s22] =	ssyncset.done $0x0  }
0x8c: {  	[sflag:s22] =	ssyncadd.s32 $0xFFFFD800  }
0x8d: {  	_ =	swait.ge [sflag:s31], $0x2800  }
0x8e: {  	[sflag:s31] =	ssyncset.done $0x0  }
0x8f: {  	[sflag:s31] =	ssyncadd.s32 $0xFFFFD800  }
0x90: {  	[spmem:s2] =	stream.indirect.scatter.add.f32 [tilespmem:s28], [sflag:$0x4], $0x80, s14, s24, $0xb8;
	[tilespmem:$0x1EC00] =	vst v63  }
0x91: {  	_ =	swait.ge [sflag:s22], $0x2800  }
0x92: {  	[sflag:s22] =	ssyncset.done $0x0  }
0x93: {  	s19 =	stileid.u32;
	[sflag:s22] =	ssyncadd.s32 $0xFFFFD800  }
0x94: {  	s16 =	sshll.u32 s19, $0x6;
	[bflag:$0x0] =	sbarrier.arrive $0xFFFF  }
0x95: {  	s17 =	sshrl.u32 s6, $0x3;
	s16 =	sor.u32 $0x1C04, s16;
	s18 =	rddreg [dreg:$0x5]  }
0x96: {  	[hbm:s18], [sflag:s16] =	dma.local [spmem:s17], $0x2800  }
0x97: {  	_ =	swait.ge [sflag:s22], $0x2800  }
0x98: {  	[sflag:s22] =	ssyncset.done $0x0  }
0x99: {  	[sflag:s22] =	ssyncadd.s32 $0xFFFFD800  }
0x9a: {  	s18 =	simm.s32 $0x0;
	[bflag:$0x0] =	sbarrier.arrive $0xFFFF  }
0x9b: {  	[tilespmem:s21], [sflag:$0x4] =	stream.linear.gather [hbm4b:s5+s18], $0x2800, $0x38;
	[tilespmem:$0x1EC00] =	vst v63  }
0x9c: {  	_ =	swait.ge [sflag:s22], $0x2800  }
0x9d: {  	[sflag:s22] =	ssyncset.done $0x0  }
0x9e: {  	[sflag:s22] =	ssyncadd.s32 $0xFFFFD800  }
0x9f: {  	[spmem:s6] =	stream.linear.scatter [tilespmem:s21], [sflag:$0x4], $0x2800, $0x38;
	[tilespmem:$0x1EC00] =	vst v63  }
0xa0: {  	_ =	swait.ge [sflag:s22], $0x2800  }
0xa1: {  	[sflag:s22] =	ssyncset.done $0x0  }
0xa2: {  	[sflag:s22] =	ssyncadd.s32 $0xFFFFD800  }
0xa3: {  	[spmem:s7] =	stream.linear.scatter [tilespmem:s21], [sflag:$0x4], $0x2800, $0x38;
	[tilespmem:$0x1EC00] =	vst v63  }
0xa4: {  	_ =	swait.ge [sflag:s22], $0x2800  }
0xa5: {  	[sflag:s22] =	ssyncset.done $0x0  }
0xa6: {  	[sflag:s22] =	ssyncadd.s32 $0xFFFFD800  }
0xa7: {  	[spmem:s8] =	stream.linear.scatter [tilespmem:s21], [sflag:$0x4], $0x2800, $0x38;
	[tilespmem:$0x1EC00] =	vst v63  }
0xa8: {  	_ =	swait.ge [sflag:s22], $0x2800  }
0xa9: {  	[sflag:s22] =	ssyncset.done $0x0  }
0xaa: {  	[sflag:s22] =	ssyncadd.s32 $0xFFFFD800  }
0xab: {  	[spmem:s9] =	stream.linear.scatter [tilespmem:s21], [sflag:$0x4], $0x2800, $0x38;
	[tilespmem:$0x1EC00] =	vst v63  }
0xac: {  	_ =	swait.ge [sflag:s22], $0x2800  }
0xad: {  	[sflag:s22] =	ssyncset.done $0x0  }
0xae: {  	[sflag:s22] =	ssyncadd.s32 $0xFFFFD800  }
0xaf: {  	[spmem:s10] =	stream.linear.scatter [tilespmem:s21], [sflag:$0x4], $0x2800, $0x38;
	[tilespmem:$0x1EC00] =	vst v63  }
0xb0: {  	_ =	swait.ge [sflag:s22], $0x2800  }
0xb1: {  	[sflag:s22] =	ssyncset.done $0x0  }
0xb2: {  	[sflag:s22] =	ssyncadd.s32 $0xFFFFD800  }
0xb3: {  	[spmem:s11] =	stream.linear.scatter [tilespmem:s21], [sflag:$0x4], $0x2800, $0x38;
	[tilespmem:$0x1EC00] =	vst v63  }
0xb4: {  	_ =	swait.ge [sflag:s22], $0x2800  }
0xb5: {  	[sflag:s22] =	ssyncset.done $0x0  }
0xb6: {  	[sflag:s22] =	ssyncadd.s32 $0xFFFFD800  }
0xb7: {  	[spmem:s12] =	stream.linear.scatter [tilespmem:s21], [sflag:$0x4], $0x2800, $0x38;
	[tilespmem:$0x1EC00] =	vst v63  }
0xb8: {  	_ =	swait.ge [sflag:s22], $0x2800  }
0xb9: {  	[sflag:s22] =	ssyncset.done $0x0  }
0xba: {  	[sflag:s22] =	ssyncadd.s32 $0xFFFFD800  }
0xbb: {  	[spmem:s13] =	stream.linear.scatter [tilespmem:s21], [sflag:$0x4], $0x2800, $0x38;
	[tilespmem:$0x1EC00] =	vst v63  }
0xbc: {  	_ =	swait.ge [sflag:s22], $0x2800  }
0xbd: {  	[sflag:s22] =	ssyncset.done $0x0  }
0xbe: {  	[sflag:s22] =	ssyncadd.s32 $0xFFFFD800  }
0xbf: {  	[bflag:$0x0] =	sbarrier.arrive $0xFFFF  }
0xc0: {  	s19 =	rddreg [dreg:$0x6]  }
0xc1: {  	[tilespmem:s18], [sflag:$0x4] =	stream.linear.gather [hbm4b:s19+s18], $0x13B0, $0x38;
	[tilespmem:$0x1EC00] =	vst v63  }
0xc2: {  	_ =	swait.ge [sflag:s22], $0x13B0  }
0xc3: {  	[sflag:s22] =	ssyncset.done $0x0  }
0xc4: {  	s23 =	rddreg [dreg:$0x7];
	[sflag:s22] =	ssyncadd.s32 $0xFFFFEC50  }
0xc5: {  	[tilespmem:s20], [sflag:$0x4] =	stream.linear.gather [hbm4b:s23+s18], $0x1F80, $0x38;
	[tilespmem:$0x1EC00] =	vst v63  }
0xc6: {  	_ =	swait.ge [sflag:s22], $0x1F80  }
0xc7: {  	[sflag:s22] =	ssyncset.done $0x0  }
0xc8: {  	[sflag:s22] =	ssyncadd.s32 $0xFFFFE080  }
0xc9: {  	[tilespmem:s21], [sflag:$0x1] =	stream.indirect.gather [hbm4b:s4+s24], $0x80, s18, s24, $0xb8;
	[tilespmem:$0x1EC00] =	vst v63  }
0xca: {  	_ = 	snop  }
0xcb: {  	[tilespmem:s25], [sflag:$0x2] =	stream.indirect.gather [hbm4b:s4+s24], $0x80, s24, s24, $0xb8;
	[tilespmem:$0x1EC00] =	vst v63  }
0xcc: {  	_ = 	snop  }
0xcd: {  	[tilespmem:s28], [sflag:$0x3] =	stream.indirect.gather [hbm4b:s4+s24], $0x80, s26, s24, $0xb8;
	[tilespmem:$0x1EC00] =	vst v63  }
0xce: {  	_ =	swait.ge [sflag:s29], $0x2800  }
0xcf: {  	[sflag:s29] =	ssyncset.done $0x0  }
0xd0: {  	s26 =	simm.s32 $0x1400;
	[sflag:s29] =	ssyncadd.s32 $0xFFFFD800  }
0xd1: {  	[spmem:s2] =	stream.indirect.scatter.add.f32 [tilespmem:s21], [sflag:$0x4], $0x80, s26, s24, $0xb8;
	[tilespmem:$0x1EC00] =	vst v63  }
0xd2: {  	_ =	swait.ge [sflag:s22], $0x2800  }
0xd3: {  	[sflag:s22] =	ssyncset.done $0x0  }
0xd4: {  	s19 =	simm.s32 $0xF0;
	[sflag:s22] =	ssyncadd.s32 $0xFFFFD800  }
0xd5: {  	[tilespmem:s21], [sflag:$0x1] =	stream.indirect.gather [hbm4b:s4+s24], $0x80, s19, s24, $0xb8;
	[tilespmem:$0x1EC00] =	vst v63  }
0xd6: {  	_ =	swait.ge [sflag:s30], $0x2800  }
0xd7: {  	[sflag:s30] =	ssyncset.done $0x0  }
0xd8: {  	s20 =	simm.s32 $0x1480;
	[sflag:s30] =	ssyncadd.s32 $0xFFFFD800  }
0xd9: {  	[spmem:s2] =	stream.indirect.scatter.add.f32 [tilespmem:s25], [sflag:$0x4], $0x80, s20, s24, $0xb8;
	[tilespmem:$0x1EC00] =	vst v63  }
0xda: {  	_ =	swait.ge [sflag:s22], $0x2800  }
0xdb: {  	[sflag:s22] =	ssyncset.done $0x0  }
0xdc: {  	s23 =	simm.s32 $0x140;
	[sflag:s22] =	ssyncadd.s32 $0xFFFFD800  }
0xdd: {  	[tilespmem:s25], [sflag:$0x2] =	stream.indirect.gather [hbm4b:s4+s24], $0x80, s23, s24, $0xb8;
	[tilespmem:$0x1EC00] =	vst v63  }
0xde: {  	_ =	swait.ge [sflag:s31], $0x2800  }
0xdf: {  	[sflag:s31] =	ssyncset.done $0x0  }
0xe0: {  	s26 =	simm.s32 $0x1500;
	[sflag:s31] =	ssyncadd.s32 $0xFFFFD800  }
0xe1: {  	[spmem:s2] =	stream.indirect.scatter.add.f32 [tilespmem:s28], [sflag:$0x4], $0x80, s26, s24, $0xb8;
	[tilespmem:$0x1EC00] =	vst v63  }
0xe2: {  	_ =	swait.ge [sflag:s22], $0x2800  }
0xe3: {  	s18 =	simm.s32 $0x600;
	[sflag:s22] =	ssyncset.done $0x0  }
0xe4: {  	s19 =	simm.s32 $0x280;
	s23 =	simm.s32 $0x190;
	[sflag:s22] =	ssyncadd.s32 $0xFFFFD800  }
.LBB2_4:
0xe5: {  	[tilespmem:s28], [sflag:$0x3] =	stream.indirect.gather [hbm4b:s4+s24], $0x80, s23, s24, $0xb8;
	[tilespmem:$0x1EC00] =	vst v63  }
0xe6: {  	s20 =	smov.u32 s18;
	s23 =	smov.u32 s19  }
0xe7: {  	p0 =	sne.s32 s18, $0x7200;
	s18 =	sadd.s32 $0x600, s18;
	_ =	swait.ge [sflag:s29], $0x2800  }
0xe8: {  	s20 =	sshra.s32 s20, $0x2;
	[sflag:s29] =	ssyncset.done $0x0  }
0xe9: {  	s26 =	sadd.s32 $0x1400, s20;
	[sflag:s29] =	ssyncadd.s32 $0xFFFFD800  }
0xea: {  	[spmem:s2] =	stream.indirect.scatter.add.f32 [tilespmem:s21], [sflag:$0x4], $0x80, s26, s24, $0xb8;
	[tilespmem:$0x1EC00] =	vst v63  }
0xeb: {  	_ =	swait.ge [sflag:s22], $0x2800  }
0xec: {  	[sflag:s22] =	ssyncset.done $0x0  }
0xed: {  	s26 =	sadd.s32 $0xFFFFFF60, s19;
	[sflag:s22] =	ssyncadd.s32 $0xFFFFD800  }
0xee: {  	[tilespmem:s21], [sflag:$0x1] =	stream.indirect.gather [hbm4b:s4+s24], $0x80, s26, s24, $0xb8;
	[tilespmem:$0x1EC00] =	vst v63  }
0xef: {  	_ =	swait.ge [sflag:s30], $0x2800  }
0xf0: {  	[sflag:s30] =	ssyncset.done $0x0  }
0xf1: {  	s26 =	sadd.s32 $0x1480, s20;
	[sflag:s30] =	ssyncadd.s32 $0xFFFFD800  }
0xf2: {  	[spmem:s2] =	stream.indirect.scatter.add.f32 [tilespmem:s25], [sflag:$0x4], $0x80, s26, s24, $0xb8;
	[tilespmem:$0x1EC00] =	vst v63  }
0xf3: {  	_ =	swait.ge [sflag:s22], $0x2800  }
0xf4: {  	[sflag:s22] =	ssyncset.done $0x0  }
0xf5: {  	s26 =	sadd.s32 $0xFFFFFFB0, s19;
	[sflag:s22] =	ssyncadd.s32 $0xFFFFD800  }
0xf6: {  	[tilespmem:s25], [sflag:$0x2] =	stream.indirect.gather [hbm4b:s4+s24], $0x80, s26, s24, $0xb8;
	[tilespmem:$0x1EC00] =	vst v63  }
0xf7: {  	_ =	swait.ge [sflag:s31], $0x2800  }
0xf8: {  	[sflag:s31] =	ssyncset.done $0x0  }
.Ltmp1:
0xf9: {  	s20 =	sadd.s32 $0x1500, s20;
	[sflag:s31] =	ssyncadd.s32 $0xFFFFD800;
	(pc) =	sbr.rel @p0 .LBB2_4-.Ltmp1, $4  }
0xfa: {  	[spmem:s2] =	stream.indirect.scatter.add.f32 [tilespmem:s28], [sflag:$0x4], $0x80, s20, s24, $0xb8;
	[tilespmem:$0x1EC00] =	vst v63  }
0xfb: {  	_ =	swait.ge [sflag:s22], $0x2800  }
0xfc: {  	[sflag:s22] =	ssyncset.done $0x0  }
0xfd: {  	s19 =	sadd.s32 $0xF0, s19;
	[sflag:s22] =	ssyncadd.s32 $0xFFFFD800  }
0xfe: {  	[tilespmem:s28], [sflag:$0x3] =	stream.indirect.gather [hbm4b:s4+s24], $0x80, s23, s24, $0xb8;
	[tilespmem:$0x1EC00] =	vst v63  }
0xff: {  	_ =	swait.ge [sflag:s29], $0x2800  }
0x100: {  	[sflag:s29] =	ssyncset.done $0x0  }
0x101: {  	[sflag:s29] =	ssyncadd.s32 $0xFFFFD800  }
0x102: {  	[spmem:s2] =	stream.indirect.scatter.add.f32 [tilespmem:s21], [sflag:$0x4], $0x80, s0, s24, $0xb8;
	[tilespmem:$0x1EC00] =	vst v63  }
0x103: {  	_ =	swait.ge [sflag:s22], $0x2800  }
0x104: {  	[sflag:s22] =	ssyncset.done $0x0  }
0x105: {  	[sflag:s22] =	ssyncadd.s32 $0xFFFFD800  }
0x106: {  	_ =	swait.ge [sflag:s30], $0x2800  }
0x107: {  	[sflag:s30] =	ssyncset.done $0x0  }
0x108: {  	[sflag:s30] =	ssyncadd.s32 $0xFFFFD800  }
0x109: {  	[spmem:s2] =	stream.indirect.scatter.add.f32 [tilespmem:s25], [sflag:$0x4], $0x80, s1, s24, $0xb8;
	[tilespmem:$0x1EC00] =	vst v63  }
0x10a: {  	_ =	swait.ge [sflag:s22], $0x2800  }
0x10b: {  	[sflag:s22] =	ssyncset.done $0x0  }
0x10c: {  	[sflag:s22] =	ssyncadd.s32 $0xFFFFD800  }
0x10d: {  	_ =	swait.ge [sflag:s31], $0x2800  }
0x10e: {  	[sflag:s31] =	ssyncset.done $0x0  }
0x10f: {  	[sflag:s31] =	ssyncadd.s32 $0xFFFFD800  }
0x110: {  	[spmem:s2] =	stream.indirect.scatter.add.f32 [tilespmem:s28], [sflag:$0x4], $0x80, s14, s24, $0xb8;
	[tilespmem:$0x1EC00] =	vst v63  }
0x111: {  	_ =	swait.ge [sflag:s22], $0x2800  }
0x112: {  	[sflag:s22] =	ssyncset.done $0x0  }
0x113: {  	[sflag:s22] =	ssyncadd.s32 $0xFFFFD800  }
0x114: {  	[bflag:$0x0] =	sbarrier.arrive $0xFFFF  }
0x115: {  	s18 =	rddreg [dreg:$0x8]  }
0x116: {  	[hbm:s18], [sflag:s16] =	dma.local [spmem:s17], $0x2800  }
0x117: {  	_ =	swait.ge [sflag:s22], $0x2800  }
0x118: {  	s15 =	sadd.s32 $0x1, s15;
	s26 =	rddreg [dreg:$0x9]  }
0x119: {  	p0 =	sne.s32 s15, s26  }
.Ltmp2:
0x11a: {  	_ = 	snop;
	(pc) =	sbr.rel @p0 .LBB2_1-.Ltmp2, $4  }
0x11b: {  	[sflag:s22] =	ssyncset.done $0x0  }
0x11c: {  	[sflag:s22] =	ssyncadd.s32 $0xFFFFD800  }
0x11d: {  	[bflag:$0x0] =	sbarrier.arrive $0xFFFF  }
0x11e: {  	s20 =	simm.s32 $0x1400;
	s26 =	simm.s32 $0xA0  }
0x11f: {  	_ =	sfence.sel $0x180000  }
0x120: {  	[bflag:$0x0] =	sbarrier.arrive $0xFFFF  }
0x121: {  	_ =	strace $0x9000004A  }
0x122: {  	s0 =	stileid.u32;
	[bflag:$0x2] =	sbarrier.arrive $0xFFFF  }
0x123: {  	p0 =	sne.s32 s0, $0x0;
	s0 =	rddreg [dreg:$0x2]  }
0x124: {  	s0 =	sadd.s32 @!p0 $0x100000, s0  }
0x125: {  	[sflag:s0] =	ssyncadd.tile.s32 @!p0 $0x1;
	_ =	shalt  }
.Lfunc_end2:
_tile_overlayer_lowered:
.L_overlay_start_2:
0x126: {  	(tag) =	ssettag $0x2  }
0x127: {  	s0 =	rddreg [dreg:$0x0];
	s2 =	stileid.u32  }
0x128: {  	s1 =	rddreg [dreg:$0x1];
	p0 =	sne.s32 s2, $0x0  }
0x129: {  	s3 =	rddreg [dreg:$0x2];
	[bflag:$0x3] =	sbarrier.arrive $0xFFFF;
	s2 =	simm.s32 @!p0 $0x1C04  }
0x12a: {  	[timem:s3], [sflag:s2] =	dma.local @!p0 [hbm:s0], s1  }
0x12b: {  	s0 =	simm.s32 @!p0 $0x4  }
0x12c: {  	_ =	swait.ge @!p0 [sflag:s0], s1  }
0x12d: {  	s1 =	ssub.s32 @!p0 $0x0, s1;
	[sflag:s0] =	ssyncset.done @!p0 $0x0  }
0x12e: {  	[sflag:s0] =	ssyncadd.s32 @!p0 s1  }
0x12f: {  	[bflag:$0x3] =	sbarrier.arrive $0xFFFF  }
0x130: {  	_ =	shalt  }

</sc_bundles>
